<compile_context>
chip_gen: v7x
topology: tpu7x:2x2x1
jax: 0.10.2.dev20260603
libtpu: 0.0.44.dev20260713+nightly
codegen_flags: <defaults>
</compile_context>

<pallas_src>
import dataclasses
import functools

import jax
import jax.numpy as jnp
from jax import lax
from jax.experimental import pallas as pl
from jax.experimental.pallas import tpu as pltpu
from jax.experimental.pallas import tpu_sc as plsc

N = 10000
E = 160000
D = 256
DH = 128
NPAD = 10112
CHUNK = 128
CPT = 80
EPAD = 16 * CPT * CHUNK
ROWS_PER_TILE = NPAD // 16
BM = 512
GRID_M = (N + BM - 1) // BM

_mesh = plsc.VectorSubcoreMesh(core_axis_name="c", subcore_axis_name="s")
_f32 = jnp.float32

_sc_params = pltpu.CompilerParams()
if "needs_layout_passes" in pltpu.CompilerParams.__dataclass_fields__:
    _sc_params = dataclasses.replace(_sc_params, needs_layout_passes=False)



def _deg_pass(dst_d):
    vecs = EPAD // 32 // 16

    @functools.partial(
        pl.kernel,
        out_type=jax.ShapeDtypeStruct((32, NPAD), _f32),
        mesh=_mesh,
        compiler_params=_sc_params,
        scratch_types=[
            pltpu.VMEM((vecs, 16), jnp.int32),
            pltpu.VMEM((NPAD,), _f32),
            pltpu.SemaphoreType.DMA,
        ],
    )
    def k(dst_hbm, deg_hbm, dst_v, hist, sem):
        c = lax.axis_index("c")
        s = lax.axis_index("s")
        w = s * 2 + c
        pltpu.sync_copy(dst_hbm.at[w], dst_v)
        zero = jnp.zeros((16,), _f32)

        @pl.loop(0, NPAD, step=16)
        def _(i):
            hist[pl.ds(i, 16)] = zero

        ones = jnp.ones((16,), _f32)

        @pl.loop(0, vecs)
        def _(j):
            plsc.addupdate_scatter(hist, [dst_v[j]], ones)

        pltpu.sync_copy(hist, deg_hbm.at[w])

    return k(dst_d)


def _edge_pass(hsA, hsB, src_e, dst_e, zeros128):

    @functools.partial(
        pl.kernel,
        out_type=[jax.ShapeDtypeStruct((NPAD, DH), _f32)] * 2,
        mesh=_mesh,
        scratch_types=[
            pltpu.VMEM((2, CHUNK), jnp.int32),
            pltpu.VMEM((CPT, CHUNK), jnp.int32),
            pltpu.VMEM((CHUNK, DH), _f32),
            pltpu.VMEM((CHUNK, DH), _f32),
            pltpu.VMEM_SHARED((NPAD, DH), _f32),
            pltpu.SemaphoreType.DMA,
            pltpu.SemaphoreType.DMA,
            pltpu.SemaphoreType.DMA,
            pltpu.SemaphoreType.DMA,
            pltpu.SemaphoreType.DMA,
            pltpu.SemaphoreType.DMA,
        ],
    )
    def k(hsA_hbm, hsB_hbm, src_hbm, dst_hbm, z_hbm, outA_hbm, outB_hbm,
          ring, dst_v, buf0, buf1, acc, g0, g1, s0, s1, q0, q1):
        c = lax.axis_index("c")
        s = lax.axis_index("s")
        r0 = s * ROWS_PER_TILE
        pltpu.sync_copy(z_hbm.at[pl.ds(r0, ROWS_PER_TILE)],
                        acc.at[pl.ds(r0, ROWS_PER_TILE)])
        pltpu.sync_copy(dst_hbm.at[s], dst_v)
        plsc.subcore_barrier()
        gsem = [g0, g1]
        ssem = [s0, s1]
        isem = [q0, q1]
        bufs = [buf0, buf1]

        def work(hs_hbm):
            def fire_idx(q, b):
                pltpu.async_copy(src_hbm.at[s, q], ring.at[b], isem[b])

            def wait_idx(q, b):
                pltpu.make_async_copy(src_hbm.at[s, q], ring.at[b],
                                      isem[b]).wait()

            def fire_g(b):
                pltpu.async_copy(hs_hbm.at[ring.at[b]], bufs[b], gsem[b])

            def wait_g(b):
                pltpu.make_async_copy(hs_hbm.at[ring.at[b]], bufs[b],
                                      gsem[b]).wait()

            def fire_s(m, b):
                pltpu.async_copy(bufs[b], acc.at[dst_v.at[m]], ssem[b],
                                 add=True)

            def wait_s(m, b):
                pltpu.make_async_copy(bufs[b], acc.at[dst_v.at[m]],
                                      ssem[b]).wait()

            def sub(m, b, first=False, fire_next=True):
                wait_g(b)
                fire_idx(m + 2, b)
                fire_s(m, b)
                if not first:
                    wait_s(m - 1, 1 - b)
                if fire_next:
                    wait_idx(m + 1, 1 - b)
                    fire_g(1 - b)

            fire_idx(0, 0)
            fire_idx(1, 1)
            wait_idx(0, 0)
            fire_g(0)
            sub(0, 0, first=True)

            @pl.loop(1, CPT - 1, step=2)
            def _(j):
                sub(j, 1)
                sub(j + 1, 0)

            sub(CPT - 1, 1, fire_next=False)
            wait_s(CPT - 1, 1)
            wait_idx(CPT, 0)
            wait_idx(CPT + 1, 1)

        @pl.when(c == 0)
        def _():
            work(hsA_hbm)

        @pl.when(c == 1)
        def _():
            work(hsB_hbm)

        plsc.subcore_barrier()

        @pl.when(c == 0)
        def _():
            pltpu.sync_copy(acc.at[pl.ds(r0, ROWS_PER_TILE)],
                            outA_hbm.at[pl.ds(r0, ROWS_PER_TILE)])

        @pl.when(c == 1)
        def _():
            pltpu.sync_copy(acc.at[pl.ds(r0, ROWS_PER_TILE)],
                            outB_hbm.at[pl.ds(r0, ROWS_PER_TILE)])

    return k(hsA, hsB, src_e, dst_e, zeros128)



def _dis_of(deg_ref):
    d = jnp.sum(deg_ref[...], axis=0) + 1.0
    return lax.rsqrt(d)[:, None]


def _mm_scale_body(deg_ref, x_ref, w_ref, h_ref, hsA_ref, hsB_ref):
    dis = _dis_of(deg_ref)
    h = jnp.dot(x_ref[...], w_ref[...], preferred_element_type=_f32)
    h_ref[...] = h
    hs = h * dis
    hsA_ref[...] = hs[:, :DH]
    hsB_ref[...] = hs[:, DH:]


def _mm_scale(deg, x, W):
    return pl.pallas_call(
        _mm_scale_body,
        grid=(GRID_M,),
        in_specs=[pl.BlockSpec((32, BM), lambda i: (0, i)),
                  pl.BlockSpec((BM, D), lambda i: (i, 0)),
                  pl.BlockSpec((D, D), lambda i: (0, 0))],
        out_specs=[pl.BlockSpec((BM, D), lambda i: (i, 0)),
                   pl.BlockSpec((BM, DH), lambda i: (i, 0)),
                   pl.BlockSpec((BM, DH), lambda i: (i, 0))],
        out_shape=[jax.ShapeDtypeStruct((N, D), _f32),
                   jax.ShapeDtypeStruct((N, DH), _f32),
                   jax.ShapeDtypeStruct((N, DH), _f32)],
    )(deg, x, W)


def _mid_body(deg_ref, accA_ref, accB_ref, h1_ref, b1_ref, w2_ref,
              h2_ref, hsA_ref, hsB_ref):
    dis = _dis_of(deg_ref)
    acc = jnp.concatenate([accA_ref[...], accB_ref[...]], axis=1)
    y = jnp.maximum(dis * acc + (dis * dis) * h1_ref[...] + b1_ref[...], 0.0)
    h2 = jnp.dot(y, w2_ref[...], preferred_element_type=_f32)
    h2_ref[...] = h2
    hs2 = h2 * dis
    hsA_ref[...] = hs2[:, :DH]
    hsB_ref[...] = hs2[:, DH:]


def _mid(deg, accA, accB, h1, b1r, W2):
    return pl.pallas_call(
        _mid_body,
        grid=(GRID_M,),
        in_specs=[pl.BlockSpec((32, BM), lambda i: (0, i)),
                  pl.BlockSpec((BM, DH), lambda i: (i, 0)),
                  pl.BlockSpec((BM, DH), lambda i: (i, 0)),
                  pl.BlockSpec((BM, D), lambda i: (i, 0)),
                  pl.BlockSpec((1, D), lambda i: (0, 0)),
                  pl.BlockSpec((D, D), lambda i: (0, 0))],
        out_specs=[pl.BlockSpec((BM, D), lambda i: (i, 0)),
                   pl.BlockSpec((BM, DH), lambda i: (i, 0)),
                   pl.BlockSpec((BM, DH), lambda i: (i, 0))],
        out_shape=[jax.ShapeDtypeStruct((N, D), _f32),
                   jax.ShapeDtypeStruct((N, DH), _f32),
                   jax.ShapeDtypeStruct((N, DH), _f32)],
    )(deg, accA, accB, h1, b1r, W2)


def _final_body(deg_ref, accA_ref, accB_ref, h_ref, b_ref, o_ref):
    dis = _dis_of(deg_ref)
    acc = jnp.concatenate([accA_ref[...], accB_ref[...]], axis=1)
    o_ref[...] = jnp.maximum(
        dis * acc + (dis * dis) * h_ref[...] + b_ref[...], 0.0)


def _final(deg, accA, accB, h, b2r):
    return pl.pallas_call(
        _final_body,
        grid=(GRID_M,),
        in_specs=[pl.BlockSpec((32, BM), lambda i: (0, i)),
                  pl.BlockSpec((BM, DH), lambda i: (i, 0)),
                  pl.BlockSpec((BM, DH), lambda i: (i, 0)),
                  pl.BlockSpec((BM, D), lambda i: (i, 0)),
                  pl.BlockSpec((1, D), lambda i: (0, 0))],
        out_specs=pl.BlockSpec((BM, D), lambda i: (i, 0)),
        out_shape=jax.ShapeDtypeStruct((N, D), _f32),
    )(deg, accA, accB, h, b2r)



def kernel(x_1, edge_index_1, W1, b1, W2, b2):
    src = edge_index_1[0].astype(jnp.int32)
    dst = edge_index_1[1].astype(jnp.int32)
    pad = EPAD - E
    src_p = jnp.concatenate([src, jnp.zeros((pad,), jnp.int32)])
    dst_p = jnp.concatenate([dst, jnp.full((pad,), N, jnp.int32)])
    src_e = jnp.concatenate(
        [src_p.reshape(16, CPT, CHUNK),
         jnp.zeros((16, 2, CHUNK), jnp.int32)], axis=1)
    dst_e = dst_p.reshape(16, CPT, CHUNK)
    dst_d = dst_p.reshape(32, EPAD // 32 // 16, 16)
    zeros128 = jnp.zeros((NPAD, DH), _f32)
    b1r = b1[None, :]
    b2r = b2[None, :]

    deg = _deg_pass(dst_d)
    h1, hs1A, hs1B = _mm_scale(deg, x_1, W1)
    acc1A, acc1B = _edge_pass(hs1A, hs1B, src_e, dst_e, zeros128)
    h2, hs2A, hs2B = _mid(deg, acc1A, acc1B, h1, b1r, W2)
    acc2A, acc2B = _edge_pass(hs2A, hs2B, src_e, dst_e, zeros128)
    return _final(deg, acc2A, acc2B, h2, b2r)

# --- scband reference (transcript-rebuilt; emitter-appended) ---
"""Pipeline reference for scband-gcn-70102456205390 (READ-ONLY COPY).

The authoritative reference and input builder live on the scoring server;
editing this copy changes nothing except your own understanding.
"""

import jax, jax.numpy as jnp
import numpy as np

N_NODES = 10000
N_EDGES = 160000
D_IN = 256
D_HID = 256
D_OUT = 256


def gcn_conv(x, edge_index, W, b, num_nodes):
    # PyG GCNConv: add self-loops, symmetric normalization, sum aggregation, bias
    src = edge_index[0]
    dst = edge_index[1]
    loop = jnp.arange(num_nodes, dtype=src.dtype)
    src = jnp.concatenate([src, loop])
    dst = jnp.concatenate([dst, loop])
    w = jnp.ones(src.shape[0], dtype=x.dtype)
    deg = jnp.zeros((num_nodes,), dtype=x.dtype).at[dst].add(w)
    deg_inv_sqrt = jnp.where(deg > 0, jax.lax.rsqrt(jnp.maximum(deg, 1e-12)), 0.0)
    norm = deg_inv_sqrt[src] * w * deg_inv_sqrt[dst]
    h = x @ W
    msg = h[src] * norm[:, None]
    out = jnp.zeros((num_nodes, h.shape[1]), dtype=x.dtype).at[dst].add(msg)
    return out + b


def setup_inputs(seed: int = 0) -> dict:
    key = jax.random.key(seed)
    k1, k2, k3, k4, k5, k6 = jax.random.split(key, 6)
    x_1 = jax.random.normal(k1, (N_NODES, D_IN), dtype=jnp.float32)
    edge_index_1 = jax.random.randint(k2, (2, N_EDGES), 0, N_NODES, dtype=jnp.int64)
    s1 = 1.0 / np.sqrt(D_IN)
    s2 = 1.0 / np.sqrt(D_HID)
    W1 = jax.random.uniform(k3, (D_IN, D_HID), dtype=jnp.float32, minval=-s1, maxval=s1)
    b1 = jax.random.uniform(k4, (D_HID,), dtype=jnp.float32, minval=-s1, maxval=s1)
    W2 = jax.random.uniform(k5, (D_HID, D_OUT), dtype=jnp.float32, minval=-s2, maxval=s2)
    b2 = jax.random.uniform(k6, (D_OUT,), dtype=jnp.float32, minval=-s2, maxval=s2)
    return {"x_1": x_1, "edge_index_1": edge_index_1, "W1": W1, "b1": b1, "W2": W2, "b2": b2}


def reference(x_1, edge_index_1, W1, b1, W2, b2):
    num_nodes = x_1.shape[0]
    syn = gcn_conv(x_1, edge_index_1, W1, b1, num_nodes)
    syn = jax.nn.relu(syn)
    # dropout p=0.0 -> identity
    syn = gcn_conv(syn, edge_index_1, W2, b2, num_nodes)
    syn = jax.nn.relu(syn)
    return syn

if __name__ == "__main__":
    import jax
    _d = setup_inputs()
    print(jax.jit(kernel)(*tuple(_d.values())))

</pallas_src>

<mosaic_0001>
#map = affine_map<(d0, d1) -> (0, 0)>
#map1 = affine_map<(d0, d1) -> (0, 0, 0)>
module attributes {stable_mosaic.version = 14 : i64} {
  func.func @k(%arg0: i32, %arg1: i32, %arg2: memref<10000x128xf32, #tpu.memory_space<hbm>>, %arg3: memref<10000x128xf32, #tpu.memory_space<hbm>>, %arg4: memref<16x82x128xi32, #tpu.memory_space<hbm>>, %arg5: memref<16x80x128xi32, #tpu.memory_space<hbm>>, %arg6: memref<10112x128xf32, #tpu.memory_space<hbm>>, %arg7: memref<10112x128xf32, #tpu.memory_space<hbm>>, %arg8: memref<10112x128xf32, #tpu.memory_space<hbm>>, %arg9: memref<2x128xi32, #tpu.memory_space<vmem>>, %arg10: memref<80x128xi32, #tpu.memory_space<vmem>>, %arg11: memref<128x128xf32, #tpu.memory_space<vmem>>, %arg12: memref<128x128xf32, #tpu.memory_space<vmem>>, %arg13: memref<10112x128xf32, #tpu.memory_space<vmem_shared>>, %arg14: memref<!tpu.dma_semaphore, #tpu.memory_space<semaphore_mem>>, %arg15: memref<!tpu.dma_semaphore, #tpu.memory_space<semaphore_mem>>, %arg16: memref<!tpu.dma_semaphore, #tpu.memory_space<semaphore_mem>>, %arg17: memref<!tpu.dma_semaphore, #tpu.memory_space<semaphore_mem>>, %arg18: memref<!tpu.dma_semaphore, #tpu.memory_space<semaphore_mem>>, %arg19: memref<!tpu.dma_semaphore, #tpu.memory_space<semaphore_mem>>) attributes {dimension_semantics = [#tpu.dimension_semantics<core_parallel>, #tpu.dimension_semantics<subcore_parallel>], iteration_bounds = array<i64: 2, 16>, scalar_prefetch = 0 : i64, scratch_operands = 11 : i64, tpu.core_type = #tpu.core_type<sc_vector_subcore>, window_params = [{transform_indices = #map}, {transform_indices = #map}, {transform_indices = #map1}, {transform_indices = #map1}, {transform_indices = #map}, {transform_indices = #map}, {transform_indices = #map}]} {
    %mul3A = arith.constant 632 : i32
    %mul3A_0 = arith.muli %arg1, %mul3A : i32
    "tpu.region"() ({
      %run_scoped3A = tpu.sem_alloc : memref<!tpu.dma_semaphore, #tpu.memory_space<semaphore_mem>>
      %dma_start3A = arith.constant 0 : i32
      %dma_start3A_19 = tpu.memref_slice %arg13[%mul3A_0, %dma_start3A] : memref<10112x128xf32, #tpu.memory_space<vmem_shared>> -> memref<632x128xf32, #tpu.memory_space<vmem_shared>>
      %dma_start3A_20 = arith.constant 0 : i32
      %dma_start3A_21 = tpu.memref_slice %arg6[%mul3A_0, %dma_start3A_20] : memref<10112x128xf32, #tpu.memory_space<hbm>> -> memref<632x128xf32, #tpu.memory_space<hbm>>
      tpu.enqueue_dma source(%dma_start3A_21 : memref<632x128xf32, #tpu.memory_space<hbm>>) target(%dma_start3A_19 : memref<632x128xf32, #tpu.memory_space<vmem_shared>>) target_semaphore(%run_scoped3A : memref<!tpu.dma_semaphore, #tpu.memory_space<semaphore_mem>>)
      %dma_wait3A = arith.constant 0 : i32
      %dma_wait3A_22 = tpu.memref_slice %arg13[%mul3A_0, %dma_wait3A] : memref<10112x128xf32, #tpu.memory_space<vmem_shared>> -> memref<632x128xf32, #tpu.memory_space<vmem_shared>>
      %dma_wait3A_23 = arith.constant 0 : i32
      %dma_wait3A_24 = tpu.memref_slice %arg6[%mul3A_0, %dma_wait3A_23] : memref<10112x128xf32, #tpu.memory_space<hbm>> -> memref<632x128xf32, #tpu.memory_space<hbm>>
      tpu.wait_dma2 semaphore(%run_scoped3A : memref<!tpu.dma_semaphore, #tpu.memory_space<semaphore_mem>>) src(%dma_wait3A_24 : memref<632x128xf32, #tpu.memory_space<hbm>>) dst(%dma_wait3A_22 : memref<632x128xf32, #tpu.memory_space<vmem_shared>>)
      tpu.yield
    }) : () -> ()
    "tpu.region"() ({
      %run_scoped3A = tpu.sem_alloc : memref<!tpu.dma_semaphore, #tpu.memory_space<semaphore_mem>>
      %dma_start3A = arith.constant 0 : i32
      %dma_start3A_19 = arith.constant 0 : i32
      %dma_start3A_20 = tpu.memref_slice %arg5[%arg1, %dma_start3A, %dma_start3A_19] : memref<16x80x128xi32, #tpu.memory_space<hbm>> -> memref<1x80x128xi32, #tpu.memory_space<hbm>>
      %dma_start3A_21 = tpu.memref_squeeze %dma_start3A_20 : memref<1x80x128xi32, #tpu.memory_space<hbm>> -> memref<80x128xi32, #tpu.memory_space<hbm>>
      %dma_start3A_22 = arith.constant 0 : i32
      %dma_start3A_23 = arith.constant 0 : i32
      %dma_start3A_24 = tpu.memref_slice %arg5[%arg1, %dma_start3A_22, %dma_start3A_23] : memref<16x80x128xi32, #tpu.memory_space<hbm>> -> memref<1x80x128xi32, #tpu.memory_space<hbm>>
      %dma_start3A_25 = tpu.memref_squeeze %dma_start3A_24 : memref<1x80x128xi32, #tpu.memory_space<hbm>> -> memref<80x128xi32, #tpu.memory_space<hbm>>
      tpu.enqueue_dma source(%dma_start3A_25 : memref<80x128xi32, #tpu.memory_space<hbm>>) target(%arg10 : memref<80x128xi32, #tpu.memory_space<vmem>>) target_semaphore(%run_scoped3A : memref<!tpu.dma_semaphore, #tpu.memory_space<semaphore_mem>>)
      %dma_wait3A = arith.constant 0 : i32
      %dma_wait3A_26 = arith.constant 0 : i32
      %dma_wait3A_27 = tpu.memref_slice %arg5[%arg1, %dma_wait3A, %dma_wait3A_26] : memref<16x80x128xi32, #tpu.memory_space<hbm>> -> memref<1x80x128xi32, #tpu.memory_space<hbm>>
      %dma_wait3A_28 = tpu.memref_squeeze %dma_wait3A_27 : memref<1x80x128xi32, #tpu.memory_space<hbm>> -> memref<80x128xi32, #tpu.memory_space<hbm>>
      %dma_wait3A_29 = arith.constant 0 : i32
      %dma_wait3A_30 = arith.constant 0 : i32
      %dma_wait3A_31 = tpu.memref_slice %arg5[%arg1, %dma_wait3A_29, %dma_wait3A_30] : memref<16x80x128xi32, #tpu.memory_space<hbm>> -> memref<1x80x128xi32, #tpu.memory_space<hbm>>
      %dma_wait3A_32 = tpu.memref_squeeze %dma_wait3A_31 : memref<1x80x128xi32, #tpu.memory_space<hbm>> -> memref<80x128xi32, #tpu.memory_space<hbm>>
      tpu.wait_dma2 semaphore(%run_scoped3A : memref<!tpu.dma_semaphore, #tpu.memory_space<semaphore_mem>>) src(%dma_wait3A_32 : memref<80x128xi32, #tpu.memory_space<hbm>>) dst(%arg10 : memref<80x128xi32, #tpu.memory_space<vmem>>)
      tpu.yield
    }) : () -> ()
    %barrier3A = arith.constant 0 : index
    tpu.barrier barrier_id(%barrier3A)
    %eq3A = arith.constant 0 : i32
    %eq3A_1 = arith.cmpi eq, %arg0, %eq3A : i32
    %convert_element_type3A = arith.extui %eq3A_1 : i1 to i32
    %cond3A = arith.constant 0 : i32
    %cond3A_2 = arith.cmpi ne, %convert_element_type3A, %cond3A : i32
    scf.if %cond3A_2 {
      %dma_start3A = arith.constant 0 : i32
      %dma_start3A_19 = arith.constant 0 : i32
      %dma_start3A_20 = arith.constant 0 : i32
      %dma_start3A_21 = tpu.memref_slice %arg9[%dma_start3A_19, %dma_start3A_20] : memref<2x128xi32, #tpu.memory_space<vmem>> -> memref<1x128xi32, #tpu.memory_space<vmem>>
      %dma_start3A_22 = tpu.memref_squeeze %dma_start3A_21 : memref<1x128xi32, #tpu.memory_space<vmem>> -> memref<128xi32, #tpu.memory_space<vmem>>
      %dma_start3A_23 = arith.constant 0 : i32
      %dma_start3A_24 = tpu.memref_slice %arg4[%arg1, %dma_start3A, %dma_start3A_23] : memref<16x82x128xi32, #tpu.memory_space<hbm>> -> memref<1x1x128xi32, #tpu.memory_space<hbm>>
      %dma_start3A_25 = tpu.memref_squeeze %dma_start3A_24 : memref<1x1x128xi32, #tpu.memory_space<hbm>> -> memref<128xi32, #tpu.memory_space<hbm>>
      %dma_start3A_26 = arith.constant 0 : i32
      %dma_start3A_27 = tpu.memref_slice %arg9[%dma_start3A_19, %dma_start3A_26] : memref<2x128xi32, #tpu.memory_space<vmem>> -> memref<1x128xi32, #tpu.memory_space<vmem>>
      %dma_start3A_28 = tpu.memref_squeeze %dma_start3A_27 : memref<1x128xi32, #tpu.memory_space<vmem>> -> memref<128xi32, #tpu.memory_space<vmem>>
      %dma_start3A_29 = arith.constant 0 : i32
      %dma_start3A_30 = tpu.memref_slice %arg4[%arg1, %dma_start3A, %dma_start3A_29] : memref<16x82x128xi32, #tpu.memory_space<hbm>> -> memref<1x1x128xi32, #tpu.memory_space<hbm>>
      %dma_start3A_31 = tpu.memref_squeeze %dma_start3A_30 : memref<1x1x128xi32, #tpu.memory_space<hbm>> -> memref<128xi32, #tpu.memory_space<hbm>>
      tpu.enqueue_dma source(%dma_start3A_31 : memref<128xi32, #tpu.memory_space<hbm>>) target(%dma_start3A_28 : memref<128xi32, #tpu.memory_space<vmem>>) target_semaphore(%arg18 : memref<!tpu.dma_semaphore, #tpu.memory_space<semaphore_mem>>)
      %dma_start3A_32 = arith.constant 1 : i32
      %dma_start3A_33 = arith.constant 1 : i32
      %dma_start3A_34 = arith.constant 0 : i32
      %dma_start3A_35 = tpu.memref_slice %arg9[%dma_start3A_33, %dma_start3A_34] : memref<2x128xi32, #tpu.memory_space<vmem>> -> memref<1x128xi32, #tpu.memory_space<vmem>>
      %dma_start3A_36 = tpu.memref_squeeze %dma_start3A_35 : memref<1x128xi32, #tpu.memory_space<vmem>> -> memref<128xi32, #tpu.memory_space<vmem>>
      %dma_start3A_37 = arith.constant 0 : i32
      %dma_start3A_38 = tpu.memref_slice %arg4[%arg1, %dma_start3A_32, %dma_start3A_37] : memref<16x82x128xi32, #tpu.memory_space<hbm>> -> memref<1x1x128xi32, #tpu.memory_space<hbm>>
      %dma_start3A_39 = tpu.memref_squeeze %dma_start3A_38 : memref<1x1x128xi32, #tpu.memory_space<hbm>> -> memref<128xi32, #tpu.memory_space<hbm>>
      %dma_start3A_40 = arith.constant 0 : i32
      %dma_start3A_41 = tpu.memref_slice %arg9[%dma_start3A_33, %dma_start3A_40] : memref<2x128xi32, #tpu.memory_space<vmem>> -> memref<1x128xi32, #tpu.memory_space<vmem>>
      %dma_start3A_42 = tpu.memref_squeeze %dma_start3A_41 : memref<1x128xi32, #tpu.memory_space<vmem>> -> memref<128xi32, #tpu.memory_space<vmem>>
      %dma_start3A_43 = arith.constant 0 : i32
      %dma_start3A_44 = tpu.memref_slice %arg4[%arg1, %dma_start3A_32, %dma_start3A_43] : memref<16x82x128xi32, #tpu.memory_space<hbm>> -> memref<1x1x128xi32, #tpu.memory_space<hbm>>
      %dma_start3A_45 = tpu.memref_squeeze %dma_start3A_44 : memref<1x1x128xi32, #tpu.memory_space<hbm>> -> memref<128xi32, #tpu.memory_space<hbm>>
      tpu.enqueue_dma source(%dma_start3A_45 : memref<128xi32, #tpu.memory_space<hbm>>) target(%dma_start3A_42 : memref<128xi32, #tpu.memory_space<vmem>>) target_semaphore(%arg19 : memref<!tpu.dma_semaphore, #tpu.memory_space<semaphore_mem>>)
      %dma_wait3A = arith.constant 0 : i32
      %dma_wait3A_46 = arith.constant 0 : i32
      %dma_wait3A_47 = arith.constant 0 : i32
      %dma_wait3A_48 = tpu.memref_slice %arg9[%dma_wait3A_46, %dma_wait3A_47] : memref<2x128xi32, #tpu.memory_space<vmem>> -> memref<1x128xi32, #tpu.memory_space<vmem>>
      %dma_wait3A_49 = tpu.memref_squeeze %dma_wait3A_48 : memref<1x128xi32, #tpu.memory_space<vmem>> -> memref<128xi32, #tpu.memory_space<vmem>>
      %dma_wait3A_50 = arith.constant 0 : i32
      %dma_wait3A_51 = tpu.memref_slice %arg4[%arg1, %dma_wait3A, %dma_wait3A_50] : memref<16x82x128xi32, #tpu.memory_space<hbm>> -> memref<1x1x128xi32, #tpu.memory_space<hbm>>
      %dma_wait3A_52 = tpu.memref_squeeze %dma_wait3A_51 : memref<1x1x128xi32, #tpu.memory_space<hbm>> -> memref<128xi32, #tpu.memory_space<hbm>>
      %dma_wait3A_53 = arith.constant 0 : i32
      %dma_wait3A_54 = tpu.memref_slice %arg9[%dma_wait3A_46, %dma_wait3A_53] : memref<2x128xi32, #tpu.memory_space<vmem>> -> memref<1x128xi32, #tpu.memory_space<vmem>>
      %dma_wait3A_55 = tpu.memref_squeeze %dma_wait3A_54 : memref<1x128xi32, #tpu.memory_space<vmem>> -> memref<128xi32, #tpu.memory_space<vmem>>
      %dma_wait3A_56 = arith.constant 0 : i32
      %dma_wait3A_57 = tpu.memref_slice %arg4[%arg1, %dma_wait3A, %dma_wait3A_56] : memref<16x82x128xi32, #tpu.memory_space<hbm>> -> memref<1x1x128xi32, #tpu.memory_space<hbm>>
      %dma_wait3A_58 = tpu.memref_squeeze %dma_wait3A_57 : memref<1x1x128xi32, #tpu.memory_space<hbm>> -> memref<128xi32, #tpu.memory_space<hbm>>
      tpu.wait_dma2 semaphore(%arg18 : memref<!tpu.dma_semaphore, #tpu.memory_space<semaphore_mem>>) src(%dma_wait3A_58 : memref<128xi32, #tpu.memory_space<hbm>>) dst(%dma_wait3A_55 : memref<128xi32, #tpu.memory_space<vmem>>)
      %dma_start3A_59 = arith.constant 0 : i32
      %dma_start3A_60 = arith.constant 0 : i32
      %dma_start3A_61 = tpu.memref_slice %arg9[%dma_start3A_59, %dma_start3A_60] : memref<2x128xi32, #tpu.memory_space<vmem>> -> memref<1x128xi32, #tpu.memory_space<vmem>>
      %dma_start3A_62 = tpu.memref_squeeze %dma_start3A_61 : memref<1x128xi32, #tpu.memory_space<vmem>> -> memref<128xi32, #tpu.memory_space<vmem>>
      %dma_start3A_63 = arith.constant 0 : i32
      %dma_start3A_64 = arith.constant 0 : i32
      %dma_start3A_65 = tpu.memref_slice %arg2[%dma_start3A_63, %dma_start3A_64] : memref<10000x128xf32, #tpu.memory_space<hbm>> -> memref<10000x128xf32, #tpu.memory_space<hbm>>
      tpu.enqueue_indirect_dma source(%dma_start3A_65 : memref<10000x128xf32, #tpu.memory_space<hbm>>) target(%arg11 : memref<128x128xf32, #tpu.memory_space<vmem>>) offsets(%dma_start3A_62 : memref<128xi32, #tpu.memory_space<vmem>>) semaphore(%arg14 : memref<!tpu.dma_semaphore, #tpu.memory_space<semaphore_mem>>)
      %dma_wait3A_66 = arith.constant 0 : i32
      %dma_wait3A_67 = arith.constant 0 : i32
      %dma_wait3A_68 = tpu.memref_slice %arg9[%dma_wait3A_66, %dma_wait3A_67] : memref<2x128xi32, #tpu.memory_space<vmem>> -> memref<1x128xi32, #tpu.memory_space<vmem>>
      %dma_wait3A_69 = tpu.memref_squeeze %dma_wait3A_68 : memref<1x128xi32, #tpu.memory_space<vmem>> -> memref<128xi32, #tpu.memory_space<vmem>>
      %dma_wait3A_70 = arith.constant 0 : i32
      %dma_wait3A_71 = arith.constant 0 : i32
      %dma_wait3A_72 = tpu.memref_slice %arg2[%dma_wait3A_70, %dma_wait3A_71] : memref<10000x128xf32, #tpu.memory_space<hbm>> -> memref<10000x128xf32, #tpu.memory_space<hbm>>
      tpu.wait_indirect_dma semaphore(%arg14 : memref<!tpu.dma_semaphore, #tpu.memory_space<semaphore_mem>>) src(%dma_wait3A_72 : memref<10000x128xf32, #tpu.memory_space<hbm>>) dst(%arg11 : memref<128x128xf32, #tpu.memory_space<vmem>>)
      %dma_start3A_73 = arith.constant 2 : i32
      %dma_start3A_74 = arith.constant 0 : i32
      %dma_start3A_75 = arith.constant 0 : i32
      %dma_start3A_76 = tpu.memref_slice %arg9[%dma_start3A_74, %dma_start3A_75] : memref<2x128xi32, #tpu.memory_space<vmem>> -> memref<1x128xi32, #tpu.memory_space<vmem>>
      %dma_start3A_77 = tpu.memref_squeeze %dma_start3A_76 : memref<1x128xi32, #tpu.memory_space<vmem>> -> memref<128xi32, #tpu.memory_space<vmem>>
      %dma_start3A_78 = arith.constant 0 : i32
      %dma_start3A_79 = tpu.memref_slice %arg4[%arg1, %dma_start3A_73, %dma_start3A_78] : memref<16x82x128xi32, #tpu.memory_space<hbm>> -> memref<1x1x128xi32, #tpu.memory_space<hbm>>
      %dma_start3A_80 = tpu.memref_squeeze %dma_start3A_79 : memref<1x1x128xi32, #tpu.memory_space<hbm>> -> memref<128xi32, #tpu.memory_space<hbm>>
      %dma_start3A_81 = arith.constant 0 : i32
      %dma_start3A_82 = tpu.memref_slice %arg9[%dma_start3A_74, %dma_start3A_81] : memref<2x128xi32, #tpu.memory_space<vmem>> -> memref<1x128xi32, #tpu.memory_space<vmem>>
      %dma_start3A_83 = tpu.memref_squeeze %dma_start3A_82 : memref<1x128xi32, #tpu.memory_space<vmem>> -> memref<128xi32, #tpu.memory_space<vmem>>
      %dma_start3A_84 = arith.constant 0 : i32
      %dma_start3A_85 = tpu.memref_slice %arg4[%arg1, %dma_start3A_73, %dma_start3A_84] : memref<16x82x128xi32, #tpu.memory_space<hbm>> -> memref<1x1x128xi32, #tpu.memory_space<hbm>>
      %dma_start3A_86 = tpu.memref_squeeze %dma_start3A_85 : memref<1x1x128xi32, #tpu.memory_space<hbm>> -> memref<128xi32, #tpu.memory_space<hbm>>
      tpu.enqueue_dma source(%dma_start3A_86 : memref<128xi32, #tpu.memory_space<hbm>>) target(%dma_start3A_83 : memref<128xi32, #tpu.memory_space<vmem>>) target_semaphore(%arg18 : memref<!tpu.dma_semaphore, #tpu.memory_space<semaphore_mem>>)
      %dma_start3A_87 = arith.constant 0 : i32
      %dma_start3A_88 = arith.constant 0 : i32
      %dma_start3A_89 = tpu.memref_slice %arg10[%dma_start3A_87, %dma_start3A_88] : memref<80x128xi32, #tpu.memory_space<vmem>> -> memref<1x128xi32, #tpu.memory_space<vmem>>
      %dma_start3A_90 = tpu.memref_squeeze %dma_start3A_89 : memref<1x128xi32, #tpu.memory_space<vmem>> -> memref<128xi32, #tpu.memory_space<vmem>>
      %dma_start3A_91 = arith.constant 0 : i32
      %dma_start3A_92 = arith.constant 0 : i32
      %dma_start3A_93 = tpu.memref_slice %arg13[%dma_start3A_91, %dma_start3A_92] : memref<10112x128xf32, #tpu.memory_space<vmem_shared>> -> memref<10112x128xf32, #tpu.memory_space<vmem_shared>>
      tpu.enqueue_indirect_dma source(%arg11 : memref<128x128xf32, #tpu.memory_space<vmem>>) target(%dma_start3A_93 : memref<10112x128xf32, #tpu.memory_space<vmem_shared>>) offsets(%dma_start3A_90 : memref<128xi32, #tpu.memory_space<vmem>>) semaphore(%arg16 : memref<!tpu.dma_semaphore, #tpu.memory_space<semaphore_mem>>) {add = true}
      %dma_wait3A_94 = arith.constant 1 : i32
      %dma_wait3A_95 = arith.constant 1 : i32
      %dma_wait3A_96 = arith.constant 0 : i32
      %dma_wait3A_97 = tpu.memref_slice %arg9[%dma_wait3A_95, %dma_wait3A_96] : memref<2x128xi32, #tpu.memory_space<vmem>> -> memref<1x128xi32, #tpu.memory_space<vmem>>
      %dma_wait3A_98 = tpu.memref_squeeze %dma_wait3A_97 : memref<1x128xi32, #tpu.memory_space<vmem>> -> memref<128xi32, #tpu.memory_space<vmem>>
      %dma_wait3A_99 = arith.constant 0 : i32
      %dma_wait3A_100 = tpu.memref_slice %arg4[%arg1, %dma_wait3A_94, %dma_wait3A_99] : memref<16x82x128xi32, #tpu.memory_space<hbm>> -> memref<1x1x128xi32, #tpu.memory_space<hbm>>
      %dma_wait3A_101 = tpu.memref_squeeze %dma_wait3A_100 : memref<1x1x128xi32, #tpu.memory_space<hbm>> -> memref<128xi32, #tpu.memory_space<hbm>>
      %dma_wait3A_102 = arith.constant 0 : i32
      %dma_wait3A_103 = tpu.memref_slice %arg9[%dma_wait3A_95, %dma_wait3A_102] : memref<2x128xi32, #tpu.memory_space<vmem>> -> memref<1x128xi32, #tpu.memory_space<vmem>>
      %dma_wait3A_104 = tpu.memref_squeeze %dma_wait3A_103 : memref<1x128xi32, #tpu.memory_space<vmem>> -> memref<128xi32, #tpu.memory_space<vmem>>
      %dma_wait3A_105 = arith.constant 0 : i32
      %dma_wait3A_106 = tpu.memref_slice %arg4[%arg1, %dma_wait3A_94, %dma_wait3A_105] : memref<16x82x128xi32, #tpu.memory_space<hbm>> -> memref<1x1x128xi32, #tpu.memory_space<hbm>>
      %dma_wait3A_107 = tpu.memref_squeeze %dma_wait3A_106 : memref<1x1x128xi32, #tpu.memory_space<hbm>> -> memref<128xi32, #tpu.memory_space<hbm>>
      tpu.wait_dma2 semaphore(%arg19 : memref<!tpu.dma_semaphore, #tpu.memory_space<semaphore_mem>>) src(%dma_wait3A_107 : memref<128xi32, #tpu.memory_space<hbm>>) dst(%dma_wait3A_104 : memref<128xi32, #tpu.memory_space<vmem>>)
      %dma_start3A_108 = arith.constant 1 : i32
      %dma_start3A_109 = arith.constant 0 : i32
      %dma_start3A_110 = tpu.memref_slice %arg9[%dma_start3A_108, %dma_start3A_109] : memref<2x128xi32, #tpu.memory_space<vmem>> -> memref<1x128xi32, #tpu.memory_space<vmem>>
      %dma_start3A_111 = tpu.memref_squeeze %dma_start3A_110 : memref<1x128xi32, #tpu.memory_space<vmem>> -> memref<128xi32, #tpu.memory_space<vmem>>
      %dma_start3A_112 = arith.constant 0 : i32
      %dma_start3A_113 = arith.constant 0 : i32
      %dma_start3A_114 = tpu.memref_slice %arg2[%dma_start3A_112, %dma_start3A_113] : memref<10000x128xf32, #tpu.memory_space<hbm>> -> memref<10000x128xf32, #tpu.memory_space<hbm>>
      tpu.enqueue_indirect_dma source(%dma_start3A_114 : memref<10000x128xf32, #tpu.memory_space<hbm>>) target(%arg12 : memref<128x128xf32, #tpu.memory_space<vmem>>) offsets(%dma_start3A_111 : memref<128xi32, #tpu.memory_space<vmem>>) semaphore(%arg15 : memref<!tpu.dma_semaphore, #tpu.memory_space<semaphore_mem>>)
      %scan3A = arith.constant 0 : i32
      %scan3A_115 = arith.constant 39 : i32
      %scan3A_116 = arith.addi %scan3A, %scan3A_115 : i32
      %scan3A_117 = arith.constant 1 : i32
      scf.for %scan3A_189 = %scan3A to %scan3A_116 step %scan3A_117  : i32 {
        %mul3A_190 = arith.constant 2 : i32
        %mul3A_191 = arith.muli %scan3A_189, %mul3A_190 : i32
        %add3A = arith.constant 1 : i32
        %add3A_192 = arith.addi %add3A, %mul3A_191 : i32
        %dma_wait3A_193 = arith.constant 1 : i32
        %dma_wait3A_194 = arith.constant 0 : i32
        %dma_wait3A_195 = tpu.memref_slice %arg9[%dma_wait3A_193, %dma_wait3A_194] : memref<2x128xi32, #tpu.memory_space<vmem>> -> memref<1x128xi32, #tpu.memory_space<vmem>>
        %dma_wait3A_196 = tpu.memref_squeeze %dma_wait3A_195 : memref<1x128xi32, #tpu.memory_space<vmem>> -> memref<128xi32, #tpu.memory_space<vmem>>
        %dma_wait3A_197 = arith.constant 0 : i32
        %dma_wait3A_198 = arith.constant 0 : i32
        %dma_wait3A_199 = tpu.memref_slice %arg2[%dma_wait3A_197, %dma_wait3A_198] : memref<10000x128xf32, #tpu.memory_space<hbm>> -> memref<10000x128xf32, #tpu.memory_space<hbm>>
        tpu.wait_indirect_dma semaphore(%arg15 : memref<!tpu.dma_semaphore, #tpu.memory_space<semaphore_mem>>) src(%dma_wait3A_199 : memref<10000x128xf32, #tpu.memory_space<hbm>>) dst(%arg12 : memref<128x128xf32, #tpu.memory_space<vmem>>)
        %add3A_200 = arith.constant 2 : i32
        %add3A_201 = arith.addi %add3A_192, %add3A_200 : i32
        %dma_start3A_202 = arith.constant 1 : i32
        %dma_start3A_203 = arith.constant 0 : i32
        %dma_start3A_204 = tpu.memref_slice %arg9[%dma_start3A_202, %dma_start3A_203] : memref<2x128xi32, #tpu.memory_space<vmem>> -> memref<1x128xi32, #tpu.memory_space<vmem>>
        %dma_start3A_205 = tpu.memref_squeeze %dma_start3A_204 : memref<1x128xi32, #tpu.memory_space<vmem>> -> memref<128xi32, #tpu.memory_space<vmem>>
        %dma_start3A_206 = arith.constant 0 : i32
        %dma_start3A_207 = tpu.memref_slice %arg4[%arg1, %add3A_201, %dma_start3A_206] : memref<16x82x128xi32, #tpu.memory_space<hbm>> -> memref<1x1x128xi32, #tpu.memory_space<hbm>>
        %dma_start3A_208 = tpu.memref_squeeze %dma_start3A_207 : memref<1x1x128xi32, #tpu.memory_space<hbm>> -> memref<128xi32, #tpu.memory_space<hbm>>
        %dma_start3A_209 = arith.constant 0 : i32
        %dma_start3A_210 = tpu.memref_slice %arg9[%dma_start3A_202, %dma_start3A_209] : memref<2x128xi32, #tpu.memory_space<vmem>> -> memref<1x128xi32, #tpu.memory_space<vmem>>
        %dma_start3A_211 = tpu.memref_squeeze %dma_start3A_210 : memref<1x128xi32, #tpu.memory_space<vmem>> -> memref<128xi32, #tpu.memory_space<vmem>>
        %dma_start3A_212 = arith.constant 0 : i32
        %dma_start3A_213 = tpu.memref_slice %arg4[%arg1, %add3A_201, %dma_start3A_212] : memref<16x82x128xi32, #tpu.memory_space<hbm>> -> memref<1x1x128xi32, #tpu.memory_space<hbm>>
        %dma_start3A_214 = tpu.memref_squeeze %dma_start3A_213 : memref<1x1x128xi32, #tpu.memory_space<hbm>> -> memref<128xi32, #tpu.memory_space<hbm>>
        tpu.enqueue_dma source(%dma_start3A_214 : memref<128xi32, #tpu.memory_space<hbm>>) target(%dma_start3A_211 : memref<128xi32, #tpu.memory_space<vmem>>) target_semaphore(%arg19 : memref<!tpu.dma_semaphore, #tpu.memory_space<semaphore_mem>>)
        %dma_start3A_215 = arith.constant 0 : i32
        %dma_start3A_216 = tpu.memref_slice %arg10[%add3A_192, %dma_start3A_215] : memref<80x128xi32, #tpu.memory_space<vmem>> -> memref<1x128xi32, #tpu.memory_space<vmem>>
        %dma_start3A_217 = tpu.memref_squeeze %dma_start3A_216 : memref<1x128xi32, #tpu.memory_space<vmem>> -> memref<128xi32, #tpu.memory_space<vmem>>
        %dma_start3A_218 = arith.constant 0 : i32
        %dma_start3A_219 = arith.constant 0 : i32
        %dma_start3A_220 = tpu.memref_slice %arg13[%dma_start3A_218, %dma_start3A_219] : memref<10112x128xf32, #tpu.memory_space<vmem_shared>> -> memref<10112x128xf32, #tpu.memory_space<vmem_shared>>
        tpu.enqueue_indirect_dma source(%arg12 : memref<128x128xf32, #tpu.memory_space<vmem>>) target(%dma_start3A_220 : memref<10112x128xf32, #tpu.memory_space<vmem_shared>>) offsets(%dma_start3A_217 : memref<128xi32, #tpu.memory_space<vmem>>) semaphore(%arg17 : memref<!tpu.dma_semaphore, #tpu.memory_space<semaphore_mem>>) {add = true}
        %sub3A = arith.constant 1 : i32
        %sub3A_221 = arith.subi %add3A_192, %sub3A : i32
        %dma_wait3A_222 = arith.constant 0 : i32
        %dma_wait3A_223 = tpu.memref_slice %arg10[%sub3A_221, %dma_wait3A_222] : memref<80x128xi32, #tpu.memory_space<vmem>> -> memref<1x128xi32, #tpu.memory_space<vmem>>
        %dma_wait3A_224 = tpu.memref_squeeze %dma_wait3A_223 : memref<1x128xi32, #tpu.memory_space<vmem>> -> memref<128xi32, #tpu.memory_space<vmem>>
        %dma_wait3A_225 = arith.constant 0 : i32
        %dma_wait3A_226 = arith.constant 0 : i32
        %dma_wait3A_227 = tpu.memref_slice %arg13[%dma_wait3A_225, %dma_wait3A_226] : memref<10112x128xf32, #tpu.memory_space<vmem_shared>> -> memref<10112x128xf32, #tpu.memory_space<vmem_shared>>
        tpu.wait_indirect_dma semaphore(%arg16 : memref<!tpu.dma_semaphore, #tpu.memory_space<semaphore_mem>>) src(%arg11 : memref<128x128xf32, #tpu.memory_space<vmem>>) dst(%dma_wait3A_227 : memref<10112x128xf32, #tpu.memory_space<vmem_shared>>)
        %add3A_228 = arith.constant 1 : i32
        %add3A_229 = arith.addi %add3A_192, %add3A_228 : i32
        %dma_wait3A_230 = arith.constant 0 : i32
        %dma_wait3A_231 = arith.constant 0 : i32
        %dma_wait3A_232 = tpu.memref_slice %arg9[%dma_wait3A_230, %dma_wait3A_231] : memref<2x128xi32, #tpu.memory_space<vmem>> -> memref<1x128xi32, #tpu.memory_space<vmem>>
        %dma_wait3A_233 = tpu.memref_squeeze %dma_wait3A_232 : memref<1x128xi32, #tpu.memory_space<vmem>> -> memref<128xi32, #tpu.memory_space<vmem>>
        %dma_wait3A_234 = arith.constant 0 : i32
        %dma_wait3A_235 = tpu.memref_slice %arg4[%arg1, %add3A_229, %dma_wait3A_234] : memref<16x82x128xi32, #tpu.memory_space<hbm>> -> memref<1x1x128xi32, #tpu.memory_space<hbm>>
        %dma_wait3A_236 = tpu.memref_squeeze %dma_wait3A_235 : memref<1x1x128xi32, #tpu.memory_space<hbm>> -> memref<128xi32, #tpu.memory_space<hbm>>
        %dma_wait3A_237 = arith.constant 0 : i32
        %dma_wait3A_238 = tpu.memref_slice %arg9[%dma_wait3A_230, %dma_wait3A_237] : memref<2x128xi32, #tpu.memory_space<vmem>> -> memref<1x128xi32, #tpu.memory_space<vmem>>
        %dma_wait3A_239 = tpu.memref_squeeze %dma_wait3A_238 : memref<1x128xi32, #tpu.memory_space<vmem>> -> memref<128xi32, #tpu.memory_space<vmem>>
        %dma_wait3A_240 = arith.constant 0 : i32
        %dma_wait3A_241 = tpu.memref_slice %arg4[%arg1, %add3A_229, %dma_wait3A_240] : memref<16x82x128xi32, #tpu.memory_space<hbm>> -> memref<1x1x128xi32, #tpu.memory_space<hbm>>
        %dma_wait3A_242 = tpu.memref_squeeze %dma_wait3A_241 : memref<1x1x128xi32, #tpu.memory_space<hbm>> -> memref<128xi32, #tpu.memory_space<hbm>>
        tpu.wait_dma2 semaphore(%arg18 : memref<!tpu.dma_semaphore, #tpu.memory_space<semaphore_mem>>) src(%dma_wait3A_242 : memref<128xi32, #tpu.memory_space<hbm>>) dst(%dma_wait3A_239 : memref<128xi32, #tpu.memory_space<vmem>>)
        %dma_start3A_243 = arith.constant 0 : i32
        %dma_start3A_244 = arith.constant 0 : i32
        %dma_start3A_245 = tpu.memref_slice %arg9[%dma_start3A_243, %dma_start3A_244] : memref<2x128xi32, #tpu.memory_space<vmem>> -> memref<1x128xi32, #tpu.memory_space<vmem>>
        %dma_start3A_246 = tpu.memref_squeeze %dma_start3A_245 : memref<1x128xi32, #tpu.memory_space<vmem>> -> memref<128xi32, #tpu.memory_space<vmem>>
        %dma_start3A_247 = arith.constant 0 : i32
        %dma_start3A_248 = arith.constant 0 : i32
        %dma_start3A_249 = tpu.memref_slice %arg2[%dma_start3A_247, %dma_start3A_248] : memref<10000x128xf32, #tpu.memory_space<hbm>> -> memref<10000x128xf32, #tpu.memory_space<hbm>>
        tpu.enqueue_indirect_dma source(%dma_start3A_249 : memref<10000x128xf32, #tpu.memory_space<hbm>>) target(%arg11 : memref<128x128xf32, #tpu.memory_space<vmem>>) offsets(%dma_start3A_246 : memref<128xi32, #tpu.memory_space<vmem>>) semaphore(%arg14 : memref<!tpu.dma_semaphore, #tpu.memory_space<semaphore_mem>>)
        %add3A_250 = arith.constant 1 : i32
        %add3A_251 = arith.addi %add3A_192, %add3A_250 : i32
        %dma_wait3A_252 = arith.constant 0 : i32
        %dma_wait3A_253 = arith.constant 0 : i32
        %dma_wait3A_254 = tpu.memref_slice %arg9[%dma_wait3A_252, %dma_wait3A_253] : memref<2x128xi32, #tpu.memory_space<vmem>> -> memref<1x128xi32, #tpu.memory_space<vmem>>
        %dma_wait3A_255 = tpu.memref_squeeze %dma_wait3A_254 : memref<1x128xi32, #tpu.memory_space<vmem>> -> memref<128xi32, #tpu.memory_space<vmem>>
        %dma_wait3A_256 = arith.constant 0 : i32
        %dma_wait3A_257 = arith.constant 0 : i32
        %dma_wait3A_258 = tpu.memref_slice %arg2[%dma_wait3A_256, %dma_wait3A_257] : memref<10000x128xf32, #tpu.memory_space<hbm>> -> memref<10000x128xf32, #tpu.memory_space<hbm>>
        tpu.wait_indirect_dma semaphore(%arg14 : memref<!tpu.dma_semaphore, #tpu.memory_space<semaphore_mem>>) src(%dma_wait3A_258 : memref<10000x128xf32, #tpu.memory_space<hbm>>) dst(%arg11 : memref<128x128xf32, #tpu.memory_space<vmem>>)
        %add3A_259 = arith.constant 2 : i32
        %add3A_260 = arith.addi %add3A_251, %add3A_259 : i32
        %dma_start3A_261 = arith.constant 0 : i32
        %dma_start3A_262 = arith.constant 0 : i32
        %dma_start3A_263 = tpu.memref_slice %arg9[%dma_start3A_261, %dma_start3A_262] : memref<2x128xi32, #tpu.memory_space<vmem>> -> memref<1x128xi32, #tpu.memory_space<vmem>>
        %dma_start3A_264 = tpu.memref_squeeze %dma_start3A_263 : memref<1x128xi32, #tpu.memory_space<vmem>> -> memref<128xi32, #tpu.memory_space<vmem>>
        %dma_start3A_265 = arith.constant 0 : i32
        %dma_start3A_266 = tpu.memref_slice %arg4[%arg1, %add3A_260, %dma_start3A_265] : memref<16x82x128xi32, #tpu.memory_space<hbm>> -> memref<1x1x128xi32, #tpu.memory_space<hbm>>
        %dma_start3A_267 = tpu.memref_squeeze %dma_start3A_266 : memref<1x1x128xi32, #tpu.memory_space<hbm>> -> memref<128xi32, #tpu.memory_space<hbm>>
        %dma_start3A_268 = arith.constant 0 : i32
        %dma_start3A_269 = tpu.memref_slice %arg9[%dma_start3A_261, %dma_start3A_268] : memref<2x128xi32, #tpu.memory_space<vmem>> -> memref<1x128xi32, #tpu.memory_space<vmem>>
        %dma_start3A_270 = tpu.memref_squeeze %dma_start3A_269 : memref<1x128xi32, #tpu.memory_space<vmem>> -> memref<128xi32, #tpu.memory_space<vmem>>
        %dma_start3A_271 = arith.constant 0 : i32
        %dma_start3A_272 = tpu.memref_slice %arg4[%arg1, %add3A_260, %dma_start3A_271] : memref<16x82x128xi32, #tpu.memory_space<hbm>> -> memref<1x1x128xi32, #tpu.memory_space<hbm>>
        %dma_start3A_273 = tpu.memref_squeeze %dma_start3A_272 : memref<1x1x128xi32, #tpu.memory_space<hbm>> -> memref<128xi32, #tpu.memory_space<hbm>>
        tpu.enqueue_dma source(%dma_start3A_273 : memref<128xi32, #tpu.memory_space<hbm>>) target(%dma_start3A_270 : memref<128xi32, #tpu.memory_space<vmem>>) target_semaphore(%arg18 : memref<!tpu.dma_semaphore, #tpu.memory_space<semaphore_mem>>)
        %dma_start3A_274 = arith.constant 0 : i32
        %dma_start3A_275 = tpu.memref_slice %arg10[%add3A_251, %dma_start3A_274] : memref<80x128xi32, #tpu.memory_space<vmem>> -> memref<1x128xi32, #tpu.memory_space<vmem>>
        %dma_start3A_276 = tpu.memref_squeeze %dma_start3A_275 : memref<1x128xi32, #tpu.memory_space<vmem>> -> memref<128xi32, #tpu.memory_space<vmem>>
        %dma_start3A_277 = arith.constant 0 : i32
        %dma_start3A_278 = arith.constant 0 : i32
        %dma_start3A_279 = tpu.memref_slice %arg13[%dma_start3A_277, %dma_start3A_278] : memref<10112x128xf32, #tpu.memory_space<vmem_shared>> -> memref<10112x128xf32, #tpu.memory_space<vmem_shared>>
        tpu.enqueue_indirect_dma source(%arg11 : memref<128x128xf32, #tpu.memory_space<vmem>>) target(%dma_start3A_279 : memref<10112x128xf32, #tpu.memory_space<vmem_shared>>) offsets(%dma_start3A_276 : memref<128xi32, #tpu.memory_space<vmem>>) semaphore(%arg16 : memref<!tpu.dma_semaphore, #tpu.memory_space<semaphore_mem>>) {add = true}
        %sub3A_280 = arith.constant 1 : i32
        %sub3A_281 = arith.subi %add3A_251, %sub3A_280 : i32
        %dma_wait3A_282 = arith.constant 0 : i32
        %dma_wait3A_283 = tpu.memref_slice %arg10[%sub3A_281, %dma_wait3A_282] : memref<80x128xi32, #tpu.memory_space<vmem>> -> memref<1x128xi32, #tpu.memory_space<vmem>>
        %dma_wait3A_284 = tpu.memref_squeeze %dma_wait3A_283 : memref<1x128xi32, #tpu.memory_space<vmem>> -> memref<128xi32, #tpu.memory_space<vmem>>
        %dma_wait3A_285 = arith.constant 0 : i32
        %dma_wait3A_286 = arith.constant 0 : i32
        %dma_wait3A_287 = tpu.memref_slice %arg13[%dma_wait3A_285, %dma_wait3A_286] : memref<10112x128xf32, #tpu.memory_space<vmem_shared>> -> memref<10112x128xf32, #tpu.memory_space<vmem_shared>>
        tpu.wait_indirect_dma semaphore(%arg17 : memref<!tpu.dma_semaphore, #tpu.memory_space<semaphore_mem>>) src(%arg12 : memref<128x128xf32, #tpu.memory_space<vmem>>) dst(%dma_wait3A_287 : memref<10112x128xf32, #tpu.memory_space<vmem_shared>>)
        %add3A_288 = arith.constant 1 : i32
        %add3A_289 = arith.addi %add3A_251, %add3A_288 : i32
        %dma_wait3A_290 = arith.constant 1 : i32
        %dma_wait3A_291 = arith.constant 0 : i32
        %dma_wait3A_292 = tpu.memref_slice %arg9[%dma_wait3A_290, %dma_wait3A_291] : memref<2x128xi32, #tpu.memory_space<vmem>> -> memref<1x128xi32, #tpu.memory_space<vmem>>
        %dma_wait3A_293 = tpu.memref_squeeze %dma_wait3A_292 : memref<1x128xi32, #tpu.memory_space<vmem>> -> memref<128xi32, #tpu.memory_space<vmem>>
        %dma_wait3A_294 = arith.constant 0 : i32
        %dma_wait3A_295 = tpu.memref_slice %arg4[%arg1, %add3A_289, %dma_wait3A_294] : memref<16x82x128xi32, #tpu.memory_space<hbm>> -> memref<1x1x128xi32, #tpu.memory_space<hbm>>
        %dma_wait3A_296 = tpu.memref_squeeze %dma_wait3A_295 : memref<1x1x128xi32, #tpu.memory_space<hbm>> -> memref<128xi32, #tpu.memory_space<hbm>>
        %dma_wait3A_297 = arith.constant 0 : i32
        %dma_wait3A_298 = tpu.memref_slice %arg9[%dma_wait3A_290, %dma_wait3A_297] : memref<2x128xi32, #tpu.memory_space<vmem>> -> memref<1x128xi32, #tpu.memory_space<vmem>>
        %dma_wait3A_299 = tpu.memref_squeeze %dma_wait3A_298 : memref<1x128xi32, #tpu.memory_space<vmem>> -> memref<128xi32, #tpu.memory_space<vmem>>
        %dma_wait3A_300 = arith.constant 0 : i32
        %dma_wait3A_301 = tpu.memref_slice %arg4[%arg1, %add3A_289, %dma_wait3A_300] : memref<16x82x128xi32, #tpu.memory_space<hbm>> -> memref<1x1x128xi32, #tpu.memory_space<hbm>>
        %dma_wait3A_302 = tpu.memref_squeeze %dma_wait3A_301 : memref<1x1x128xi32, #tpu.memory_space<hbm>> -> memref<128xi32, #tpu.memory_space<hbm>>
        tpu.wait_dma2 semaphore(%arg19 : memref<!tpu.dma_semaphore, #tpu.memory_space<semaphore_mem>>) src(%dma_wait3A_302 : memref<128xi32, #tpu.memory_space<hbm>>) dst(%dma_wait3A_299 : memref<128xi32, #tpu.memory_space<vmem>>)
        %dma_start3A_303 = arith.constant 1 : i32
        %dma_start3A_304 = arith.constant 0 : i32
        %dma_start3A_305 = tpu.memref_slice %arg9[%dma_start3A_303, %dma_start3A_304] : memref<2x128xi32, #tpu.memory_space<vmem>> -> memref<1x128xi32, #tpu.memory_space<vmem>>
        %dma_start3A_306 = tpu.memref_squeeze %dma_start3A_305 : memref<1x128xi32, #tpu.memory_space<vmem>> -> memref<128xi32, #tpu.memory_space<vmem>>
        %dma_start3A_307 = arith.constant 0 : i32
        %dma_start3A_308 = arith.constant 0 : i32
        %dma_start3A_309 = tpu.memref_slice %arg2[%dma_start3A_307, %dma_start3A_308] : memref<10000x128xf32, #tpu.memory_space<hbm>> -> memref<10000x128xf32, #tpu.memory_space<hbm>>
        tpu.enqueue_indirect_dma source(%dma_start3A_309 : memref<10000x128xf32, #tpu.memory_space<hbm>>) target(%arg12 : memref<128x128xf32, #tpu.memory_space<vmem>>) offsets(%dma_start3A_306 : memref<128xi32, #tpu.memory_space<vmem>>) semaphore(%arg15 : memref<!tpu.dma_semaphore, #tpu.memory_space<semaphore_mem>>)
      }
      %scan3A_118 = arith.constant 39 : i32
      %dma_wait3A_119 = arith.constant 1 : i32
      %dma_wait3A_120 = arith.constant 0 : i32
      %dma_wait3A_121 = tpu.memref_slice %arg9[%dma_wait3A_119, %dma_wait3A_120] : memref<2x128xi32, #tpu.memory_space<vmem>> -> memref<1x128xi32, #tpu.memory_space<vmem>>
      %dma_wait3A_122 = tpu.memref_squeeze %dma_wait3A_121 : memref<1x128xi32, #tpu.memory_space<vmem>> -> memref<128xi32, #tpu.memory_space<vmem>>
      %dma_wait3A_123 = arith.constant 0 : i32
      %dma_wait3A_124 = arith.constant 0 : i32
      %dma_wait3A_125 = tpu.memref_slice %arg2[%dma_wait3A_123, %dma_wait3A_124] : memref<10000x128xf32, #tpu.memory_space<hbm>> -> memref<10000x128xf32, #tpu.memory_space<hbm>>
      tpu.wait_indirect_dma semaphore(%arg15 : memref<!tpu.dma_semaphore, #tpu.memory_space<semaphore_mem>>) src(%dma_wait3A_125 : memref<10000x128xf32, #tpu.memory_space<hbm>>) dst(%arg12 : memref<128x128xf32, #tpu.memory_space<vmem>>)
      %dma_start3A_126 = arith.constant 81 : i32
      %dma_start3A_127 = arith.constant 1 : i32
      %dma_start3A_128 = arith.constant 0 : i32
      %dma_start3A_129 = tpu.memref_slice %arg9[%dma_start3A_127, %dma_start3A_128] : memref<2x128xi32, #tpu.memory_space<vmem>> -> memref<1x128xi32, #tpu.memory_space<vmem>>
      %dma_start3A_130 = tpu.memref_squeeze %dma_start3A_129 : memref<1x128xi32, #tpu.memory_space<vmem>> -> memref<128xi32, #tpu.memory_space<vmem>>
      %dma_start3A_131 = arith.constant 0 : i32
      %dma_start3A_132 = tpu.memref_slice %arg4[%arg1, %dma_start3A_126, %dma_start3A_131] : memref<16x82x128xi32, #tpu.memory_space<hbm>> -> memref<1x1x128xi32, #tpu.memory_space<hbm>>
      %dma_start3A_133 = tpu.memref_squeeze %dma_start3A_132 : memref<1x1x128xi32, #tpu.memory_space<hbm>> -> memref<128xi32, #tpu.memory_space<hbm>>
      %dma_start3A_134 = arith.constant 0 : i32
      %dma_start3A_135 = tpu.memref_slice %arg9[%dma_start3A_127, %dma_start3A_134] : memref<2x128xi32, #tpu.memory_space<vmem>> -> memref<1x128xi32, #tpu.memory_space<vmem>>
      %dma_start3A_136 = tpu.memref_squeeze %dma_start3A_135 : memref<1x128xi32, #tpu.memory_space<vmem>> -> memref<128xi32, #tpu.memory_space<vmem>>
      %dma_start3A_137 = arith.constant 0 : i32
      %dma_start3A_138 = tpu.memref_slice %arg4[%arg1, %dma_start3A_126, %dma_start3A_137] : memref<16x82x128xi32, #tpu.memory_space<hbm>> -> memref<1x1x128xi32, #tpu.memory_space<hbm>>
      %dma_start3A_139 = tpu.memref_squeeze %dma_start3A_138 : memref<1x1x128xi32, #tpu.memory_space<hbm>> -> memref<128xi32, #tpu.memory_space<hbm>>
      tpu.enqueue_dma source(%dma_start3A_139 : memref<128xi32, #tpu.memory_space<hbm>>) target(%dma_start3A_136 : memref<128xi32, #tpu.memory_space<vmem>>) target_semaphore(%arg19 : memref<!tpu.dma_semaphore, #tpu.memory_space<semaphore_mem>>)
      %dma_start3A_140 = arith.constant 79 : i32
      %dma_start3A_141 = arith.constant 0 : i32
      %dma_start3A_142 = tpu.memref_slice %arg10[%dma_start3A_140, %dma_start3A_141] : memref<80x128xi32, #tpu.memory_space<vmem>> -> memref<1x128xi32, #tpu.memory_space<vmem>>
      %dma_start3A_143 = tpu.memref_squeeze %dma_start3A_142 : memref<1x128xi32, #tpu.memory_space<vmem>> -> memref<128xi32, #tpu.memory_space<vmem>>
      %dma_start3A_144 = arith.constant 0 : i32
      %dma_start3A_145 = arith.constant 0 : i32
      %dma_start3A_146 = tpu.memref_slice %arg13[%dma_start3A_144, %dma_start3A_145] : memref<10112x128xf32, #tpu.memory_space<vmem_shared>> -> memref<10112x128xf32, #tpu.memory_space<vmem_shared>>
      tpu.enqueue_indirect_dma source(%arg12 : memref<128x128xf32, #tpu.memory_space<vmem>>) target(%dma_start3A_146 : memref<10112x128xf32, #tpu.memory_space<vmem_shared>>) offsets(%dma_start3A_143 : memref<128xi32, #tpu.memory_space<vmem>>) semaphore(%arg17 : memref<!tpu.dma_semaphore, #tpu.memory_space<semaphore_mem>>) {add = true}
      %dma_wait3A_147 = arith.constant 78 : i32
      %dma_wait3A_148 = arith.constant 0 : i32
      %dma_wait3A_149 = tpu.memref_slice %arg10[%dma_wait3A_147, %dma_wait3A_148] : memref<80x128xi32, #tpu.memory_space<vmem>> -> memref<1x128xi32, #tpu.memory_space<vmem>>
      %dma_wait3A_150 = tpu.memref_squeeze %dma_wait3A_149 : memref<1x128xi32, #tpu.memory_space<vmem>> -> memref<128xi32, #tpu.memory_space<vmem>>
      %dma_wait3A_151 = arith.constant 0 : i32
      %dma_wait3A_152 = arith.constant 0 : i32
      %dma_wait3A_153 = tpu.memref_slice %arg13[%dma_wait3A_151, %dma_wait3A_152] : memref<10112x128xf32, #tpu.memory_space<vmem_shared>> -> memref<10112x128xf32, #tpu.memory_space<vmem_shared>>
      tpu.wait_indirect_dma semaphore(%arg16 : memref<!tpu.dma_semaphore, #tpu.memory_space<semaphore_mem>>) src(%arg11 : memref<128x128xf32, #tpu.memory_space<vmem>>) dst(%dma_wait3A_153 : memref<10112x128xf32, #tpu.memory_space<vmem_shared>>)
      %dma_wait3A_154 = arith.constant 79 : i32
      %dma_wait3A_155 = arith.constant 0 : i32
      %dma_wait3A_156 = tpu.memref_slice %arg10[%dma_wait3A_154, %dma_wait3A_155] : memref<80x128xi32, #tpu.memory_space<vmem>> -> memref<1x128xi32, #tpu.memory_space<vmem>>
      %dma_wait3A_157 = tpu.memref_squeeze %dma_wait3A_156 : memref<1x128xi32, #tpu.memory_space<vmem>> -> memref<128xi32, #tpu.memory_space<vmem>>
      %dma_wait3A_158 = arith.constant 0 : i32
      %dma_wait3A_159 = arith.constant 0 : i32
      %dma_wait3A_160 = tpu.memref_slice %arg13[%dma_wait3A_158, %dma_wait3A_159] : memref<10112x128xf32, #tpu.memory_space<vmem_shared>> -> memref<10112x128xf32, #tpu.memory_space<vmem_shared>>
      tpu.wait_indirect_dma semaphore(%arg17 : memref<!tpu.dma_semaphore, #tpu.memory_space<semaphore_mem>>) src(%arg12 : memref<128x128xf32, #tpu.memory_space<vmem>>) dst(%dma_wait3A_160 : memref<10112x128xf32, #tpu.memory_space<vmem_shared>>)
      %dma_wait3A_161 = arith.constant 80 : i32
      %dma_wait3A_162 = arith.constant 0 : i32
      %dma_wait3A_163 = arith.constant 0 : i32
      %dma_wait3A_164 = tpu.memref_slice %arg9[%dma_wait3A_162, %dma_wait3A_163] : memref<2x128xi32, #tpu.memory_space<vmem>> -> memref<1x128xi32, #tpu.memory_space<vmem>>
      %dma_wait3A_165 = tpu.memref_squeeze %dma_wait3A_164 : memref<1x128xi32, #tpu.memory_space<vmem>> -> memref<128xi32, #tpu.memory_space<vmem>>
      %dma_wait3A_166 = arith.constant 0 : i32
      %dma_wait3A_167 = tpu.memref_slice %arg4[%arg1, %dma_wait3A_161, %dma_wait3A_166] : memref<16x82x128xi32, #tpu.memory_space<hbm>> -> memref<1x1x128xi32, #tpu.memory_space<hbm>>
      %dma_wait3A_168 = tpu.memref_squeeze %dma_wait3A_167 : memref<1x1x128xi32, #tpu.memory_space<hbm>> -> memref<128xi32, #tpu.memory_space<hbm>>
      %dma_wait3A_169 = arith.constant 0 : i32
      %dma_wait3A_170 = tpu.memref_slice %arg9[%dma_wait3A_162, %dma_wait3A_169] : memref<2x128xi32, #tpu.memory_space<vmem>> -> memref<1x128xi32, #tpu.memory_space<vmem>>
      %dma_wait3A_171 = tpu.memref_squeeze %dma_wait3A_170 : memref<1x128xi32, #tpu.memory_space<vmem>> -> memref<128xi32, #tpu.memory_space<vmem>>
      %dma_wait3A_172 = arith.constant 0 : i32
      %dma_wait3A_173 = tpu.memref_slice %arg4[%arg1, %dma_wait3A_161, %dma_wait3A_172] : memref<16x82x128xi32, #tpu.memory_space<hbm>> -> memref<1x1x128xi32, #tpu.memory_space<hbm>>
      %dma_wait3A_174 = tpu.memref_squeeze %dma_wait3A_173 : memref<1x1x128xi32, #tpu.memory_space<hbm>> -> memref<128xi32, #tpu.memory_space<hbm>>
      tpu.wait_dma2 semaphore(%arg18 : memref<!tpu.dma_semaphore, #tpu.memory_space<semaphore_mem>>) src(%dma_wait3A_174 : memref<128xi32, #tpu.memory_space<hbm>>) dst(%dma_wait3A_171 : memref<128xi32, #tpu.memory_space<vmem>>)
      %dma_wait3A_175 = arith.constant 81 : i32
      %dma_wait3A_176 = arith.constant 1 : i32
      %dma_wait3A_177 = arith.constant 0 : i32
      %dma_wait3A_178 = tpu.memref_slice %arg9[%dma_wait3A_176, %dma_wait3A_177] : memref<2x128xi32, #tpu.memory_space<vmem>> -> memref<1x128xi32, #tpu.memory_space<vmem>>
      %dma_wait3A_179 = tpu.memref_squeeze %dma_wait3A_178 : memref<1x128xi32, #tpu.memory_space<vmem>> -> memref<128xi32, #tpu.memory_space<vmem>>
      %dma_wait3A_180 = arith.constant 0 : i32
      %dma_wait3A_181 = tpu.memref_slice %arg4[%arg1, %dma_wait3A_175, %dma_wait3A_180] : memref<16x82x128xi32, #tpu.memory_space<hbm>> -> memref<1x1x128xi32, #tpu.memory_space<hbm>>
      %dma_wait3A_182 = tpu.memref_squeeze %dma_wait3A_181 : memref<1x1x128xi32, #tpu.memory_space<hbm>> -> memref<128xi32, #tpu.memory_space<hbm>>
      %dma_wait3A_183 = arith.constant 0 : i32
      %dma_wait3A_184 = tpu.memref_slice %arg9[%dma_wait3A_176, %dma_wait3A_183] : memref<2x128xi32, #tpu.memory_space<vmem>> -> memref<1x128xi32, #tpu.memory_space<vmem>>
      %dma_wait3A_185 = tpu.memref_squeeze %dma_wait3A_184 : memref<1x128xi32, #tpu.memory_space<vmem>> -> memref<128xi32, #tpu.memory_space<vmem>>
      %dma_wait3A_186 = arith.constant 0 : i32
      %dma_wait3A_187 = tpu.memref_slice %arg4[%arg1, %dma_wait3A_175, %dma_wait3A_186] : memref<16x82x128xi32, #tpu.memory_space<hbm>> -> memref<1x1x128xi32, #tpu.memory_space<hbm>>
      %dma_wait3A_188 = tpu.memref_squeeze %dma_wait3A_187 : memref<1x1x128xi32, #tpu.memory_space<hbm>> -> memref<128xi32, #tpu.memory_space<hbm>>
      tpu.wait_dma2 semaphore(%arg19 : memref<!tpu.dma_semaphore, #tpu.memory_space<semaphore_mem>>) src(%dma_wait3A_188 : memref<128xi32, #tpu.memory_space<hbm>>) dst(%dma_wait3A_185 : memref<128xi32, #tpu.memory_space<vmem>>)
    } else {
    }
    %eq3A_3 = arith.constant 1 : i32
    %eq3A_4 = arith.cmpi eq, %arg0, %eq3A_3 : i32
    %convert_element_type3A_5 = arith.extui %eq3A_4 : i1 to i32
    %cond3A_6 = arith.constant 0 : i32
    %cond3A_7 = arith.cmpi ne, %convert_element_type3A_5, %cond3A_6 : i32
    scf.if %cond3A_7 {
      %dma_start3A = arith.constant 0 : i32
      %dma_start3A_19 = arith.constant 0 : i32
      %dma_start3A_20 = arith.constant 0 : i32
      %dma_start3A_21 = tpu.memref_slice %arg9[%dma_start3A_19, %dma_start3A_20] : memref<2x128xi32, #tpu.memory_space<vmem>> -> memref<1x128xi32, #tpu.memory_space<vmem>>
      %dma_start3A_22 = tpu.memref_squeeze %dma_start3A_21 : memref<1x128xi32, #tpu.memory_space<vmem>> -> memref<128xi32, #tpu.memory_space<vmem>>
      %dma_start3A_23 = arith.constant 0 : i32
      %dma_start3A_24 = tpu.memref_slice %arg4[%arg1, %dma_start3A, %dma_start3A_23] : memref<16x82x128xi32, #tpu.memory_space<hbm>> -> memref<1x1x128xi32, #tpu.memory_space<hbm>>
      %dma_start3A_25 = tpu.memref_squeeze %dma_start3A_24 : memref<1x1x128xi32, #tpu.memory_space<hbm>> -> memref<128xi32, #tpu.memory_space<hbm>>
      %dma_start3A_26 = arith.constant 0 : i32
      %dma_start3A_27 = tpu.memref_slice %arg9[%dma_start3A_19, %dma_start3A_26] : memref<2x128xi32, #tpu.memory_space<vmem>> -> memref<1x128xi32, #tpu.memory_space<vmem>>
      %dma_start3A_28 = tpu.memref_squeeze %dma_start3A_27 : memref<1x128xi32, #tpu.memory_space<vmem>> -> memref<128xi32, #tpu.memory_space<vmem>>
      %dma_start3A_29 = arith.constant 0 : i32
      %dma_start3A_30 = tpu.memref_slice %arg4[%arg1, %dma_start3A, %dma_start3A_29] : memref<16x82x128xi32, #tpu.memory_space<hbm>> -> memref<1x1x128xi32, #tpu.memory_space<hbm>>
      %dma_start3A_31 = tpu.memref_squeeze %dma_start3A_30 : memref<1x1x128xi32, #tpu.memory_space<hbm>> -> memref<128xi32, #tpu.memory_space<hbm>>
      tpu.enqueue_dma source(%dma_start3A_31 : memref<128xi32, #tpu.memory_space<hbm>>) target(%dma_start3A_28 : memref<128xi32, #tpu.memory_space<vmem>>) target_semaphore(%arg18 : memref<!tpu.dma_semaphore, #tpu.memory_space<semaphore_mem>>)
      %dma_start3A_32 = arith.constant 1 : i32
      %dma_start3A_33 = arith.constant 1 : i32
      %dma_start3A_34 = arith.constant 0 : i32
      %dma_start3A_35 = tpu.memref_slice %arg9[%dma_start3A_33, %dma_start3A_34] : memref<2x128xi32, #tpu.memory_space<vmem>> -> memref<1x128xi32, #tpu.memory_space<vmem>>
      %dma_start3A_36 = tpu.memref_squeeze %dma_start3A_35 : memref<1x128xi32, #tpu.memory_space<vmem>> -> memref<128xi32, #tpu.memory_space<vmem>>
      %dma_start3A_37 = arith.constant 0 : i32
      %dma_start3A_38 = tpu.memref_slice %arg4[%arg1, %dma_start3A_32, %dma_start3A_37] : memref<16x82x128xi32, #tpu.memory_space<hbm>> -> memref<1x1x128xi32, #tpu.memory_space<hbm>>
      %dma_start3A_39 = tpu.memref_squeeze %dma_start3A_38 : memref<1x1x128xi32, #tpu.memory_space<hbm>> -> memref<128xi32, #tpu.memory_space<hbm>>
      %dma_start3A_40 = arith.constant 0 : i32
      %dma_start3A_41 = tpu.memref_slice %arg9[%dma_start3A_33, %dma_start3A_40] : memref<2x128xi32, #tpu.memory_space<vmem>> -> memref<1x128xi32, #tpu.memory_space<vmem>>
      %dma_start3A_42 = tpu.memref_squeeze %dma_start3A_41 : memref<1x128xi32, #tpu.memory_space<vmem>> -> memref<128xi32, #tpu.memory_space<vmem>>
      %dma_start3A_43 = arith.constant 0 : i32
      %dma_start3A_44 = tpu.memref_slice %arg4[%arg1, %dma_start3A_32, %dma_start3A_43] : memref<16x82x128xi32, #tpu.memory_space<hbm>> -> memref<1x1x128xi32, #tpu.memory_space<hbm>>
      %dma_start3A_45 = tpu.memref_squeeze %dma_start3A_44 : memref<1x1x128xi32, #tpu.memory_space<hbm>> -> memref<128xi32, #tpu.memory_space<hbm>>
      tpu.enqueue_dma source(%dma_start3A_45 : memref<128xi32, #tpu.memory_space<hbm>>) target(%dma_start3A_42 : memref<128xi32, #tpu.memory_space<vmem>>) target_semaphore(%arg19 : memref<!tpu.dma_semaphore, #tpu.memory_space<semaphore_mem>>)
      %dma_wait3A = arith.constant 0 : i32
      %dma_wait3A_46 = arith.constant 0 : i32
      %dma_wait3A_47 = arith.constant 0 : i32
      %dma_wait3A_48 = tpu.memref_slice %arg9[%dma_wait3A_46, %dma_wait3A_47] : memref<2x128xi32, #tpu.memory_space<vmem>> -> memref<1x128xi32, #tpu.memory_space<vmem>>
      %dma_wait3A_49 = tpu.memref_squeeze %dma_wait3A_48 : memref<1x128xi32, #tpu.memory_space<vmem>> -> memref<128xi32, #tpu.memory_space<vmem>>
      %dma_wait3A_50 = arith.constant 0 : i32
      %dma_wait3A_51 = tpu.memref_slice %arg4[%arg1, %dma_wait3A, %dma_wait3A_50] : memref<16x82x128xi32, #tpu.memory_space<hbm>> -> memref<1x1x128xi32, #tpu.memory_space<hbm>>
      %dma_wait3A_52 = tpu.memref_squeeze %dma_wait3A_51 : memref<1x1x128xi32, #tpu.memory_space<hbm>> -> memref<128xi32, #tpu.memory_space<hbm>>
      %dma_wait3A_53 = arith.constant 0 : i32
      %dma_wait3A_54 = tpu.memref_slice %arg9[%dma_wait3A_46, %dma_wait3A_53] : memref<2x128xi32, #tpu.memory_space<vmem>> -> memref<1x128xi32, #tpu.memory_space<vmem>>
      %dma_wait3A_55 = tpu.memref_squeeze %dma_wait3A_54 : memref<1x128xi32, #tpu.memory_space<vmem>> -> memref<128xi32, #tpu.memory_space<vmem>>
      %dma_wait3A_56 = arith.constant 0 : i32
      %dma_wait3A_57 = tpu.memref_slice %arg4[%arg1, %dma_wait3A, %dma_wait3A_56] : memref<16x82x128xi32, #tpu.memory_space<hbm>> -> memref<1x1x128xi32, #tpu.memory_space<hbm>>
      %dma_wait3A_58 = tpu.memref_squeeze %dma_wait3A_57 : memref<1x1x128xi32, #tpu.memory_space<hbm>> -> memref<128xi32, #tpu.memory_space<hbm>>
      tpu.wait_dma2 semaphore(%arg18 : memref<!tpu.dma_semaphore, #tpu.memory_space<semaphore_mem>>) src(%dma_wait3A_58 : memref<128xi32, #tpu.memory_space<hbm>>) dst(%dma_wait3A_55 : memref<128xi32, #tpu.memory_space<vmem>>)
      %dma_start3A_59 = arith.constant 0 : i32
      %dma_start3A_60 = arith.constant 0 : i32
      %dma_start3A_61 = tpu.memref_slice %arg9[%dma_start3A_59, %dma_start3A_60] : memref<2x128xi32, #tpu.memory_space<vmem>> -> memref<1x128xi32, #tpu.memory_space<vmem>>
      %dma_start3A_62 = tpu.memref_squeeze %dma_start3A_61 : memref<1x128xi32, #tpu.memory_space<vmem>> -> memref<128xi32, #tpu.memory_space<vmem>>
      %dma_start3A_63 = arith.constant 0 : i32
      %dma_start3A_64 = arith.constant 0 : i32
      %dma_start3A_65 = tpu.memref_slice %arg3[%dma_start3A_63, %dma_start3A_64] : memref<10000x128xf32, #tpu.memory_space<hbm>> -> memref<10000x128xf32, #tpu.memory_space<hbm>>
      tpu.enqueue_indirect_dma source(%dma_start3A_65 : memref<10000x128xf32, #tpu.memory_space<hbm>>) target(%arg11 : memref<128x128xf32, #tpu.memory_space<vmem>>) offsets(%dma_start3A_62 : memref<128xi32, #tpu.memory_space<vmem>>) semaphore(%arg14 : memref<!tpu.dma_semaphore, #tpu.memory_space<semaphore_mem>>)
      %dma_wait3A_66 = arith.constant 0 : i32
      %dma_wait3A_67 = arith.constant 0 : i32
      %dma_wait3A_68 = tpu.memref_slice %arg9[%dma_wait3A_66, %dma_wait3A_67] : memref<2x128xi32, #tpu.memory_space<vmem>> -> memref<1x128xi32, #tpu.memory_space<vmem>>
      %dma_wait3A_69 = tpu.memref_squeeze %dma_wait3A_68 : memref<1x128xi32, #tpu.memory_space<vmem>> -> memref<128xi32, #tpu.memory_space<vmem>>
      %dma_wait3A_70 = arith.constant 0 : i32
      %dma_wait3A_71 = arith.constant 0 : i32
      %dma_wait3A_72 = tpu.memref_slice %arg3[%dma_wait3A_70, %dma_wait3A_71] : memref<10000x128xf32, #tpu.memory_space<hbm>> -> memref<10000x128xf32, #tpu.memory_space<hbm>>
      tpu.wait_indirect_dma semaphore(%arg14 : memref<!tpu.dma_semaphore, #tpu.memory_space<semaphore_mem>>) src(%dma_wait3A_72 : memref<10000x128xf32, #tpu.memory_space<hbm>>) dst(%arg11 : memref<128x128xf32, #tpu.memory_space<vmem>>)
      %dma_start3A_73 = arith.constant 2 : i32
      %dma_start3A_74 = arith.constant 0 : i32
      %dma_start3A_75 = arith.constant 0 : i32
      %dma_start3A_76 = tpu.memref_slice %arg9[%dma_start3A_74, %dma_start3A_75] : memref<2x128xi32, #tpu.memory_space<vmem>> -> memref<1x128xi32, #tpu.memory_space<vmem>>
      %dma_start3A_77 = tpu.memref_squeeze %dma_start3A_76 : memref<1x128xi32, #tpu.memory_space<vmem>> -> memref<128xi32, #tpu.memory_space<vmem>>
      %dma_start3A_78 = arith.constant 0 : i32
      %dma_start3A_79 = tpu.memref_slice %arg4[%arg1, %dma_start3A_73, %dma_start3A_78] : memref<16x82x128xi32, #tpu.memory_space<hbm>> -> memref<1x1x128xi32, #tpu.memory_space<hbm>>
      %dma_start3A_80 = tpu.memref_squeeze %dma_start3A_79 : memref<1x1x128xi32, #tpu.memory_space<hbm>> -> memref<128xi32, #tpu.memory_space<hbm>>
      %dma_start3A_81 = arith.constant 0 : i32
      %dma_start3A_82 = tpu.memref_slice %arg9[%dma_start3A_74, %dma_start3A_81] : memref<2x128xi32, #tpu.memory_space<vmem>> -> memref<1x128xi32, #tpu.memory_space<vmem>>
      %dma_start3A_83 = tpu.memref_squeeze %dma_start3A_82 : memref<1x128xi32, #tpu.memory_space<vmem>> -> memref<128xi32, #tpu.memory_space<vmem>>
      %dma_start3A_84 = arith.constant 0 : i32
      %dma_start3A_85 = tpu.memref_slice %arg4[%arg1, %dma_start3A_73, %dma_start3A_84] : memref<16x82x128xi32, #tpu.memory_space<hbm>> -> memref<1x1x128xi32, #tpu.memory_space<hbm>>
      %dma_start3A_86 = tpu.memref_squeeze %dma_start3A_85 : memref<1x1x128xi32, #tpu.memory_space<hbm>> -> memref<128xi32, #tpu.memory_space<hbm>>
      tpu.enqueue_dma source(%dma_start3A_86 : memref<128xi32, #tpu.memory_space<hbm>>) target(%dma_start3A_83 : memref<128xi32, #tpu.memory_space<vmem>>) target_semaphore(%arg18 : memref<!tpu.dma_semaphore, #tpu.memory_space<semaphore_mem>>)
      %dma_start3A_87 = arith.constant 0 : i32
      %dma_start3A_88 = arith.constant 0 : i32
      %dma_start3A_89 = tpu.memref_slice %arg10[%dma_start3A_87, %dma_start3A_88] : memref<80x128xi32, #tpu.memory_space<vmem>> -> memref<1x128xi32, #tpu.memory_space<vmem>>
      %dma_start3A_90 = tpu.memref_squeeze %dma_start3A_89 : memref<1x128xi32, #tpu.memory_space<vmem>> -> memref<128xi32, #tpu.memory_space<vmem>>
      %dma_start3A_91 = arith.constant 0 : i32
      %dma_start3A_92 = arith.constant 0 : i32
      %dma_start3A_93 = tpu.memref_slice %arg13[%dma_start3A_91, %dma_start3A_92] : memref<10112x128xf32, #tpu.memory_space<vmem_shared>> -> memref<10112x128xf32, #tpu.memory_space<vmem_shared>>
      tpu.enqueue_indirect_dma source(%arg11 : memref<128x128xf32, #tpu.memory_space<vmem>>) target(%dma_start3A_93 : memref<10112x128xf32, #tpu.memory_space<vmem_shared>>) offsets(%dma_start3A_90 : memref<128xi32, #tpu.memory_space<vmem>>) semaphore(%arg16 : memref<!tpu.dma_semaphore, #tpu.memory_space<semaphore_mem>>) {add = true}
      %dma_wait3A_94 = arith.constant 1 : i32
      %dma_wait3A_95 = arith.constant 1 : i32
      %dma_wait3A_96 = arith.constant 0 : i32
      %dma_wait3A_97 = tpu.memref_slice %arg9[%dma_wait3A_95, %dma_wait3A_96] : memref<2x128xi32, #tpu.memory_space<vmem>> -> memref<1x128xi32, #tpu.memory_space<vmem>>
      %dma_wait3A_98 = tpu.memref_squeeze %dma_wait3A_97 : memref<1x128xi32, #tpu.memory_space<vmem>> -> memref<128xi32, #tpu.memory_space<vmem>>
      %dma_wait3A_99 = arith.constant 0 : i32
      %dma_wait3A_100 = tpu.memref_slice %arg4[%arg1, %dma_wait3A_94, %dma_wait3A_99] : memref<16x82x128xi32, #tpu.memory_space<hbm>> -> memref<1x1x128xi32, #tpu.memory_space<hbm>>
      %dma_wait3A_101 = tpu.memref_squeeze %dma_wait3A_100 : memref<1x1x128xi32, #tpu.memory_space<hbm>> -> memref<128xi32, #tpu.memory_space<hbm>>
      %dma_wait3A_102 = arith.constant 0 : i32
      %dma_wait3A_103 = tpu.memref_slice %arg9[%dma_wait3A_95, %dma_wait3A_102] : memref<2x128xi32, #tpu.memory_space<vmem>> -> memref<1x128xi32, #tpu.memory_space<vmem>>
      %dma_wait3A_104 = tpu.memref_squeeze %dma_wait3A_103 : memref<1x128xi32, #tpu.memory_space<vmem>> -> memref<128xi32, #tpu.memory_space<vmem>>
      %dma_wait3A_105 = arith.constant 0 : i32
      %dma_wait3A_106 = tpu.memref_slice %arg4[%arg1, %dma_wait3A_94, %dma_wait3A_105] : memref<16x82x128xi32, #tpu.memory_space<hbm>> -> memref<1x1x128xi32, #tpu.memory_space<hbm>>
      %dma_wait3A_107 = tpu.memref_squeeze %dma_wait3A_106 : memref<1x1x128xi32, #tpu.memory_space<hbm>> -> memref<128xi32, #tpu.memory_space<hbm>>
      tpu.wait_dma2 semaphore(%arg19 : memref<!tpu.dma_semaphore, #tpu.memory_space<semaphore_mem>>) src(%dma_wait3A_107 : memref<128xi32, #tpu.memory_space<hbm>>) dst(%dma_wait3A_104 : memref<128xi32, #tpu.memory_space<vmem>>)
      %dma_start3A_108 = arith.constant 1 : i32
      %dma_start3A_109 = arith.constant 0 : i32
      %dma_start3A_110 = tpu.memref_slice %arg9[%dma_start3A_108, %dma_start3A_109] : memref<2x128xi32, #tpu.memory_space<vmem>> -> memref<1x128xi32, #tpu.memory_space<vmem>>
      %dma_start3A_111 = tpu.memref_squeeze %dma_start3A_110 : memref<1x128xi32, #tpu.memory_space<vmem>> -> memref<128xi32, #tpu.memory_space<vmem>>
      %dma_start3A_112 = arith.constant 0 : i32
      %dma_start3A_113 = arith.constant 0 : i32
      %dma_start3A_114 = tpu.memref_slice %arg3[%dma_start3A_112, %dma_start3A_113] : memref<10000x128xf32, #tpu.memory_space<hbm>> -> memref<10000x128xf32, #tpu.memory_space<hbm>>
      tpu.enqueue_indirect_dma source(%dma_start3A_114 : memref<10000x128xf32, #tpu.memory_space<hbm>>) target(%arg12 : memref<128x128xf32, #tpu.memory_space<vmem>>) offsets(%dma_start3A_111 : memref<128xi32, #tpu.memory_space<vmem>>) semaphore(%arg15 : memref<!tpu.dma_semaphore, #tpu.memory_space<semaphore_mem>>)
      %scan3A = arith.constant 0 : i32
      %scan3A_115 = arith.constant 39 : i32
      %scan3A_116 = arith.addi %scan3A, %scan3A_115 : i32
      %scan3A_117 = arith.constant 1 : i32
      scf.for %scan3A_189 = %scan3A to %scan3A_116 step %scan3A_117  : i32 {
        %mul3A_190 = arith.constant 2 : i32
        %mul3A_191 = arith.muli %scan3A_189, %mul3A_190 : i32
        %add3A = arith.constant 1 : i32
        %add3A_192 = arith.addi %add3A, %mul3A_191 : i32
        %dma_wait3A_193 = arith.constant 1 : i32
        %dma_wait3A_194 = arith.constant 0 : i32
        %dma_wait3A_195 = tpu.memref_slice %arg9[%dma_wait3A_193, %dma_wait3A_194] : memref<2x128xi32, #tpu.memory_space<vmem>> -> memref<1x128xi32, #tpu.memory_space<vmem>>
        %dma_wait3A_196 = tpu.memref_squeeze %dma_wait3A_195 : memref<1x128xi32, #tpu.memory_space<vmem>> -> memref<128xi32, #tpu.memory_space<vmem>>
        %dma_wait3A_197 = arith.constant 0 : i32
        %dma_wait3A_198 = arith.constant 0 : i32
        %dma_wait3A_199 = tpu.memref_slice %arg3[%dma_wait3A_197, %dma_wait3A_198] : memref<10000x128xf32, #tpu.memory_space<hbm>> -> memref<10000x128xf32, #tpu.memory_space<hbm>>
        tpu.wait_indirect_dma semaphore(%arg15 : memref<!tpu.dma_semaphore, #tpu.memory_space<semaphore_mem>>) src(%dma_wait3A_199 : memref<10000x128xf32, #tpu.memory_space<hbm>>) dst(%arg12 : memref<128x128xf32, #tpu.memory_space<vmem>>)
        %add3A_200 = arith.constant 2 : i32
        %add3A_201 = arith.addi %add3A_192, %add3A_200 : i32
        %dma_start3A_202 = arith.constant 1 : i32
        %dma_start3A_203 = arith.constant 0 : i32
        %dma_start3A_204 = tpu.memref_slice %arg9[%dma_start3A_202, %dma_start3A_203] : memref<2x128xi32, #tpu.memory_space<vmem>> -> memref<1x128xi32, #tpu.memory_space<vmem>>
        %dma_start3A_205 = tpu.memref_squeeze %dma_start3A_204 : memref<1x128xi32, #tpu.memory_space<vmem>> -> memref<128xi32, #tpu.memory_space<vmem>>
        %dma_start3A_206 = arith.constant 0 : i32
        %dma_start3A_207 = tpu.memref_slice %arg4[%arg1, %add3A_201, %dma_start3A_206] : memref<16x82x128xi32, #tpu.memory_space<hbm>> -> memref<1x1x128xi32, #tpu.memory_space<hbm>>
        %dma_start3A_208 = tpu.memref_squeeze %dma_start3A_207 : memref<1x1x128xi32, #tpu.memory_space<hbm>> -> memref<128xi32, #tpu.memory_space<hbm>>
        %dma_start3A_209 = arith.constant 0 : i32
        %dma_start3A_210 = tpu.memref_slice %arg9[%dma_start3A_202, %dma_start3A_209] : memref<2x128xi32, #tpu.memory_space<vmem>> -> memref<1x128xi32, #tpu.memory_space<vmem>>
        %dma_start3A_211 = tpu.memref_squeeze %dma_start3A_210 : memref<1x128xi32, #tpu.memory_space<vmem>> -> memref<128xi32, #tpu.memory_space<vmem>>
        %dma_start3A_212 = arith.constant 0 : i32
        %dma_start3A_213 = tpu.memref_slice %arg4[%arg1, %add3A_201, %dma_start3A_212] : memref<16x82x128xi32, #tpu.memory_space<hbm>> -> memref<1x1x128xi32, #tpu.memory_space<hbm>>
        %dma_start3A_214 = tpu.memref_squeeze %dma_start3A_213 : memref<1x1x128xi32, #tpu.memory_space<hbm>> -> memref<128xi32, #tpu.memory_space<hbm>>
        tpu.enqueue_dma source(%dma_start3A_214 : memref<128xi32, #tpu.memory_space<hbm>>) target(%dma_start3A_211 : memref<128xi32, #tpu.memory_space<vmem>>) target_semaphore(%arg19 : memref<!tpu.dma_semaphore, #tpu.memory_space<semaphore_mem>>)
        %dma_start3A_215 = arith.constant 0 : i32
        %dma_start3A_216 = tpu.memref_slice %arg10[%add3A_192, %dma_start3A_215] : memref<80x128xi32, #tpu.memory_space<vmem>> -> memref<1x128xi32, #tpu.memory_space<vmem>>
        %dma_start3A_217 = tpu.memref_squeeze %dma_start3A_216 : memref<1x128xi32, #tpu.memory_space<vmem>> -> memref<128xi32, #tpu.memory_space<vmem>>
        %dma_start3A_218 = arith.constant 0 : i32
        %dma_start3A_219 = arith.constant 0 : i32
        %dma_start3A_220 = tpu.memref_slice %arg13[%dma_start3A_218, %dma_start3A_219] : memref<10112x128xf32, #tpu.memory_space<vmem_shared>> -> memref<10112x128xf32, #tpu.memory_space<vmem_shared>>
        tpu.enqueue_indirect_dma source(%arg12 : memref<128x128xf32, #tpu.memory_space<vmem>>) target(%dma_start3A_220 : memref<10112x128xf32, #tpu.memory_space<vmem_shared>>) offsets(%dma_start3A_217 : memref<128xi32, #tpu.memory_space<vmem>>) semaphore(%arg17 : memref<!tpu.dma_semaphore, #tpu.memory_space<semaphore_mem>>) {add = true}
        %sub3A = arith.constant 1 : i32
        %sub3A_221 = arith.subi %add3A_192, %sub3A : i32
        %dma_wait3A_222 = arith.constant 0 : i32
        %dma_wait3A_223 = tpu.memref_slice %arg10[%sub3A_221, %dma_wait3A_222] : memref<80x128xi32, #tpu.memory_space<vmem>> -> memref<1x128xi32, #tpu.memory_space<vmem>>
        %dma_wait3A_224 = tpu.memref_squeeze %dma_wait3A_223 : memref<1x128xi32, #tpu.memory_space<vmem>> -> memref<128xi32, #tpu.memory_space<vmem>>
        %dma_wait3A_225 = arith.constant 0 : i32
        %dma_wait3A_226 = arith.constant 0 : i32
        %dma_wait3A_227 = tpu.memref_slice %arg13[%dma_wait3A_225, %dma_wait3A_226] : memref<10112x128xf32, #tpu.memory_space<vmem_shared>> -> memref<10112x128xf32, #tpu.memory_space<vmem_shared>>
        tpu.wait_indirect_dma semaphore(%arg16 : memref<!tpu.dma_semaphore, #tpu.memory_space<semaphore_mem>>) src(%arg11 : memref<128x128xf32, #tpu.memory_space<vmem>>) dst(%dma_wait3A_227 : memref<10112x128xf32, #tpu.memory_space<vmem_shared>>)
        %add3A_228 = arith.constant 1 : i32
        %add3A_229 = arith.addi %add3A_192, %add3A_228 : i32
        %dma_wait3A_230 = arith.constant 0 : i32
        %dma_wait3A_231 = arith.constant 0 : i32
        %dma_wait3A_232 = tpu.memref_slice %arg9[%dma_wait3A_230, %dma_wait3A_231] : memref<2x128xi32, #tpu.memory_space<vmem>> -> memref<1x128xi32, #tpu.memory_space<vmem>>
        %dma_wait3A_233 = tpu.memref_squeeze %dma_wait3A_232 : memref<1x128xi32, #tpu.memory_space<vmem>> -> memref<128xi32, #tpu.memory_space<vmem>>
        %dma_wait3A_234 = arith.constant 0 : i32
        %dma_wait3A_235 = tpu.memref_slice %arg4[%arg1, %add3A_229, %dma_wait3A_234] : memref<16x82x128xi32, #tpu.memory_space<hbm>> -> memref<1x1x128xi32, #tpu.memory_space<hbm>>
        %dma_wait3A_236 = tpu.memref_squeeze %dma_wait3A_235 : memref<1x1x128xi32, #tpu.memory_space<hbm>> -> memref<128xi32, #tpu.memory_space<hbm>>
        %dma_wait3A_237 = arith.constant 0 : i32
        %dma_wait3A_238 = tpu.memref_slice %arg9[%dma_wait3A_230, %dma_wait3A_237] : memref<2x128xi32, #tpu.memory_space<vmem>> -> memref<1x128xi32, #tpu.memory_space<vmem>>
        %dma_wait3A_239 = tpu.memref_squeeze %dma_wait3A_238 : memref<1x128xi32, #tpu.memory_space<vmem>> -> memref<128xi32, #tpu.memory_space<vmem>>
        %dma_wait3A_240 = arith.constant 0 : i32
        %dma_wait3A_241 = tpu.memref_slice %arg4[%arg1, %add3A_229, %dma_wait3A_240] : memref<16x82x128xi32, #tpu.memory_space<hbm>> -> memref<1x1x128xi32, #tpu.memory_space<hbm>>
        %dma_wait3A_242 = tpu.memref_squeeze %dma_wait3A_241 : memref<1x1x128xi32, #tpu.memory_space<hbm>> -> memref<128xi32, #tpu.memory_space<hbm>>
        tpu.wait_dma2 semaphore(%arg18 : memref<!tpu.dma_semaphore, #tpu.memory_space<semaphore_mem>>) src(%dma_wait3A_242 : memref<128xi32, #tpu.memory_space<hbm>>) dst(%dma_wait3A_239 : memref<128xi32, #tpu.memory_space<vmem>>)
        %dma_start3A_243 = arith.constant 0 : i32
        %dma_start3A_244 = arith.constant 0 : i32
        %dma_start3A_245 = tpu.memref_slice %arg9[%dma_start3A_243, %dma_start3A_244] : memref<2x128xi32, #tpu.memory_space<vmem>> -> memref<1x128xi32, #tpu.memory_space<vmem>>
        %dma_start3A_246 = tpu.memref_squeeze %dma_start3A_245 : memref<1x128xi32, #tpu.memory_space<vmem>> -> memref<128xi32, #tpu.memory_space<vmem>>
        %dma_start3A_247 = arith.constant 0 : i32
        %dma_start3A_248 = arith.constant 0 : i32
        %dma_start3A_249 = tpu.memref_slice %arg3[%dma_start3A_247, %dma_start3A_248] : memref<10000x128xf32, #tpu.memory_space<hbm>> -> memref<10000x128xf32, #tpu.memory_space<hbm>>
        tpu.enqueue_indirect_dma source(%dma_start3A_249 : memref<10000x128xf32, #tpu.memory_space<hbm>>) target(%arg11 : memref<128x128xf32, #tpu.memory_space<vmem>>) offsets(%dma_start3A_246 : memref<128xi32, #tpu.memory_space<vmem>>) semaphore(%arg14 : memref<!tpu.dma_semaphore, #tpu.memory_space<semaphore_mem>>)
        %add3A_250 = arith.constant 1 : i32
        %add3A_251 = arith.addi %add3A_192, %add3A_250 : i32
        %dma_wait3A_252 = arith.constant 0 : i32
        %dma_wait3A_253 = arith.constant 0 : i32
        %dma_wait3A_254 = tpu.memref_slice %arg9[%dma_wait3A_252, %dma_wait3A_253] : memref<2x128xi32, #tpu.memory_space<vmem>> -> memref<1x128xi32, #tpu.memory_space<vmem>>
        %dma_wait3A_255 = tpu.memref_squeeze %dma_wait3A_254 : memref<1x128xi32, #tpu.memory_space<vmem>> -> memref<128xi32, #tpu.memory_space<vmem>>
        %dma_wait3A_256 = arith.constant 0 : i32
        %dma_wait3A_257 = arith.constant 0 : i32
        %dma_wait3A_258 = tpu.memref_slice %arg3[%dma_wait3A_256, %dma_wait3A_257] : memref<10000x128xf32, #tpu.memory_space<hbm>> -> memref<10000x128xf32, #tpu.memory_space<hbm>>
        tpu.wait_indirect_dma semaphore(%arg14 : memref<!tpu.dma_semaphore, #tpu.memory_space<semaphore_mem>>) src(%dma_wait3A_258 : memref<10000x128xf32, #tpu.memory_space<hbm>>) dst(%arg11 : memref<128x128xf32, #tpu.memory_space<vmem>>)
        %add3A_259 = arith.constant 2 : i32
        %add3A_260 = arith.addi %add3A_251, %add3A_259 : i32
        %dma_start3A_261 = arith.constant 0 : i32
        %dma_start3A_262 = arith.constant 0 : i32
        %dma_start3A_263 = tpu.memref_slice %arg9[%dma_start3A_261, %dma_start3A_262] : memref<2x128xi32, #tpu.memory_space<vmem>> -> memref<1x128xi32, #tpu.memory_space<vmem>>
        %dma_start3A_264 = tpu.memref_squeeze %dma_start3A_263 : memref<1x128xi32, #tpu.memory_space<vmem>> -> memref<128xi32, #tpu.memory_space<vmem>>
        %dma_start3A_265 = arith.constant 0 : i32
        %dma_start3A_266 = tpu.memref_slice %arg4[%arg1, %add3A_260, %dma_start3A_265] : memref<16x82x128xi32, #tpu.memory_space<hbm>> -> memref<1x1x128xi32, #tpu.memory_space<hbm>>
        %dma_start3A_267 = tpu.memref_squeeze %dma_start3A_266 : memref<1x1x128xi32, #tpu.memory_space<hbm>> -> memref<128xi32, #tpu.memory_space<hbm>>
        %dma_start3A_268 = arith.constant 0 : i32
        %dma_start3A_269 = tpu.memref_slice %arg9[%dma_start3A_261, %dma_start3A_268] : memref<2x128xi32, #tpu.memory_space<vmem>> -> memref<1x128xi32, #tpu.memory_space<vmem>>
        %dma_start3A_270 = tpu.memref_squeeze %dma_start3A_269 : memref<1x128xi32, #tpu.memory_space<vmem>> -> memref<128xi32, #tpu.memory_space<vmem>>
        %dma_start3A_271 = arith.constant 0 : i32
        %dma_start3A_272 = tpu.memref_slice %arg4[%arg1, %add3A_260, %dma_start3A_271] : memref<16x82x128xi32, #tpu.memory_space<hbm>> -> memref<1x1x128xi32, #tpu.memory_space<hbm>>
        %dma_start3A_273 = tpu.memref_squeeze %dma_start3A_272 : memref<1x1x128xi32, #tpu.memory_space<hbm>> -> memref<128xi32, #tpu.memory_space<hbm>>
        tpu.enqueue_dma source(%dma_start3A_273 : memref<128xi32, #tpu.memory_space<hbm>>) target(%dma_start3A_270 : memref<128xi32, #tpu.memory_space<vmem>>) target_semaphore(%arg18 : memref<!tpu.dma_semaphore, #tpu.memory_space<semaphore_mem>>)
        %dma_start3A_274 = arith.constant 0 : i32
        %dma_start3A_275 = tpu.memref_slice %arg10[%add3A_251, %dma_start3A_274] : memref<80x128xi32, #tpu.memory_space<vmem>> -> memref<1x128xi32, #tpu.memory_space<vmem>>
        %dma_start3A_276 = tpu.memref_squeeze %dma_start3A_275 : memref<1x128xi32, #tpu.memory_space<vmem>> -> memref<128xi32, #tpu.memory_space<vmem>>
        %dma_start3A_277 = arith.constant 0 : i32
        %dma_start3A_278 = arith.constant 0 : i32
        %dma_start3A_279 = tpu.memref_slice %arg13[%dma_start3A_277, %dma_start3A_278] : memref<10112x128xf32, #tpu.memory_space<vmem_shared>> -> memref<10112x128xf32, #tpu.memory_space<vmem_shared>>
        tpu.enqueue_indirect_dma source(%arg11 : memref<128x128xf32, #tpu.memory_space<vmem>>) target(%dma_start3A_279 : memref<10112x128xf32, #tpu.memory_space<vmem_shared>>) offsets(%dma_start3A_276 : memref<128xi32, #tpu.memory_space<vmem>>) semaphore(%arg16 : memref<!tpu.dma_semaphore, #tpu.memory_space<semaphore_mem>>) {add = true}
        %sub3A_280 = arith.constant 1 : i32
        %sub3A_281 = arith.subi %add3A_251, %sub3A_280 : i32
        %dma_wait3A_282 = arith.constant 0 : i32
        %dma_wait3A_283 = tpu.memref_slice %arg10[%sub3A_281, %dma_wait3A_282] : memref<80x128xi32, #tpu.memory_space<vmem>> -> memref<1x128xi32, #tpu.memory_space<vmem>>
        %dma_wait3A_284 = tpu.memref_squeeze %dma_wait3A_283 : memref<1x128xi32, #tpu.memory_space<vmem>> -> memref<128xi32, #tpu.memory_space<vmem>>
        %dma_wait3A_285 = arith.constant 0 : i32
        %dma_wait3A_286 = arith.constant 0 : i32
        %dma_wait3A_287 = tpu.memref_slice %arg13[%dma_wait3A_285, %dma_wait3A_286] : memref<10112x128xf32, #tpu.memory_space<vmem_shared>> -> memref<10112x128xf32, #tpu.memory_space<vmem_shared>>
        tpu.wait_indirect_dma semaphore(%arg17 : memref<!tpu.dma_semaphore, #tpu.memory_space<semaphore_mem>>) src(%arg12 : memref<128x128xf32, #tpu.memory_space<vmem>>) dst(%dma_wait3A_287 : memref<10112x128xf32, #tpu.memory_space<vmem_shared>>)
        %add3A_288 = arith.constant 1 : i32
        %add3A_289 = arith.addi %add3A_251, %add3A_288 : i32
        %dma_wait3A_290 = arith.constant 1 : i32
        %dma_wait3A_291 = arith.constant 0 : i32
        %dma_wait3A_292 = tpu.memref_slice %arg9[%dma_wait3A_290, %dma_wait3A_291] : memref<2x128xi32, #tpu.memory_space<vmem>> -> memref<1x128xi32, #tpu.memory_space<vmem>>
        %dma_wait3A_293 = tpu.memref_squeeze %dma_wait3A_292 : memref<1x128xi32, #tpu.memory_space<vmem>> -> memref<128xi32, #tpu.memory_space<vmem>>
        %dma_wait3A_294 = arith.constant 0 : i32
        %dma_wait3A_295 = tpu.memref_slice %arg4[%arg1, %add3A_289, %dma_wait3A_294] : memref<16x82x128xi32, #tpu.memory_space<hbm>> -> memref<1x1x128xi32, #tpu.memory_space<hbm>>
        %dma_wait3A_296 = tpu.memref_squeeze %dma_wait3A_295 : memref<1x1x128xi32, #tpu.memory_space<hbm>> -> memref<128xi32, #tpu.memory_space<hbm>>
        %dma_wait3A_297 = arith.constant 0 : i32
        %dma_wait3A_298 = tpu.memref_slice %arg9[%dma_wait3A_290, %dma_wait3A_297] : memref<2x128xi32, #tpu.memory_space<vmem>> -> memref<1x128xi32, #tpu.memory_space<vmem>>
        %dma_wait3A_299 = tpu.memref_squeeze %dma_wait3A_298 : memref<1x128xi32, #tpu.memory_space<vmem>> -> memref<128xi32, #tpu.memory_space<vmem>>
        %dma_wait3A_300 = arith.constant 0 : i32
        %dma_wait3A_301 = tpu.memref_slice %arg4[%arg1, %add3A_289, %dma_wait3A_300] : memref<16x82x128xi32, #tpu.memory_space<hbm>> -> memref<1x1x128xi32, #tpu.memory_space<hbm>>
        %dma_wait3A_302 = tpu.memref_squeeze %dma_wait3A_301 : memref<1x1x128xi32, #tpu.memory_space<hbm>> -> memref<128xi32, #tpu.memory_space<hbm>>
        tpu.wait_dma2 semaphore(%arg19 : memref<!tpu.dma_semaphore, #tpu.memory_space<semaphore_mem>>) src(%dma_wait3A_302 : memref<128xi32, #tpu.memory_space<hbm>>) dst(%dma_wait3A_299 : memref<128xi32, #tpu.memory_space<vmem>>)
        %dma_start3A_303 = arith.constant 1 : i32
        %dma_start3A_304 = arith.constant 0 : i32
        %dma_start3A_305 = tpu.memref_slice %arg9[%dma_start3A_303, %dma_start3A_304] : memref<2x128xi32, #tpu.memory_space<vmem>> -> memref<1x128xi32, #tpu.memory_space<vmem>>
        %dma_start3A_306 = tpu.memref_squeeze %dma_start3A_305 : memref<1x128xi32, #tpu.memory_space<vmem>> -> memref<128xi32, #tpu.memory_space<vmem>>
        %dma_start3A_307 = arith.constant 0 : i32
        %dma_start3A_308 = arith.constant 0 : i32
        %dma_start3A_309 = tpu.memref_slice %arg3[%dma_start3A_307, %dma_start3A_308] : memref<10000x128xf32, #tpu.memory_space<hbm>> -> memref<10000x128xf32, #tpu.memory_space<hbm>>
        tpu.enqueue_indirect_dma source(%dma_start3A_309 : memref<10000x128xf32, #tpu.memory_space<hbm>>) target(%arg12 : memref<128x128xf32, #tpu.memory_space<vmem>>) offsets(%dma_start3A_306 : memref<128xi32, #tpu.memory_space<vmem>>) semaphore(%arg15 : memref<!tpu.dma_semaphore, #tpu.memory_space<semaphore_mem>>)
      }
      %scan3A_118 = arith.constant 39 : i32
      %dma_wait3A_119 = arith.constant 1 : i32
      %dma_wait3A_120 = arith.constant 0 : i32
      %dma_wait3A_121 = tpu.memref_slice %arg9[%dma_wait3A_119, %dma_wait3A_120] : memref<2x128xi32, #tpu.memory_space<vmem>> -> memref<1x128xi32, #tpu.memory_space<vmem>>
      %dma_wait3A_122 = tpu.memref_squeeze %dma_wait3A_121 : memref<1x128xi32, #tpu.memory_space<vmem>> -> memref<128xi32, #tpu.memory_space<vmem>>
      %dma_wait3A_123 = arith.constant 0 : i32
      %dma_wait3A_124 = arith.constant 0 : i32
      %dma_wait3A_125 = tpu.memref_slice %arg3[%dma_wait3A_123, %dma_wait3A_124] : memref<10000x128xf32, #tpu.memory_space<hbm>> -> memref<10000x128xf32, #tpu.memory_space<hbm>>
      tpu.wait_indirect_dma semaphore(%arg15 : memref<!tpu.dma_semaphore, #tpu.memory_space<semaphore_mem>>) src(%dma_wait3A_125 : memref<10000x128xf32, #tpu.memory_space<hbm>>) dst(%arg12 : memref<128x128xf32, #tpu.memory_space<vmem>>)
      %dma_start3A_126 = arith.constant 81 : i32
      %dma_start3A_127 = arith.constant 1 : i32
      %dma_start3A_128 = arith.constant 0 : i32
      %dma_start3A_129 = tpu.memref_slice %arg9[%dma_start3A_127, %dma_start3A_128] : memref<2x128xi32, #tpu.memory_space<vmem>> -> memref<1x128xi32, #tpu.memory_space<vmem>>
      %dma_start3A_130 = tpu.memref_squeeze %dma_start3A_129 : memref<1x128xi32, #tpu.memory_space<vmem>> -> memref<128xi32, #tpu.memory_space<vmem>>
      %dma_start3A_131 = arith.constant 0 : i32
      %dma_start3A_132 = tpu.memref_slice %arg4[%arg1, %dma_start3A_126, %dma_start3A_131] : memref<16x82x128xi32, #tpu.memory_space<hbm>> -> memref<1x1x128xi32, #tpu.memory_space<hbm>>
      %dma_start3A_133 = tpu.memref_squeeze %dma_start3A_132 : memref<1x1x128xi32, #tpu.memory_space<hbm>> -> memref<128xi32, #tpu.memory_space<hbm>>
      %dma_start3A_134 = arith.constant 0 : i32
      %dma_start3A_135 = tpu.memref_slice %arg9[%dma_start3A_127, %dma_start3A_134] : memref<2x128xi32, #tpu.memory_space<vmem>> -> memref<1x128xi32, #tpu.memory_space<vmem>>
      %dma_start3A_136 = tpu.memref_squeeze %dma_start3A_135 : memref<1x128xi32, #tpu.memory_space<vmem>> -> memref<128xi32, #tpu.memory_space<vmem>>
      %dma_start3A_137 = arith.constant 0 : i32
      %dma_start3A_138 = tpu.memref_slice %arg4[%arg1, %dma_start3A_126, %dma_start3A_137] : memref<16x82x128xi32, #tpu.memory_space<hbm>> -> memref<1x1x128xi32, #tpu.memory_space<hbm>>
      %dma_start3A_139 = tpu.memref_squeeze %dma_start3A_138 : memref<1x1x128xi32, #tpu.memory_space<hbm>> -> memref<128xi32, #tpu.memory_space<hbm>>
      tpu.enqueue_dma source(%dma_start3A_139 : memref<128xi32, #tpu.memory_space<hbm>>) target(%dma_start3A_136 : memref<128xi32, #tpu.memory_space<vmem>>) target_semaphore(%arg19 : memref<!tpu.dma_semaphore, #tpu.memory_space<semaphore_mem>>)
      %dma_start3A_140 = arith.constant 79 : i32
      %dma_start3A_141 = arith.constant 0 : i32
      %dma_start3A_142 = tpu.memref_slice %arg10[%dma_start3A_140, %dma_start3A_141] : memref<80x128xi32, #tpu.memory_space<vmem>> -> memref<1x128xi32, #tpu.memory_space<vmem>>
      %dma_start3A_143 = tpu.memref_squeeze %dma_start3A_142 : memref<1x128xi32, #tpu.memory_space<vmem>> -> memref<128xi32, #tpu.memory_space<vmem>>
      %dma_start3A_144 = arith.constant 0 : i32
      %dma_start3A_145 = arith.constant 0 : i32
      %dma_start3A_146 = tpu.memref_slice %arg13[%dma_start3A_144, %dma_start3A_145] : memref<10112x128xf32, #tpu.memory_space<vmem_shared>> -> memref<10112x128xf32, #tpu.memory_space<vmem_shared>>
      tpu.enqueue_indirect_dma source(%arg12 : memref<128x128xf32, #tpu.memory_space<vmem>>) target(%dma_start3A_146 : memref<10112x128xf32, #tpu.memory_space<vmem_shared>>) offsets(%dma_start3A_143 : memref<128xi32, #tpu.memory_space<vmem>>) semaphore(%arg17 : memref<!tpu.dma_semaphore, #tpu.memory_space<semaphore_mem>>) {add = true}
      %dma_wait3A_147 = arith.constant 78 : i32
      %dma_wait3A_148 = arith.constant 0 : i32
      %dma_wait3A_149 = tpu.memref_slice %arg10[%dma_wait3A_147, %dma_wait3A_148] : memref<80x128xi32, #tpu.memory_space<vmem>> -> memref<1x128xi32, #tpu.memory_space<vmem>>
      %dma_wait3A_150 = tpu.memref_squeeze %dma_wait3A_149 : memref<1x128xi32, #tpu.memory_space<vmem>> -> memref<128xi32, #tpu.memory_space<vmem>>
      %dma_wait3A_151 = arith.constant 0 : i32
      %dma_wait3A_152 = arith.constant 0 : i32
      %dma_wait3A_153 = tpu.memref_slice %arg13[%dma_wait3A_151, %dma_wait3A_152] : memref<10112x128xf32, #tpu.memory_space<vmem_shared>> -> memref<10112x128xf32, #tpu.memory_space<vmem_shared>>
      tpu.wait_indirect_dma semaphore(%arg16 : memref<!tpu.dma_semaphore, #tpu.memory_space<semaphore_mem>>) src(%arg11 : memref<128x128xf32, #tpu.memory_space<vmem>>) dst(%dma_wait3A_153 : memref<10112x128xf32, #tpu.memory_space<vmem_shared>>)
      %dma_wait3A_154 = arith.constant 79 : i32
      %dma_wait3A_155 = arith.constant 0 : i32
      %dma_wait3A_156 = tpu.memref_slice %arg10[%dma_wait3A_154, %dma_wait3A_155] : memref<80x128xi32, #tpu.memory_space<vmem>> -> memref<1x128xi32, #tpu.memory_space<vmem>>
      %dma_wait3A_157 = tpu.memref_squeeze %dma_wait3A_156 : memref<1x128xi32, #tpu.memory_space<vmem>> -> memref<128xi32, #tpu.memory_space<vmem>>
      %dma_wait3A_158 = arith.constant 0 : i32
      %dma_wait3A_159 = arith.constant 0 : i32
      %dma_wait3A_160 = tpu.memref_slice %arg13[%dma_wait3A_158, %dma_wait3A_159] : memref<10112x128xf32, #tpu.memory_space<vmem_shared>> -> memref<10112x128xf32, #tpu.memory_space<vmem_shared>>
      tpu.wait_indirect_dma semaphore(%arg17 : memref<!tpu.dma_semaphore, #tpu.memory_space<semaphore_mem>>) src(%arg12 : memref<128x128xf32, #tpu.memory_space<vmem>>) dst(%dma_wait3A_160 : memref<10112x128xf32, #tpu.memory_space<vmem_shared>>)
      %dma_wait3A_161 = arith.constant 80 : i32
      %dma_wait3A_162 = arith.constant 0 : i32
      %dma_wait3A_163 = arith.constant 0 : i32
      %dma_wait3A_164 = tpu.memref_slice %arg9[%dma_wait3A_162, %dma_wait3A_163] : memref<2x128xi32, #tpu.memory_space<vmem>> -> memref<1x128xi32, #tpu.memory_space<vmem>>
      %dma_wait3A_165 = tpu.memref_squeeze %dma_wait3A_164 : memref<1x128xi32, #tpu.memory_space<vmem>> -> memref<128xi32, #tpu.memory_space<vmem>>
      %dma_wait3A_166 = arith.constant 0 : i32
      %dma_wait3A_167 = tpu.memref_slice %arg4[%arg1, %dma_wait3A_161, %dma_wait3A_166] : memref<16x82x128xi32, #tpu.memory_space<hbm>> -> memref<1x1x128xi32, #tpu.memory_space<hbm>>
      %dma_wait3A_168 = tpu.memref_squeeze %dma_wait3A_167 : memref<1x1x128xi32, #tpu.memory_space<hbm>> -> memref<128xi32, #tpu.memory_space<hbm>>
      %dma_wait3A_169 = arith.constant 0 : i32
      %dma_wait3A_170 = tpu.memref_slice %arg9[%dma_wait3A_162, %dma_wait3A_169] : memref<2x128xi32, #tpu.memory_space<vmem>> -> memref<1x128xi32, #tpu.memory_space<vmem>>
      %dma_wait3A_171 = tpu.memref_squeeze %dma_wait3A_170 : memref<1x128xi32, #tpu.memory_space<vmem>> -> memref<128xi32, #tpu.memory_space<vmem>>
      %dma_wait3A_172 = arith.constant 0 : i32
      %dma_wait3A_173 = tpu.memref_slice %arg4[%arg1, %dma_wait3A_161, %dma_wait3A_172] : memref<16x82x128xi32, #tpu.memory_space<hbm>> -> memref<1x1x128xi32, #tpu.memory_space<hbm>>
      %dma_wait3A_174 = tpu.memref_squeeze %dma_wait3A_173 : memref<1x1x128xi32, #tpu.memory_space<hbm>> -> memref<128xi32, #tpu.memory_space<hbm>>
      tpu.wait_dma2 semaphore(%arg18 : memref<!tpu.dma_semaphore, #tpu.memory_space<semaphore_mem>>) src(%dma_wait3A_174 : memref<128xi32, #tpu.memory_space<hbm>>) dst(%dma_wait3A_171 : memref<128xi32, #tpu.memory_space<vmem>>)
      %dma_wait3A_175 = arith.constant 81 : i32
      %dma_wait3A_176 = arith.constant 1 : i32
      %dma_wait3A_177 = arith.constant 0 : i32
      %dma_wait3A_178 = tpu.memref_slice %arg9[%dma_wait3A_176, %dma_wait3A_177] : memref<2x128xi32, #tpu.memory_space<vmem>> -> memref<1x128xi32, #tpu.memory_space<vmem>>
      %dma_wait3A_179 = tpu.memref_squeeze %dma_wait3A_178 : memref<1x128xi32, #tpu.memory_space<vmem>> -> memref<128xi32, #tpu.memory_space<vmem>>
      %dma_wait3A_180 = arith.constant 0 : i32
      %dma_wait3A_181 = tpu.memref_slice %arg4[%arg1, %dma_wait3A_175, %dma_wait3A_180] : memref<16x82x128xi32, #tpu.memory_space<hbm>> -> memref<1x1x128xi32, #tpu.memory_space<hbm>>
      %dma_wait3A_182 = tpu.memref_squeeze %dma_wait3A_181 : memref<1x1x128xi32, #tpu.memory_space<hbm>> -> memref<128xi32, #tpu.memory_space<hbm>>
      %dma_wait3A_183 = arith.constant 0 : i32
      %dma_wait3A_184 = tpu.memref_slice %arg9[%dma_wait3A_176, %dma_wait3A_183] : memref<2x128xi32, #tpu.memory_space<vmem>> -> memref<1x128xi32, #tpu.memory_space<vmem>>
      %dma_wait3A_185 = tpu.memref_squeeze %dma_wait3A_184 : memref<1x128xi32, #tpu.memory_space<vmem>> -> memref<128xi32, #tpu.memory_space<vmem>>
      %dma_wait3A_186 = arith.constant 0 : i32
      %dma_wait3A_187 = tpu.memref_slice %arg4[%arg1, %dma_wait3A_175, %dma_wait3A_186] : memref<16x82x128xi32, #tpu.memory_space<hbm>> -> memref<1x1x128xi32, #tpu.memory_space<hbm>>
      %dma_wait3A_188 = tpu.memref_squeeze %dma_wait3A_187 : memref<1x1x128xi32, #tpu.memory_space<hbm>> -> memref<128xi32, #tpu.memory_space<hbm>>
      tpu.wait_dma2 semaphore(%arg19 : memref<!tpu.dma_semaphore, #tpu.memory_space<semaphore_mem>>) src(%dma_wait3A_188 : memref<128xi32, #tpu.memory_space<hbm>>) dst(%dma_wait3A_185 : memref<128xi32, #tpu.memory_space<vmem>>)
    } else {
    }
    %barrier3A_8 = arith.constant 0 : index
    tpu.barrier barrier_id(%barrier3A_8)
    %eq3A_9 = arith.constant 0 : i32
    %eq3A_10 = arith.cmpi eq, %arg0, %eq3A_9 : i32
    %convert_element_type3A_11 = arith.extui %eq3A_10 : i1 to i32
    %cond3A_12 = arith.constant 0 : i32
    %cond3A_13 = arith.cmpi ne, %convert_element_type3A_11, %cond3A_12 : i32
    scf.if %cond3A_13 {
      "tpu.region"() ({
        %run_scoped3A = tpu.sem_alloc : memref<!tpu.dma_semaphore, #tpu.memory_space<semaphore_mem>>
        %dma_start3A = arith.constant 0 : i32
        %dma_start3A_19 = tpu.memref_slice %arg7[%mul3A_0, %dma_start3A] : memref<10112x128xf32, #tpu.memory_space<hbm>> -> memref<632x128xf32, #tpu.memory_space<hbm>>
        %dma_start3A_20 = arith.constant 0 : i32
        %dma_start3A_21 = tpu.memref_slice %arg13[%mul3A_0, %dma_start3A_20] : memref<10112x128xf32, #tpu.memory_space<vmem_shared>> -> memref<632x128xf32, #tpu.memory_space<vmem_shared>>
        tpu.enqueue_dma source(%dma_start3A_21 : memref<632x128xf32, #tpu.memory_space<vmem_shared>>) target(%dma_start3A_19 : memref<632x128xf32, #tpu.memory_space<hbm>>) target_semaphore(%run_scoped3A : memref<!tpu.dma_semaphore, #tpu.memory_space<semaphore_mem>>)
        %dma_wait3A = arith.constant 0 : i32
        %dma_wait3A_22 = tpu.memref_slice %arg7[%mul3A_0, %dma_wait3A] : memref<10112x128xf32, #tpu.memory_space<hbm>> -> memref<632x128xf32, #tpu.memory_space<hbm>>
        %dma_wait3A_23 = arith.constant 0 : i32
        %dma_wait3A_24 = tpu.memref_slice %arg13[%mul3A_0, %dma_wait3A_23] : memref<10112x128xf32, #tpu.memory_space<vmem_shared>> -> memref<632x128xf32, #tpu.memory_space<vmem_shared>>
        tpu.wait_dma2 semaphore(%run_scoped3A : memref<!tpu.dma_semaphore, #tpu.memory_space<semaphore_mem>>) src(%dma_wait3A_24 : memref<632x128xf32, #tpu.memory_space<vmem_shared>>) dst(%dma_wait3A_22 : memref<632x128xf32, #tpu.memory_space<hbm>>)
        tpu.yield
      }) : () -> ()
    } else {
    }
    %eq3A_14 = arith.constant 1 : i32
    %eq3A_15 = arith.cmpi eq, %arg0, %eq3A_14 : i32
    %convert_element_type3A_16 = arith.extui %eq3A_15 : i1 to i32
    %cond3A_17 = arith.constant 0 : i32
    %cond3A_18 = arith.cmpi ne, %convert_element_type3A_16, %cond3A_17 : i32
    scf.if %cond3A_18 {
      "tpu.region"() ({
        %run_scoped3A = tpu.sem_alloc : memref<!tpu.dma_semaphore, #tpu.memory_space<semaphore_mem>>
        %dma_start3A = arith.constant 0 : i32
        %dma_start3A_19 = tpu.memref_slice %arg8[%mul3A_0, %dma_start3A] : memref<10112x128xf32, #tpu.memory_space<hbm>> -> memref<632x128xf32, #tpu.memory_space<hbm>>
        %dma_start3A_20 = arith.constant 0 : i32
        %dma_start3A_21 = tpu.memref_slice %arg13[%mul3A_0, %dma_start3A_20] : memref<10112x128xf32, #tpu.memory_space<vmem_shared>> -> memref<632x128xf32, #tpu.memory_space<vmem_shared>>
        tpu.enqueue_dma source(%dma_start3A_21 : memref<632x128xf32, #tpu.memory_space<vmem_shared>>) target(%dma_start3A_19 : memref<632x128xf32, #tpu.memory_space<hbm>>) target_semaphore(%run_scoped3A : memref<!tpu.dma_semaphore, #tpu.memory_space<semaphore_mem>>)
        %dma_wait3A = arith.constant 0 : i32
        %dma_wait3A_22 = tpu.memref_slice %arg8[%mul3A_0, %dma_wait3A] : memref<10112x128xf32, #tpu.memory_space<hbm>> -> memref<632x128xf32, #tpu.memory_space<hbm>>
        %dma_wait3A_23 = arith.constant 0 : i32
        %dma_wait3A_24 = tpu.memref_slice %arg13[%mul3A_0, %dma_wait3A_23] : memref<10112x128xf32, #tpu.memory_space<vmem_shared>> -> memref<632x128xf32, #tpu.memory_space<vmem_shared>>
        tpu.wait_dma2 semaphore(%run_scoped3A : memref<!tpu.dma_semaphore, #tpu.memory_space<semaphore_mem>>) src(%dma_wait3A_24 : memref<632x128xf32, #tpu.memory_space<vmem_shared>>) dst(%dma_wait3A_22 : memref<632x128xf32, #tpu.memory_space<hbm>>)
        tpu.yield
      }) : () -> ()
    } else {
    }
    return
  }
}

#map = affine_map<(d0, d1) -> (0, 0, 0)>
#map1 = affine_map<(d0, d1) -> (0, 0)>
module attributes {stable_mosaic.version = 14 : i64} {
  func.func @k(%arg0: i32, %arg1: i32, %arg2: memref<32x320x16xi32, #tpu.memory_space<hbm>>, %arg3: memref<32x10112xf32, #tpu.memory_space<hbm>>, %arg4: memref<320x16xi32, #tpu.memory_space<vmem>>, %arg5: memref<10112xf32, #tpu.memory_space<vmem>>, %arg6: memref<!tpu.dma_semaphore, #tpu.memory_space<semaphore_mem>>) attributes {dimension_semantics = [#tpu.dimension_semantics<core_parallel>, #tpu.dimension_semantics<subcore_parallel>], iteration_bounds = array<i64: 2, 16>, scalar_prefetch = 0 : i64, scratch_operands = 3 : i64, tpu.core_type = #tpu.core_type<sc_vector_subcore>, window_params = [{transform_indices = #map}, {transform_indices = #map1}]} {
    %mul3A = arith.constant 2 : i32
    %mul3A_0 = arith.muli %arg1, %mul3A : i32
    %add3A = arith.addi %mul3A_0, %arg0 : i32
    "tpu.region"() ({
      %run_scoped3A = tpu.sem_alloc : memref<!tpu.dma_semaphore, #tpu.memory_space<semaphore_mem>>
      %dma_start3A = arith.constant 0 : i32
      %dma_start3A_13 = arith.constant 0 : i32
      %dma_start3A_14 = tpu.memref_slice %arg2[%add3A, %dma_start3A, %dma_start3A_13] : memref<32x320x16xi32, #tpu.memory_space<hbm>> -> memref<1x320x16xi32, #tpu.memory_space<hbm>>
      %dma_start3A_15 = tpu.memref_squeeze %dma_start3A_14 : memref<1x320x16xi32, #tpu.memory_space<hbm>> -> memref<320x16xi32, #tpu.memory_space<hbm>>
      %dma_start3A_16 = arith.constant 0 : i32
      %dma_start3A_17 = arith.constant 0 : i32
      %dma_start3A_18 = tpu.memref_slice %arg2[%add3A, %dma_start3A_16, %dma_start3A_17] : memref<32x320x16xi32, #tpu.memory_space<hbm>> -> memref<1x320x16xi32, #tpu.memory_space<hbm>>
      %dma_start3A_19 = tpu.memref_squeeze %dma_start3A_18 : memref<1x320x16xi32, #tpu.memory_space<hbm>> -> memref<320x16xi32, #tpu.memory_space<hbm>>
      tpu.enqueue_dma source(%dma_start3A_19 : memref<320x16xi32, #tpu.memory_space<hbm>>) target(%arg4 : memref<320x16xi32, #tpu.memory_space<vmem>>) target_semaphore(%run_scoped3A : memref<!tpu.dma_semaphore, #tpu.memory_space<semaphore_mem>>)
      %dma_wait3A = arith.constant 0 : i32
      %dma_wait3A_20 = arith.constant 0 : i32
      %dma_wait3A_21 = tpu.memref_slice %arg2[%add3A, %dma_wait3A, %dma_wait3A_20] : memref<32x320x16xi32, #tpu.memory_space<hbm>> -> memref<1x320x16xi32, #tpu.memory_space<hbm>>
      %dma_wait3A_22 = tpu.memref_squeeze %dma_wait3A_21 : memref<1x320x16xi32, #tpu.memory_space<hbm>> -> memref<320x16xi32, #tpu.memory_space<hbm>>
      %dma_wait3A_23 = arith.constant 0 : i32
      %dma_wait3A_24 = arith.constant 0 : i32
      %dma_wait3A_25 = tpu.memref_slice %arg2[%add3A, %dma_wait3A_23, %dma_wait3A_24] : memref<32x320x16xi32, #tpu.memory_space<hbm>> -> memref<1x320x16xi32, #tpu.memory_space<hbm>>
      %dma_wait3A_26 = tpu.memref_squeeze %dma_wait3A_25 : memref<1x320x16xi32, #tpu.memory_space<hbm>> -> memref<320x16xi32, #tpu.memory_space<hbm>>
      tpu.wait_dma2 semaphore(%run_scoped3A : memref<!tpu.dma_semaphore, #tpu.memory_space<semaphore_mem>>) src(%dma_wait3A_26 : memref<320x16xi32, #tpu.memory_space<hbm>>) dst(%arg4 : memref<320x16xi32, #tpu.memory_space<vmem>>)
      tpu.yield
    }) : () -> ()
    %broadcast_in_dim3A = arith.constant 0.000000e+00 : f32
    %broadcast_in_dim3A_1 = vector.broadcast %broadcast_in_dim3A : f32 to vector<16xf32>
    %scan3A = arith.constant 0 : i32
    %scan3A_2 = arith.constant 632 : i32
    %scan3A_3 = arith.addi %scan3A, %scan3A_2 : i32
    %scan3A_4 = arith.constant 1 : i32
    scf.for %scan3A_13 = %scan3A to %scan3A_3 step %scan3A_4  : i32 {
      %mul3A_14 = arith.constant 16 : i32
      %mul3A_15 = arith.muli %scan3A_13, %mul3A_14 : i32
      %add3A_16 = arith.constant 0 : i32
      %add3A_17 = arith.addi %add3A_16, %mul3A_15 : i32
      %swap3A = arith.index_cast %add3A_17 : i32 to index
      %swap3A_18 = tpu.vector_load %arg5[%swap3A] {strides = array<i32>} : memref<10112xf32, #tpu.memory_space<vmem>>, vector<16xf32>,
      tpu.vector_store %arg5[%swap3A], %broadcast_in_dim3A_1 {strides = array<i32>} : memref<10112xf32, #tpu.memory_space<vmem>>, vector<16xf32>,
    }
    %scan3A_5 = arith.constant 632 : i32
    %broadcast_in_dim3A_6 = arith.constant 1.000000e+00 : f32
    %broadcast_in_dim3A_7 = vector.broadcast %broadcast_in_dim3A_6 : f32 to vector<16xf32>
    %scan3A_8 = arith.constant 0 : i32
    %scan3A_9 = arith.constant 320 : i32
    %scan3A_10 = arith.addi %scan3A_8, %scan3A_9 : i32
    %scan3A_11 = arith.constant 1 : i32
    scf.for %scan3A_13 = %scan3A_8 to %scan3A_10 step %scan3A_11  : i32 {
      %mul3A_14 = arith.constant 1 : i32
      %mul3A_15 = arith.muli %scan3A_13, %mul3A_14 : i32
      %add3A_16 = arith.constant 0 : i32
      %add3A_17 = arith.addi %add3A_16, %mul3A_15 : i32
      %get3A = arith.index_cast %add3A_17 : i32 to index
      %get3A_18 = arith.constant 0 : index
      %get3A_19 = tpu.vector_load %arg4[%get3A, %get3A_18] {strides = array<i32>} : memref<320x16xi32, #tpu.memory_space<vmem>>, vector<16xi32>,
      tpu.vector_store_idx %arg5[%get3A_19], %broadcast_in_dim3A_7 {add = true} : memref<10112xf32, #tpu.memory_space<vmem>>[vector<16xi32>], vector<16xf32>,
    }
    %scan3A_12 = arith.constant 320 : i32
    "tpu.region"() ({
      %run_scoped3A = tpu.sem_alloc : memref<!tpu.dma_semaphore, #tpu.memory_space<semaphore_mem>>
      %dma_start3A = arith.constant 0 : i32
      %dma_start3A_13 = tpu.memref_slice %arg3[%add3A, %dma_start3A] : memref<32x10112xf32, #tpu.memory_space<hbm>> -> memref<1x10112xf32, #tpu.memory_space<hbm>>
      %dma_start3A_14 = tpu.memref_squeeze %dma_start3A_13 : memref<1x10112xf32, #tpu.memory_space<hbm>> -> memref<10112xf32, #tpu.memory_space<hbm>>
      %dma_start3A_15 = arith.constant 0 : i32
      %dma_start3A_16 = tpu.memref_slice %arg3[%add3A, %dma_start3A_15] : memref<32x10112xf32, #tpu.memory_space<hbm>> -> memref<1x10112xf32, #tpu.memory_space<hbm>>
      %dma_start3A_17 = tpu.memref_squeeze %dma_start3A_16 : memref<1x10112xf32, #tpu.memory_space<hbm>> -> memref<10112xf32, #tpu.memory_space<hbm>>
      tpu.enqueue_dma source(%arg5 : memref<10112xf32, #tpu.memory_space<vmem>>) target(%dma_start3A_17 : memref<10112xf32, #tpu.memory_space<hbm>>) target_semaphore(%run_scoped3A : memref<!tpu.dma_semaphore, #tpu.memory_space<semaphore_mem>>)
      %dma_wait3A = arith.constant 0 : i32
      %dma_wait3A_18 = tpu.memref_slice %arg3[%add3A, %dma_wait3A] : memref<32x10112xf32, #tpu.memory_space<hbm>> -> memref<1x10112xf32, #tpu.memory_space<hbm>>
      %dma_wait3A_19 = tpu.memref_squeeze %dma_wait3A_18 : memref<1x10112xf32, #tpu.memory_space<hbm>> -> memref<10112xf32, #tpu.memory_space<hbm>>
      %dma_wait3A_20 = arith.constant 0 : i32
      %dma_wait3A_21 = tpu.memref_slice %arg3[%add3A, %dma_wait3A_20] : memref<32x10112xf32, #tpu.memory_space<hbm>> -> memref<1x10112xf32, #tpu.memory_space<hbm>>
      %dma_wait3A_22 = tpu.memref_squeeze %dma_wait3A_21 : memref<1x10112xf32, #tpu.memory_space<hbm>> -> memref<10112xf32, #tpu.memory_space<hbm>>
      tpu.wait_dma2 semaphore(%run_scoped3A : memref<!tpu.dma_semaphore, #tpu.memory_space<semaphore_mem>>) src(%arg5 : memref<10112xf32, #tpu.memory_space<vmem>>) dst(%dma_wait3A_22 : memref<10112xf32, #tpu.memory_space<hbm>>)
      tpu.yield
    }) : () -> ()
    return
  }
}

#map = affine_map<(d0, d1) -> (0, 0)>
#map1 = affine_map<(d0, d1) -> (0, 0, 0)>
module attributes {stable_mosaic.version = 14 : i64} {
  func.func @k(%arg0: i32, %arg1: i32, %arg2: memref<10000x128xf32, #tpu.memory_space<hbm>>, %arg3: memref<10000x128xf32, #tpu.memory_space<hbm>>, %arg4: memref<16x82x128xi32, #tpu.memory_space<hbm>>, %arg5: memref<16x80x128xi32, #tpu.memory_space<hbm>>, %arg6: memref<10112x128xf32, #tpu.memory_space<hbm>>, %arg7: memref<10112x128xf32, #tpu.memory_space<hbm>>, %arg8: memref<10112x128xf32, #tpu.memory_space<hbm>>, %arg9: memref<2x128xi32, #tpu.memory_space<vmem>>, %arg10: memref<80x128xi32, #tpu.memory_space<vmem>>, %arg11: memref<128x128xf32, #tpu.memory_space<vmem>>, %arg12: memref<128x128xf32, #tpu.memory_space<vmem>>, %arg13: memref<10112x128xf32, #tpu.memory_space<vmem_shared>>, %arg14: memref<!tpu.dma_semaphore, #tpu.memory_space<semaphore_mem>>, %arg15: memref<!tpu.dma_semaphore, #tpu.memory_space<semaphore_mem>>, %arg16: memref<!tpu.dma_semaphore, #tpu.memory_space<semaphore_mem>>, %arg17: memref<!tpu.dma_semaphore, #tpu.memory_space<semaphore_mem>>, %arg18: memref<!tpu.dma_semaphore, #tpu.memory_space<semaphore_mem>>, %arg19: memref<!tpu.dma_semaphore, #tpu.memory_space<semaphore_mem>>) attributes {dimension_semantics = [#tpu.dimension_semantics<core_parallel>, #tpu.dimension_semantics<subcore_parallel>], iteration_bounds = array<i64: 2, 16>, scalar_prefetch = 0 : i64, scratch_operands = 11 : i64, tpu.core_type = #tpu.core_type<sc_vector_subcore>, window_params = [{transform_indices = #map}, {transform_indices = #map}, {transform_indices = #map1}, {transform_indices = #map1}, {transform_indices = #map}, {transform_indices = #map}, {transform_indices = #map}]} {
    %mul3A = arith.constant 632 : i32
    %mul3A_0 = arith.muli %arg1, %mul3A : i32
    "tpu.region"() ({
      %run_scoped3A = tpu.sem_alloc : memref<!tpu.dma_semaphore, #tpu.memory_space<semaphore_mem>>
      %dma_start3A = arith.constant 0 : i32
      %dma_start3A_19 = tpu.memref_slice %arg13[%mul3A_0, %dma_start3A] : memref<10112x128xf32, #tpu.memory_space<vmem_shared>> -> memref<632x128xf32, #tpu.memory_space<vmem_shared>>
      %dma_start3A_20 = arith.constant 0 : i32
      %dma_start3A_21 = tpu.memref_slice %arg6[%mul3A_0, %dma_start3A_20] : memref<10112x128xf32, #tpu.memory_space<hbm>> -> memref<632x128xf32, #tpu.memory_space<hbm>>
      tpu.enqueue_dma source(%dma_start3A_21 : memref<632x128xf32, #tpu.memory_space<hbm>>) target(%dma_start3A_19 : memref<632x128xf32, #tpu.memory_space<vmem_shared>>) target_semaphore(%run_scoped3A : memref<!tpu.dma_semaphore, #tpu.memory_space<semaphore_mem>>)
      %dma_wait3A = arith.constant 0 : i32
      %dma_wait3A_22 = tpu.memref_slice %arg13[%mul3A_0, %dma_wait3A] : memref<10112x128xf32, #tpu.memory_space<vmem_shared>> -> memref<632x128xf32, #tpu.memory_space<vmem_shared>>
      %dma_wait3A_23 = arith.constant 0 : i32
      %dma_wait3A_24 = tpu.memref_slice %arg6[%mul3A_0, %dma_wait3A_23] : memref<10112x128xf32, #tpu.memory_space<hbm>> -> memref<632x128xf32, #tpu.memory_space<hbm>>
      tpu.wait_dma2 semaphore(%run_scoped3A : memref<!tpu.dma_semaphore, #tpu.memory_space<semaphore_mem>>) src(%dma_wait3A_24 : memref<632x128xf32, #tpu.memory_space<hbm>>) dst(%dma_wait3A_22 : memref<632x128xf32, #tpu.memory_space<vmem_shared>>)
      tpu.yield
    }) : () -> ()
    "tpu.region"() ({
      %run_scoped3A = tpu.sem_alloc : memref<!tpu.dma_semaphore, #tpu.memory_space<semaphore_mem>>
      %dma_start3A = arith.constant 0 : i32
      %dma_start3A_19 = arith.constant 0 : i32
      %dma_start3A_20 = tpu.memref_slice %arg5[%arg1, %dma_start3A, %dma_start3A_19] : memref<16x80x128xi32, #tpu.memory_space<hbm>> -> memref<1x80x128xi32, #tpu.memory_space<hbm>>
      %dma_start3A_21 = tpu.memref_squeeze %dma_start3A_20 : memref<1x80x128xi32, #tpu.memory_space<hbm>> -> memref<80x128xi32, #tpu.memory_space<hbm>>
      %dma_start3A_22 = arith.constant 0 : i32
      %dma_start3A_23 = arith.constant 0 : i32
      %dma_start3A_24 = tpu.memref_slice %arg5[%arg1, %dma_start3A_22, %dma_start3A_23] : memref<16x80x128xi32, #tpu.memory_space<hbm>> -> memref<1x80x128xi32, #tpu.memory_space<hbm>>
      %dma_start3A_25 = tpu.memref_squeeze %dma_start3A_24 : memref<1x80x128xi32, #tpu.memory_space<hbm>> -> memref<80x128xi32, #tpu.memory_space<hbm>>
      tpu.enqueue_dma source(%dma_start3A_25 : memref<80x128xi32, #tpu.memory_space<hbm>>) target(%arg10 : memref<80x128xi32, #tpu.memory_space<vmem>>) target_semaphore(%run_scoped3A : memref<!tpu.dma_semaphore, #tpu.memory_space<semaphore_mem>>)
      %dma_wait3A = arith.constant 0 : i32
      %dma_wait3A_26 = arith.constant 0 : i32
      %dma_wait3A_27 = tpu.memref_slice %arg5[%arg1, %dma_wait3A, %dma_wait3A_26] : memref<16x80x128xi32, #tpu.memory_space<hbm>> -> memref<1x80x128xi32, #tpu.memory_space<hbm>>
      %dma_wait3A_28 = tpu.memref_squeeze %dma_wait3A_27 : memref<1x80x128xi32, #tpu.memory_space<hbm>> -> memref<80x128xi32, #tpu.memory_space<hbm>>
      %dma_wait3A_29 = arith.constant 0 : i32
      %dma_wait3A_30 = arith.constant 0 : i32
      %dma_wait3A_31 = tpu.memref_slice %arg5[%arg1, %dma_wait3A_29, %dma_wait3A_30] : memref<16x80x128xi32, #tpu.memory_space<hbm>> -> memref<1x80x128xi32, #tpu.memory_space<hbm>>
      %dma_wait3A_32 = tpu.memref_squeeze %dma_wait3A_31 : memref<1x80x128xi32, #tpu.memory_space<hbm>> -> memref<80x128xi32, #tpu.memory_space<hbm>>
      tpu.wait_dma2 semaphore(%run_scoped3A : memref<!tpu.dma_semaphore, #tpu.memory_space<semaphore_mem>>) src(%dma_wait3A_32 : memref<80x128xi32, #tpu.memory_space<hbm>>) dst(%arg10 : memref<80x128xi32, #tpu.memory_space<vmem>>)
      tpu.yield
    }) : () -> ()
    %barrier3A = arith.constant 0 : index
    tpu.barrier barrier_id(%barrier3A)
    %eq3A = arith.constant 0 : i32
    %eq3A_1 = arith.cmpi eq, %arg0, %eq3A : i32
    %convert_element_type3A = arith.extui %eq3A_1 : i1 to i32
    %cond3A = arith.constant 0 : i32
    %cond3A_2 = arith.cmpi ne, %convert_element_type3A, %cond3A : i32
    scf.if %cond3A_2 {
      %dma_start3A = arith.constant 0 : i32
      %dma_start3A_19 = arith.constant 0 : i32
      %dma_start3A_20 = arith.constant 0 : i32
      %dma_start3A_21 = tpu.memref_slice %arg9[%dma_start3A_19, %dma_start3A_20] : memref<2x128xi32, #tpu.memory_space<vmem>> -> memref<1x128xi32, #tpu.memory_space<vmem>>
      %dma_start3A_22 = tpu.memref_squeeze %dma_start3A_21 : memref<1x128xi32, #tpu.memory_space<vmem>> -> memref<128xi32, #tpu.memory_space<vmem>>
      %dma_start3A_23 = arith.constant 0 : i32
      %dma_start3A_24 = tpu.memref_slice %arg4[%arg1, %dma_start3A, %dma_start3A_23] : memref<16x82x128xi32, #tpu.memory_space<hbm>> -> memref<1x1x128xi32, #tpu.memory_space<hbm>>
      %dma_start3A_25 = tpu.memref_squeeze %dma_start3A_24 : memref<1x1x128xi32, #tpu.memory_space<hbm>> -> memref<128xi32, #tpu.memory_space<hbm>>
      %dma_start3A_26 = arith.constant 0 : i32
      %dma_start3A_27 = tpu.memref_slice %arg9[%dma_start3A_19, %dma_start3A_26] : memref<2x128xi32, #tpu.memory_space<vmem>> -> memref<1x128xi32, #tpu.memory_space<vmem>>
      %dma_start3A_28 = tpu.memref_squeeze %dma_start3A_27 : memref<1x128xi32, #tpu.memory_space<vmem>> -> memref<128xi32, #tpu.memory_space<vmem>>
      %dma_start3A_29 = arith.constant 0 : i32
      %dma_start3A_30 = tpu.memref_slice %arg4[%arg1, %dma_start3A, %dma_start3A_29] : memref<16x82x128xi32, #tpu.memory_space<hbm>> -> memref<1x1x128xi32, #tpu.memory_space<hbm>>
      %dma_start3A_31 = tpu.memref_squeeze %dma_start3A_30 : memref<1x1x128xi32, #tpu.memory_space<hbm>> -> memref<128xi32, #tpu.memory_space<hbm>>
      tpu.enqueue_dma source(%dma_start3A_31 : memref<128xi32, #tpu.memory_space<hbm>>) target(%dma_start3A_28 : memref<128xi32, #tpu.memory_space<vmem>>) target_semaphore(%arg18 : memref<!tpu.dma_semaphore, #tpu.memory_space<semaphore_mem>>)
      %dma_start3A_32 = arith.constant 1 : i32
      %dma_start3A_33 = arith.constant 1 : i32
      %dma_start3A_34 = arith.constant 0 : i32
      %dma_start3A_35 = tpu.memref_slice %arg9[%dma_start3A_33, %dma_start3A_34] : memref<2x128xi32, #tpu.memory_space<vmem>> -> memref<1x128xi32, #tpu.memory_space<vmem>>
      %dma_start3A_36 = tpu.memref_squeeze %dma_start3A_35 : memref<1x128xi32, #tpu.memory_space<vmem>> -> memref<128xi32, #tpu.memory_space<vmem>>
      %dma_start3A_37 = arith.constant 0 : i32
      %dma_start3A_38 = tpu.memref_slice %arg4[%arg1, %dma_start3A_32, %dma_start3A_37] : memref<16x82x128xi32, #tpu.memory_space<hbm>> -> memref<1x1x128xi32, #tpu.memory_space<hbm>>
      %dma_start3A_39 = tpu.memref_squeeze %dma_start3A_38 : memref<1x1x128xi32, #tpu.memory_space<hbm>> -> memref<128xi32, #tpu.memory_space<hbm>>
      %dma_start3A_40 = arith.constant 0 : i32
      %dma_start3A_41 = tpu.memref_slice %arg9[%dma_start3A_33, %dma_start3A_40] : memref<2x128xi32, #tpu.memory_space<vmem>> -> memref<1x128xi32, #tpu.memory_space<vmem>>
      %dma_start3A_42 = tpu.memref_squeeze %dma_start3A_41 : memref<1x128xi32, #tpu.memory_space<vmem>> -> memref<128xi32, #tpu.memory_space<vmem>>
      %dma_start3A_43 = arith.constant 0 : i32
      %dma_start3A_44 = tpu.memref_slice %arg4[%arg1, %dma_start3A_32, %dma_start3A_43] : memref<16x82x128xi32, #tpu.memory_space<hbm>> -> memref<1x1x128xi32, #tpu.memory_space<hbm>>
      %dma_start3A_45 = tpu.memref_squeeze %dma_start3A_44 : memref<1x1x128xi32, #tpu.memory_space<hbm>> -> memref<128xi32, #tpu.memory_space<hbm>>
      tpu.enqueue_dma source(%dma_start3A_45 : memref<128xi32, #tpu.memory_space<hbm>>) target(%dma_start3A_42 : memref<128xi32, #tpu.memory_space<vmem>>) target_semaphore(%arg19 : memref<!tpu.dma_semaphore, #tpu.memory_space<semaphore_mem>>)
      %dma_wait3A = arith.constant 0 : i32
      %dma_wait3A_46 = arith.constant 0 : i32
      %dma_wait3A_47 = arith.constant 0 : i32
      %dma_wait3A_48 = tpu.memref_slice %arg9[%dma_wait3A_46, %dma_wait3A_47] : memref<2x128xi32, #tpu.memory_space<vmem>> -> memref<1x128xi32, #tpu.memory_space<vmem>>
      %dma_wait3A_49 = tpu.memref_squeeze %dma_wait3A_48 : memref<1x128xi32, #tpu.memory_space<vmem>> -> memref<128xi32, #tpu.memory_space<vmem>>
      %dma_wait3A_50 = arith.constant 0 : i32
      %dma_wait3A_51 = tpu.memref_slice %arg4[%arg1, %dma_wait3A, %dma_wait3A_50] : memref<16x82x128xi32, #tpu.memory_space<hbm>> -> memref<1x1x128xi32, #tpu.memory_space<hbm>>
      %dma_wait3A_52 = tpu.memref_squeeze %dma_wait3A_51 : memref<1x1x128xi32, #tpu.memory_space<hbm>> -> memref<128xi32, #tpu.memory_space<hbm>>
      %dma_wait3A_53 = arith.constant 0 : i32
      %dma_wait3A_54 = tpu.memref_slice %arg9[%dma_wait3A_46, %dma_wait3A_53] : memref<2x128xi32, #tpu.memory_space<vmem>> -> memref<1x128xi32, #tpu.memory_space<vmem>>
      %dma_wait3A_55 = tpu.memref_squeeze %dma_wait3A_54 : memref<1x128xi32, #tpu.memory_space<vmem>> -> memref<128xi32, #tpu.memory_space<vmem>>
      %dma_wait3A_56 = arith.constant 0 : i32
      %dma_wait3A_57 = tpu.memref_slice %arg4[%arg1, %dma_wait3A, %dma_wait3A_56] : memref<16x82x128xi32, #tpu.memory_space<hbm>> -> memref<1x1x128xi32, #tpu.memory_space<hbm>>
      %dma_wait3A_58 = tpu.memref_squeeze %dma_wait3A_57 : memref<1x1x128xi32, #tpu.memory_space<hbm>> -> memref<128xi32, #tpu.memory_space<hbm>>
      tpu.wait_dma2 semaphore(%arg18 : memref<!tpu.dma_semaphore, #tpu.memory_space<semaphore_mem>>) src(%dma_wait3A_58 : memref<128xi32, #tpu.memory_space<hbm>>) dst(%dma_wait3A_55 : memref<128xi32, #tpu.memory_space<vmem>>)
      %dma_start3A_59 = arith.constant 0 : i32
      %dma_start3A_60 = arith.constant 0 : i32
      %dma_start3A_61 = tpu.memref_slice %arg9[%dma_start3A_59, %dma_start3A_60] : memref<2x128xi32, #tpu.memory_space<vmem>> -> memref<1x128xi32, #tpu.memory_space<vmem>>
      %dma_start3A_62 = tpu.memref_squeeze %dma_start3A_61 : memref<1x128xi32, #tpu.memory_space<vmem>> -> memref<128xi32, #tpu.memory_space<vmem>>
      %dma_start3A_63 = arith.constant 0 : i32
      %dma_start3A_64 = arith.constant 0 : i32
      %dma_start3A_65 = tpu.memref_slice %arg2[%dma_start3A_63, %dma_start3A_64] : memref<10000x128xf32, #tpu.memory_space<hbm>> -> memref<10000x128xf32, #tpu.memory_space<hbm>>
      tpu.enqueue_indirect_dma source(%dma_start3A_65 : memref<10000x128xf32, #tpu.memory_space<hbm>>) target(%arg11 : memref<128x128xf32, #tpu.memory_space<vmem>>) offsets(%dma_start3A_62 : memref<128xi32, #tpu.memory_space<vmem>>) semaphore(%arg14 : memref<!tpu.dma_semaphore, #tpu.memory_space<semaphore_mem>>)
      %dma_wait3A_66 = arith.constant 0 : i32
      %dma_wait3A_67 = arith.constant 0 : i32
      %dma_wait3A_68 = tpu.memref_slice %arg9[%dma_wait3A_66, %dma_wait3A_67] : memref<2x128xi32, #tpu.memory_space<vmem>> -> memref<1x128xi32, #tpu.memory_space<vmem>>
      %dma_wait3A_69 = tpu.memref_squeeze %dma_wait3A_68 : memref<1x128xi32, #tpu.memory_space<vmem>> -> memref<128xi32, #tpu.memory_space<vmem>>
      %dma_wait3A_70 = arith.constant 0 : i32
      %dma_wait3A_71 = arith.constant 0 : i32
      %dma_wait3A_72 = tpu.memref_slice %arg2[%dma_wait3A_70, %dma_wait3A_71] : memref<10000x128xf32, #tpu.memory_space<hbm>> -> memref<10000x128xf32, #tpu.memory_space<hbm>>
      tpu.wait_indirect_dma semaphore(%arg14 : memref<!tpu.dma_semaphore, #tpu.memory_space<semaphore_mem>>) src(%dma_wait3A_72 : memref<10000x128xf32, #tpu.memory_space<hbm>>) dst(%arg11 : memref<128x128xf32, #tpu.memory_space<vmem>>)
      %dma_start3A_73 = arith.constant 2 : i32
      %dma_start3A_74 = arith.constant 0 : i32
      %dma_start3A_75 = arith.constant 0 : i32
      %dma_start3A_76 = tpu.memref_slice %arg9[%dma_start3A_74, %dma_start3A_75] : memref<2x128xi32, #tpu.memory_space<vmem>> -> memref<1x128xi32, #tpu.memory_space<vmem>>
      %dma_start3A_77 = tpu.memref_squeeze %dma_start3A_76 : memref<1x128xi32, #tpu.memory_space<vmem>> -> memref<128xi32, #tpu.memory_space<vmem>>
      %dma_start3A_78 = arith.constant 0 : i32
      %dma_start3A_79 = tpu.memref_slice %arg4[%arg1, %dma_start3A_73, %dma_start3A_78] : memref<16x82x128xi32, #tpu.memory_space<hbm>> -> memref<1x1x128xi32, #tpu.memory_space<hbm>>
      %dma_start3A_80 = tpu.memref_squeeze %dma_start3A_79 : memref<1x1x128xi32, #tpu.memory_space<hbm>> -> memref<128xi32, #tpu.memory_space<hbm>>
      %dma_start3A_81 = arith.constant 0 : i32
      %dma_start3A_82 = tpu.memref_slice %arg9[%dma_start3A_74, %dma_start3A_81] : memref<2x128xi32, #tpu.memory_space<vmem>> -> memref<1x128xi32, #tpu.memory_space<vmem>>
      %dma_start3A_83 = tpu.memref_squeeze %dma_start3A_82 : memref<1x128xi32, #tpu.memory_space<vmem>> -> memref<128xi32, #tpu.memory_space<vmem>>
      %dma_start3A_84 = arith.constant 0 : i32
      %dma_start3A_85 = tpu.memref_slice %arg4[%arg1, %dma_start3A_73, %dma_start3A_84] : memref<16x82x128xi32, #tpu.memory_space<hbm>> -> memref<1x1x128xi32, #tpu.memory_space<hbm>>
      %dma_start3A_86 = tpu.memref_squeeze %dma_start3A_85 : memref<1x1x128xi32, #tpu.memory_space<hbm>> -> memref<128xi32, #tpu.memory_space<hbm>>
      tpu.enqueue_dma source(%dma_start3A_86 : memref<128xi32, #tpu.memory_space<hbm>>) target(%dma_start3A_83 : memref<128xi32, #tpu.memory_space<vmem>>) target_semaphore(%arg18 : memref<!tpu.dma_semaphore, #tpu.memory_space<semaphore_mem>>)
      %dma_start3A_87 = arith.constant 0 : i32
      %dma_start3A_88 = arith.constant 0 : i32
      %dma_start3A_89 = tpu.memref_slice %arg10[%dma_start3A_87, %dma_start3A_88] : memref<80x128xi32, #tpu.memory_space<vmem>> -> memref<1x128xi32, #tpu.memory_space<vmem>>
      %dma_start3A_90 = tpu.memref_squeeze %dma_start3A_89 : memref<1x128xi32, #tpu.memory_space<vmem>> -> memref<128xi32, #tpu.memory_space<vmem>>
      %dma_start3A_91 = arith.constant 0 : i32
      %dma_start3A_92 = arith.constant 0 : i32
      %dma_start3A_93 = tpu.memref_slice %arg13[%dma_start3A_91, %dma_start3A_92] : memref<10112x128xf32, #tpu.memory_space<vmem_shared>> -> memref<10112x128xf32, #tpu.memory_space<vmem_shared>>
      tpu.enqueue_indirect_dma source(%arg11 : memref<128x128xf32, #tpu.memory_space<vmem>>) target(%dma_start3A_93 : memref<10112x128xf32, #tpu.memory_space<vmem_shared>>) offsets(%dma_start3A_90 : memref<128xi32, #tpu.memory_space<vmem>>) semaphore(%arg16 : memref<!tpu.dma_semaphore, #tpu.memory_space<semaphore_mem>>) {add = true}
      %dma_wait3A_94 = arith.constant 1 : i32
      %dma_wait3A_95 = arith.constant 1 : i32
      %dma_wait3A_96 = arith.constant 0 : i32
      %dma_wait3A_97 = tpu.memref_slice %arg9[%dma_wait3A_95, %dma_wait3A_96] : memref<2x128xi32, #tpu.memory_space<vmem>> -> memref<1x128xi32, #tpu.memory_space<vmem>>
      %dma_wait3A_98 = tpu.memref_squeeze %dma_wait3A_97 : memref<1x128xi32, #tpu.memory_space<vmem>> -> memref<128xi32, #tpu.memory_space<vmem>>
      %dma_wait3A_99 = arith.constant 0 : i32
      %dma_wait3A_100 = tpu.memref_slice %arg4[%arg1, %dma_wait3A_94, %dma_wait3A_99] : memref<16x82x128xi32, #tpu.memory_space<hbm>> -> memref<1x1x128xi32, #tpu.memory_space<hbm>>
      %dma_wait3A_101 = tpu.memref_squeeze %dma_wait3A_100 : memref<1x1x128xi32, #tpu.memory_space<hbm>> -> memref<128xi32, #tpu.memory_space<hbm>>
      %dma_wait3A_102 = arith.constant 0 : i32
      %dma_wait3A_103 = tpu.memref_slice %arg9[%dma_wait3A_95, %dma_wait3A_102] : memref<2x128xi32, #tpu.memory_space<vmem>> -> memref<1x128xi32, #tpu.memory_space<vmem>>
      %dma_wait3A_104 = tpu.memref_squeeze %dma_wait3A_103 : memref<1x128xi32, #tpu.memory_space<vmem>> -> memref<128xi32, #tpu.memory_space<vmem>>
      %dma_wait3A_105 = arith.constant 0 : i32
      %dma_wait3A_106 = tpu.memref_slice %arg4[%arg1, %dma_wait3A_94, %dma_wait3A_105] : memref<16x82x128xi32, #tpu.memory_space<hbm>> -> memref<1x1x128xi32, #tpu.memory_space<hbm>>
      %dma_wait3A_107 = tpu.memref_squeeze %dma_wait3A_106 : memref<1x1x128xi32, #tpu.memory_space<hbm>> -> memref<128xi32, #tpu.memory_space<hbm>>
      tpu.wait_dma2 semaphore(%arg19 : memref<!tpu.dma_semaphore, #tpu.memory_space<semaphore_mem>>) src(%dma_wait3A_107 : memref<128xi32, #tpu.memory_space<hbm>>) dst(%dma_wait3A_104 : memref<128xi32, #tpu.memory_space<vmem>>)
      %dma_start3A_108 = arith.constant 1 : i32
      %dma_start3A_109 = arith.constant 0 : i32
      %dma_start3A_110 = tpu.memref_slice %arg9[%dma_start3A_108, %dma_start3A_109] : memref<2x128xi32, #tpu.memory_space<vmem>> -> memref<1x128xi32, #tpu.memory_space<vmem>>
      %dma_start3A_111 = tpu.memref_squeeze %dma_start3A_110 : memref<1x128xi32, #tpu.memory_space<vmem>> -> memref<128xi32, #tpu.memory_space<vmem>>
      %dma_start3A_112 = arith.constant 0 : i32
      %dma_start3A_113 = arith.constant 0 : i32
      %dma_start3A_114 = tpu.memref_slice %arg2[%dma_start3A_112, %dma_start3A_113] : memref<10000x128xf32, #tpu.memory_space<hbm>> -> memref<10000x128xf32, #tpu.memory_space<hbm>>
      tpu.enqueue_indirect_dma source(%dma_start3A_114 : memref<10000x128xf32, #tpu.memory_space<hbm>>) target(%arg12 : memref<128x128xf32, #tpu.memory_space<vmem>>) offsets(%dma_start3A_111 : memref<128xi32, #tpu.memory_space<vmem>>) semaphore(%arg15 : memref<!tpu.dma_semaphore, #tpu.memory_space<semaphore_mem>>)
      %scan3A = arith.constant 0 : i32
      %scan3A_115 = arith.constant 39 : i32
      %scan3A_116 = arith.addi %scan3A, %scan3A_115 : i32
      %scan3A_117 = arith.constant 1 : i32
      scf.for %scan3A_189 = %scan3A to %scan3A_116 step %scan3A_117  : i32 {
        %mul3A_190 = arith.constant 2 : i32
        %mul3A_191 = arith.muli %scan3A_189, %mul3A_190 : i32
        %add3A = arith.constant 1 : i32
        %add3A_192 = arith.addi %add3A, %mul3A_191 : i32
        %dma_wait3A_193 = arith.constant 1 : i32
        %dma_wait3A_194 = arith.constant 0 : i32
        %dma_wait3A_195 = tpu.memref_slice %arg9[%dma_wait3A_193, %dma_wait3A_194] : memref<2x128xi32, #tpu.memory_space<vmem>> -> memref<1x128xi32, #tpu.memory_space<vmem>>
        %dma_wait3A_196 = tpu.memref_squeeze %dma_wait3A_195 : memref<1x128xi32, #tpu.memory_space<vmem>> -> memref<128xi32, #tpu.memory_space<vmem>>
        %dma_wait3A_197 = arith.constant 0 : i32
        %dma_wait3A_198 = arith.constant 0 : i32
        %dma_wait3A_199 = tpu.memref_slice %arg2[%dma_wait3A_197, %dma_wait3A_198] : memref<10000x128xf32, #tpu.memory_space<hbm>> -> memref<10000x128xf32, #tpu.memory_space<hbm>>
        tpu.wait_indirect_dma semaphore(%arg15 : memref<!tpu.dma_semaphore, #tpu.memory_space<semaphore_mem>>) src(%dma_wait3A_199 : memref<10000x128xf32, #tpu.memory_space<hbm>>) dst(%arg12 : memref<128x128xf32, #tpu.memory_space<vmem>>)
        %add3A_200 = arith.constant 2 : i32
        %add3A_201 = arith.addi %add3A_192, %add3A_200 : i32
        %dma_start3A_202 = arith.constant 1 : i32
        %dma_start3A_203 = arith.constant 0 : i32
        %dma_start3A_204 = tpu.memref_slice %arg9[%dma_start3A_202, %dma_start3A_203] : memref<2x128xi32, #tpu.memory_space<vmem>> -> memref<1x128xi32, #tpu.memory_space<vmem>>
        %dma_start3A_205 = tpu.memref_squeeze %dma_start3A_204 : memref<1x128xi32, #tpu.memory_space<vmem>> -> memref<128xi32, #tpu.memory_space<vmem>>
        %dma_start3A_206 = arith.constant 0 : i32
        %dma_start3A_207 = tpu.memref_slice %arg4[%arg1, %add3A_201, %dma_start3A_206] : memref<16x82x128xi32, #tpu.memory_space<hbm>> -> memref<1x1x128xi32, #tpu.memory_space<hbm>>
        %dma_start3A_208 = tpu.memref_squeeze %dma_start3A_207 : memref<1x1x128xi32, #tpu.memory_space<hbm>> -> memref<128xi32, #tpu.memory_space<hbm>>
        %dma_start3A_209 = arith.constant 0 : i32
        %dma_start3A_210 = tpu.memref_slice %arg9[%dma_start3A_202, %dma_start3A_209] : memref<2x128xi32, #tpu.memory_space<vmem>> -> memref<1x128xi32, #tpu.memory_space<vmem>>
        %dma_start3A_211 = tpu.memref_squeeze %dma_start3A_210 : memref<1x128xi32, #tpu.memory_space<vmem>> -> memref<128xi32, #tpu.memory_space<vmem>>
        %dma_start3A_212 = arith.constant 0 : i32
        %dma_start3A_213 = tpu.memref_slice %arg4[%arg1, %add3A_201, %dma_start3A_212] : memref<16x82x128xi32, #tpu.memory_space<hbm>> -> memref<1x1x128xi32, #tpu.memory_space<hbm>>
        %dma_start3A_214 = tpu.memref_squeeze %dma_start3A_213 : memref<1x1x128xi32, #tpu.memory_space<hbm>> -> memref<128xi32, #tpu.memory_space<hbm>>
        tpu.enqueue_dma source(%dma_start3A_214 : memref<128xi32, #tpu.memory_space<hbm>>) target(%dma_start3A_211 : memref<128xi32, #tpu.memory_space<vmem>>) target_semaphore(%arg19 : memref<!tpu.dma_semaphore, #tpu.memory_space<semaphore_mem>>)
        %dma_start3A_215 = arith.constant 0 : i32
        %dma_start3A_216 = tpu.memref_slice %arg10[%add3A_192, %dma_start3A_215] : memref<80x128xi32, #tpu.memory_space<vmem>> -> memref<1x128xi32, #tpu.memory_space<vmem>>
        %dma_start3A_217 = tpu.memref_squeeze %dma_start3A_216 : memref<1x128xi32, #tpu.memory_space<vmem>> -> memref<128xi32, #tpu.memory_space<vmem>>
        %dma_start3A_218 = arith.constant 0 : i32
        %dma_start3A_219 = arith.constant 0 : i32
        %dma_start3A_220 = tpu.memref_slice %arg13[%dma_start3A_218, %dma_start3A_219] : memref<10112x128xf32, #tpu.memory_space<vmem_shared>> -> memref<10112x128xf32, #tpu.memory_space<vmem_shared>>
        tpu.enqueue_indirect_dma source(%arg12 : memref<128x128xf32, #tpu.memory_space<vmem>>) target(%dma_start3A_220 : memref<10112x128xf32, #tpu.memory_space<vmem_shared>>) offsets(%dma_start3A_217 : memref<128xi32, #tpu.memory_space<vmem>>) semaphore(%arg17 : memref<!tpu.dma_semaphore, #tpu.memory_space<semaphore_mem>>) {add = true}
        %sub3A = arith.constant 1 : i32
        %sub3A_221 = arith.subi %add3A_192, %sub3A : i32
        %dma_wait3A_222 = arith.constant 0 : i32
        %dma_wait3A_223 = tpu.memref_slice %arg10[%sub3A_221, %dma_wait3A_222] : memref<80x128xi32, #tpu.memory_space<vmem>> -> memref<1x128xi32, #tpu.memory_space<vmem>>
        %dma_wait3A_224 = tpu.memref_squeeze %dma_wait3A_223 : memref<1x128xi32, #tpu.memory_space<vmem>> -> memref<128xi32, #tpu.memory_space<vmem>>
        %dma_wait3A_225 = arith.constant 0 : i32
        %dma_wait3A_226 = arith.constant 0 : i32
        %dma_wait3A_227 = tpu.memref_slice %arg13[%dma_wait3A_225, %dma_wait3A_226] : memref<10112x128xf32, #tpu.memory_space<vmem_shared>> -> memref<10112x128xf32, #tpu.memory_space<vmem_shared>>
        tpu.wait_indirect_dma semaphore(%arg16 : memref<!tpu.dma_semaphore, #tpu.memory_space<semaphore_mem>>) src(%arg11 : memref<128x128xf32, #tpu.memory_space<vmem>>) dst(%dma_wait3A_227 : memref<10112x128xf32, #tpu.memory_space<vmem_shared>>)
        %add3A_228 = arith.constant 1 : i32
        %add3A_229 = arith.addi %add3A_192, %add3A_228 : i32
        %dma_wait3A_230 = arith.constant 0 : i32
        %dma_wait3A_231 = arith.constant 0 : i32
        %dma_wait3A_232 = tpu.memref_slice %arg9[%dma_wait3A_230, %dma_wait3A_231] : memref<2x128xi32, #tpu.memory_space<vmem>> -> memref<1x128xi32, #tpu.memory_space<vmem>>
        %dma_wait3A_233 = tpu.memref_squeeze %dma_wait3A_232 : memref<1x128xi32, #tpu.memory_space<vmem>> -> memref<128xi32, #tpu.memory_space<vmem>>
        %dma_wait3A_234 = arith.constant 0 : i32
        %dma_wait3A_235 = tpu.memref_slice %arg4[%arg1, %add3A_229, %dma_wait3A_234] : memref<16x82x128xi32, #tpu.memory_space<hbm>> -> memref<1x1x128xi32, #tpu.memory_space<hbm>>
        %dma_wait3A_236 = tpu.memref_squeeze %dma_wait3A_235 : memref<1x1x128xi32, #tpu.memory_space<hbm>> -> memref<128xi32, #tpu.memory_space<hbm>>
        %dma_wait3A_237 = arith.constant 0 : i32
        %dma_wait3A_238 = tpu.memref_slice %arg9[%dma_wait3A_230, %dma_wait3A_237] : memref<2x128xi32, #tpu.memory_space<vmem>> -> memref<1x128xi32, #tpu.memory_space<vmem>>
        %dma_wait3A_239 = tpu.memref_squeeze %dma_wait3A_238 : memref<1x128xi32, #tpu.memory_space<vmem>> -> memref<128xi32, #tpu.memory_space<vmem>>
        %dma_wait3A_240 = arith.constant 0 : i32
        %dma_wait3A_241 = tpu.memref_slice %arg4[%arg1, %add3A_229, %dma_wait3A_240] : memref<16x82x128xi32, #tpu.memory_space<hbm>> -> memref<1x1x128xi32, #tpu.memory_space<hbm>>
        %dma_wait3A_242 = tpu.memref_squeeze %dma_wait3A_241 : memref<1x1x128xi32, #tpu.memory_space<hbm>> -> memref<128xi32, #tpu.memory_space<hbm>>
        tpu.wait_dma2 semaphore(%arg18 : memref<!tpu.dma_semaphore, #tpu.memory_space<semaphore_mem>>) src(%dma_wait3A_242 : memref<128xi32, #tpu.memory_space<hbm>>) dst(%dma_wait3A_239 : memref<128xi32, #tpu.memory_space<vmem>>)
        %dma_start3A_243 = arith.constant 0 : i32
        %dma_start3A_244 = arith.constant 0 : i32
        %dma_start3A_245 = tpu.memref_slice %arg9[%dma_start3A_243, %dma_start3A_244] : memref<2x128xi32, #tpu.memory_space<vmem>> -> memref<1x128xi32, #tpu.memory_space<vmem>>
        %dma_start3A_246 = tpu.memref_squeeze %dma_start3A_245 : memref<1x128xi32, #tpu.memory_space<vmem>> -> memref<128xi32, #tpu.memory_space<vmem>>
        %dma_start3A_247 = arith.constant 0 : i32
        %dma_start3A_248 = arith.constant 0 : i32
        %dma_start3A_249 = tpu.memref_slice %arg2[%dma_start3A_247, %dma_start3A_248] : memref<10000x128xf32, #tpu.memory_space<hbm>> -> memref<10000x128xf32, #tpu.memory_space<hbm>>
        tpu.enqueue_indirect_dma source(%dma_start3A_249 : memref<10000x128xf32, #tpu.memory_space<hbm>>) target(%arg11 : memref<128x128xf32, #tpu.memory_space<vmem>>) offsets(%dma_start3A_246 : memref<128xi32, #tpu.memory_space<vmem>>) semaphore(%arg14 : memref<!tpu.dma_semaphore, #tpu.memory_space<semaphore_mem>>)
        %add3A_250 = arith.constant 1 : i32
        %add3A_251 = arith.addi %add3A_192, %add3A_250 : i32
        %dma_wait3A_252 = arith.constant 0 : i32
        %dma_wait3A_253 = arith.constant 0 : i32
        %dma_wait3A_254 = tpu.memref_slice %arg9[%dma_wait3A_252, %dma_wait3A_253] : memref<2x128xi32, #tpu.memory_space<vmem>> -> memref<1x128xi32, #tpu.memory_space<vmem>>
        %dma_wait3A_255 = tpu.memref_squeeze %dma_wait3A_254 : memref<1x128xi32, #tpu.memory_space<vmem>> -> memref<128xi32, #tpu.memory_space<vmem>>
        %dma_wait3A_256 = arith.constant 0 : i32
        %dma_wait3A_257 = arith.constant 0 : i32
        %dma_wait3A_258 = tpu.memref_slice %arg2[%dma_wait3A_256, %dma_wait3A_257] : memref<10000x128xf32, #tpu.memory_space<hbm>> -> memref<10000x128xf32, #tpu.memory_space<hbm>>
        tpu.wait_indirect_dma semaphore(%arg14 : memref<!tpu.dma_semaphore, #tpu.memory_space<semaphore_mem>>) src(%dma_wait3A_258 : memref<10000x128xf32, #tpu.memory_space<hbm>>) dst(%arg11 : memref<128x128xf32, #tpu.memory_space<vmem>>)
        %add3A_259 = arith.constant 2 : i32
        %add3A_260 = arith.addi %add3A_251, %add3A_259 : i32
        %dma_start3A_261 = arith.constant 0 : i32
        %dma_start3A_262 = arith.constant 0 : i32
        %dma_start3A_263 = tpu.memref_slice %arg9[%dma_start3A_261, %dma_start3A_262] : memref<2x128xi32, #tpu.memory_space<vmem>> -> memref<1x128xi32, #tpu.memory_space<vmem>>
        %dma_start3A_264 = tpu.memref_squeeze %dma_start3A_263 : memref<1x128xi32, #tpu.memory_space<vmem>> -> memref<128xi32, #tpu.memory_space<vmem>>
        %dma_start3A_265 = arith.constant 0 : i32
        %dma_start3A_266 = tpu.memref_slice %arg4[%arg1, %add3A_260, %dma_start3A_265] : memref<16x82x128xi32, #tpu.memory_space<hbm>> -> memref<1x1x128xi32, #tpu.memory_space<hbm>>
        %dma_start3A_267 = tpu.memref_squeeze %dma_start3A_266 : memref<1x1x128xi32, #tpu.memory_space<hbm>> -> memref<128xi32, #tpu.memory_space<hbm>>
        %dma_start3A_268 = arith.constant 0 : i32
        %dma_start3A_269 = tpu.memref_slice %arg9[%dma_start3A_261, %dma_start3A_268] : memref<2x128xi32, #tpu.memory_space<vmem>> -> memref<1x128xi32, #tpu.memory_space<vmem>>
        %dma_start3A_270 = tpu.memref_squeeze %dma_start3A_269 : memref<1x128xi32, #tpu.memory_space<vmem>> -> memref<128xi32, #tpu.memory_space<vmem>>
        %dma_start3A_271 = arith.constant 0 : i32
        %dma_start3A_272 = tpu.memref_slice %arg4[%arg1, %add3A_260, %dma_start3A_271] : memref<16x82x128xi32, #tpu.memory_space<hbm>> -> memref<1x1x128xi32, #tpu.memory_space<hbm>>
        %dma_start3A_273 = tpu.memref_squeeze %dma_start3A_272 : memref<1x1x128xi32, #tpu.memory_space<hbm>> -> memref<128xi32, #tpu.memory_space<hbm>>
        tpu.enqueue_dma source(%dma_start3A_273 : memref<128xi32, #tpu.memory_space<hbm>>) target(%dma_start3A_270 : memref<128xi32, #tpu.memory_space<vmem>>) target_semaphore(%arg18 : memref<!tpu.dma_semaphore, #tpu.memory_space<semaphore_mem>>)
        %dma_start3A_274 = arith.constant 0 : i32
        %dma_start3A_275 = tpu.memref_slice %arg10[%add3A_251, %dma_start3A_274] : memref<80x128xi32, #tpu.memory_space<vmem>> -> memref<1x128xi32, #tpu.memory_space<vmem>>
        %dma_start3A_276 = tpu.memref_squeeze %dma_start3A_275 : memref<1x128xi32, #tpu.memory_space<vmem>> -> memref<128xi32, #tpu.memory_space<vmem>>
        %dma_start3A_277 = arith.constant 0 : i32
        %dma_start3A_278 = arith.constant 0 : i32
        %dma_start3A_279 = tpu.memref_slice %arg13[%dma_start3A_277, %dma_start3A_278] : memref<10112x128xf32, #tpu.memory_space<vmem_shared>> -> memref<10112x128xf32, #tpu.memory_space<vmem_shared>>
        tpu.enqueue_indirect_dma source(%arg11 : memref<128x128xf32, #tpu.memory_space<vmem>>) target(%dma_start3A_279 : memref<10112x128xf32, #tpu.memory_space<vmem_shared>>) offsets(%dma_start3A_276 : memref<128xi32, #tpu.memory_space<vmem>>) semaphore(%arg16 : memref<!tpu.dma_semaphore, #tpu.memory_space<semaphore_mem>>) {add = true}
        %sub3A_280 = arith.constant 1 : i32
        %sub3A_281 = arith.subi %add3A_251, %sub3A_280 : i32
        %dma_wait3A_282 = arith.constant 0 : i32
        %dma_wait3A_283 = tpu.memref_slice %arg10[%sub3A_281, %dma_wait3A_282] : memref<80x128xi32, #tpu.memory_space<vmem>> -> memref<1x128xi32, #tpu.memory_space<vmem>>
        %dma_wait3A_284 = tpu.memref_squeeze %dma_wait3A_283 : memref<1x128xi32, #tpu.memory_space<vmem>> -> memref<128xi32, #tpu.memory_space<vmem>>
        %dma_wait3A_285 = arith.constant 0 : i32
        %dma_wait3A_286 = arith.constant 0 : i32
        %dma_wait3A_287 = tpu.memref_slice %arg13[%dma_wait3A_285, %dma_wait3A_286] : memref<10112x128xf32, #tpu.memory_space<vmem_shared>> -> memref<10112x128xf32, #tpu.memory_space<vmem_shared>>
        tpu.wait_indirect_dma semaphore(%arg17 : memref<!tpu.dma_semaphore, #tpu.memory_space<semaphore_mem>>) src(%arg12 : memref<128x128xf32, #tpu.memory_space<vmem>>) dst(%dma_wait3A_287 : memref<10112x128xf32, #tpu.memory_space<vmem_shared>>)
        %add3A_288 = arith.constant 1 : i32
        %add3A_289 = arith.addi %add3A_251, %add3A_288 : i32
        %dma_wait3A_290 = arith.constant 1 : i32
        %dma_wait3A_291 = arith.constant 0 : i32
        %dma_wait3A_292 = tpu.memref_slice %arg9[%dma_wait3A_290, %dma_wait3A_291] : memref<2x128xi32, #tpu.memory_space<vmem>> -> memref<1x128xi32, #tpu.memory_space<vmem>>
        %dma_wait3A_293 = tpu.memref_squeeze %dma_wait3A_292 : memref<1x128xi32, #tpu.memory_space<vmem>> -> memref<128xi32, #tpu.memory_space<vmem>>
        %dma_wait3A_294 = arith.constant 0 : i32
        %dma_wait3A_295 = tpu.memref_slice %arg4[%arg1, %add3A_289, %dma_wait3A_294] : memref<16x82x128xi32, #tpu.memory_space<hbm>> -> memref<1x1x128xi32, #tpu.memory_space<hbm>>
        %dma_wait3A_296 = tpu.memref_squeeze %dma_wait3A_295 : memref<1x1x128xi32, #tpu.memory_space<hbm>> -> memref<128xi32, #tpu.memory_space<hbm>>
        %dma_wait3A_297 = arith.constant 0 : i32
        %dma_wait3A_298 = tpu.memref_slice %arg9[%dma_wait3A_290, %dma_wait3A_297] : memref<2x128xi32, #tpu.memory_space<vmem>> -> memref<1x128xi32, #tpu.memory_space<vmem>>
        %dma_wait3A_299 = tpu.memref_squeeze %dma_wait3A_298 : memref<1x128xi32, #tpu.memory_space<vmem>> -> memref<128xi32, #tpu.memory_space<vmem>>
        %dma_wait3A_300 = arith.constant 0 : i32
        %dma_wait3A_301 = tpu.memref_slice %arg4[%arg1, %add3A_289, %dma_wait3A_300] : memref<16x82x128xi32, #tpu.memory_space<hbm>> -> memref<1x1x128xi32, #tpu.memory_space<hbm>>
        %dma_wait3A_302 = tpu.memref_squeeze %dma_wait3A_301 : memref<1x1x128xi32, #tpu.memory_space<hbm>> -> memref<128xi32, #tpu.memory_space<hbm>>
        tpu.wait_dma2 semaphore(%arg19 : memref<!tpu.dma_semaphore, #tpu.memory_space<semaphore_mem>>) src(%dma_wait3A_302 : memref<128xi32, #tpu.memory_space<hbm>>) dst(%dma_wait3A_299 : memref<128xi32, #tpu.memory_space<vmem>>)
        %dma_start3A_303 = arith.constant 1 : i32
        %dma_start3A_304 = arith.constant 0 : i32
        %dma_start3A_305 = tpu.memref_slice %arg9[%dma_start3A_303, %dma_start3A_304] : memref<2x128xi32, #tpu.memory_space<vmem>> -> memref<1x128xi32, #tpu.memory_space<vmem>>
        %dma_start3A_306 = tpu.memref_squeeze %dma_start3A_305 : memref<1x128xi32, #tpu.memory_space<vmem>> -> memref<128xi32, #tpu.memory_space<vmem>>
        %dma_start3A_307 = arith.constant 0 : i32
        %dma_start3A_308 = arith.constant 0 : i32
        %dma_start3A_309 = tpu.memref_slice %arg2[%dma_start3A_307, %dma_start3A_308] : memref<10000x128xf32, #tpu.memory_space<hbm>> -> memref<10000x128xf32, #tpu.memory_space<hbm>>
        tpu.enqueue_indirect_dma source(%dma_start3A_309 : memref<10000x128xf32, #tpu.memory_space<hbm>>) target(%arg12 : memref<128x128xf32, #tpu.memory_space<vmem>>) offsets(%dma_start3A_306 : memref<128xi32, #tpu.memory_space<vmem>>) semaphore(%arg15 : memref<!tpu.dma_semaphore, #tpu.memory_space<semaphore_mem>>)
      }
      %scan3A_118 = arith.constant 39 : i32
      %dma_wait3A_119 = arith.constant 1 : i32
      %dma_wait3A_120 = arith.constant 0 : i32
      %dma_wait3A_121 = tpu.memref_slice %arg9[%dma_wait3A_119, %dma_wait3A_120] : memref<2x128xi32, #tpu.memory_space<vmem>> -> memref<1x128xi32, #tpu.memory_space<vmem>>
      %dma_wait3A_122 = tpu.memref_squeeze %dma_wait3A_121 : memref<1x128xi32, #tpu.memory_space<vmem>> -> memref<128xi32, #tpu.memory_space<vmem>>
      %dma_wait3A_123 = arith.constant 0 : i32
      %dma_wait3A_124 = arith.constant 0 : i32
      %dma_wait3A_125 = tpu.memref_slice %arg2[%dma_wait3A_123, %dma_wait3A_124] : memref<10000x128xf32, #tpu.memory_space<hbm>> -> memref<10000x128xf32, #tpu.memory_space<hbm>>
      tpu.wait_indirect_dma semaphore(%arg15 : memref<!tpu.dma_semaphore, #tpu.memory_space<semaphore_mem>>) src(%dma_wait3A_125 : memref<10000x128xf32, #tpu.memory_space<hbm>>) dst(%arg12 : memref<128x128xf32, #tpu.memory_space<vmem>>)
      %dma_start3A_126 = arith.constant 81 : i32
      %dma_start3A_127 = arith.constant 1 : i32
      %dma_start3A_128 = arith.constant 0 : i32
      %dma_start3A_129 = tpu.memref_slice %arg9[%dma_start3A_127, %dma_start3A_128] : memref<2x128xi32, #tpu.memory_space<vmem>> -> memref<1x128xi32, #tpu.memory_space<vmem>>
      %dma_start3A_130 = tpu.memref_squeeze %dma_start3A_129 : memref<1x128xi32, #tpu.memory_space<vmem>> -> memref<128xi32, #tpu.memory_space<vmem>>
      %dma_start3A_131 = arith.constant 0 : i32
      %dma_start3A_132 = tpu.memref_slice %arg4[%arg1, %dma_start3A_126, %dma_start3A_131] : memref<16x82x128xi32, #tpu.memory_space<hbm>> -> memref<1x1x128xi32, #tpu.memory_space<hbm>>
      %dma_start3A_133 = tpu.memref_squeeze %dma_start3A_132 : memref<1x1x128xi32, #tpu.memory_space<hbm>> -> memref<128xi32, #tpu.memory_space<hbm>>
      %dma_start3A_134 = arith.constant 0 : i32
      %dma_start3A_135 = tpu.memref_slice %arg9[%dma_start3A_127, %dma_start3A_134] : memref<2x128xi32, #tpu.memory_space<vmem>> -> memref<1x128xi32, #tpu.memory_space<vmem>>
      %dma_start3A_136 = tpu.memref_squeeze %dma_start3A_135 : memref<1x128xi32, #tpu.memory_space<vmem>> -> memref<128xi32, #tpu.memory_space<vmem>>
      %dma_start3A_137 = arith.constant 0 : i32
      %dma_start3A_138 = tpu.memref_slice %arg4[%arg1, %dma_start3A_126, %dma_start3A_137] : memref<16x82x128xi32, #tpu.memory_space<hbm>> -> memref<1x1x128xi32, #tpu.memory_space<hbm>>
      %dma_start3A_139 = tpu.memref_squeeze %dma_start3A_138 : memref<1x1x128xi32, #tpu.memory_space<hbm>> -> memref<128xi32, #tpu.memory_space<hbm>>
      tpu.enqueue_dma source(%dma_start3A_139 : memref<128xi32, #tpu.memory_space<hbm>>) target(%dma_start3A_136 : memref<128xi32, #tpu.memory_space<vmem>>) target_semaphore(%arg19 : memref<!tpu.dma_semaphore, #tpu.memory_space<semaphore_mem>>)
      %dma_start3A_140 = arith.constant 79 : i32
      %dma_start3A_141 = arith.constant 0 : i32
      %dma_start3A_142 = tpu.memref_slice %arg10[%dma_start3A_140, %dma_start3A_141] : memref<80x128xi32, #tpu.memory_space<vmem>> -> memref<1x128xi32, #tpu.memory_space<vmem>>
      %dma_start3A_143 = tpu.memref_squeeze %dma_start3A_142 : memref<1x128xi32, #tpu.memory_space<vmem>> -> memref<128xi32, #tpu.memory_space<vmem>>
      %dma_start3A_144 = arith.constant 0 : i32
      %dma_start3A_145 = arith.constant 0 : i32
      %dma_start3A_146 = tpu.memref_slice %arg13[%dma_start3A_144, %dma_start3A_145] : memref<10112x128xf32, #tpu.memory_space<vmem_shared>> -> memref<10112x128xf32, #tpu.memory_space<vmem_shared>>
      tpu.enqueue_indirect_dma source(%arg12 : memref<128x128xf32, #tpu.memory_space<vmem>>) target(%dma_start3A_146 : memref<10112x128xf32, #tpu.memory_space<vmem_shared>>) offsets(%dma_start3A_143 : memref<128xi32, #tpu.memory_space<vmem>>) semaphore(%arg17 : memref<!tpu.dma_semaphore, #tpu.memory_space<semaphore_mem>>) {add = true}
      %dma_wait3A_147 = arith.constant 78 : i32
      %dma_wait3A_148 = arith.constant 0 : i32
      %dma_wait3A_149 = tpu.memref_slice %arg10[%dma_wait3A_147, %dma_wait3A_148] : memref<80x128xi32, #tpu.memory_space<vmem>> -> memref<1x128xi32, #tpu.memory_space<vmem>>
      %dma_wait3A_150 = tpu.memref_squeeze %dma_wait3A_149 : memref<1x128xi32, #tpu.memory_space<vmem>> -> memref<128xi32, #tpu.memory_space<vmem>>
      %dma_wait3A_151 = arith.constant 0 : i32
      %dma_wait3A_152 = arith.constant 0 : i32
      %dma_wait3A_153 = tpu.memref_slice %arg13[%dma_wait3A_151, %dma_wait3A_152] : memref<10112x128xf32, #tpu.memory_space<vmem_shared>> -> memref<10112x128xf32, #tpu.memory_space<vmem_shared>>
      tpu.wait_indirect_dma semaphore(%arg16 : memref<!tpu.dma_semaphore, #tpu.memory_space<semaphore_mem>>) src(%arg11 : memref<128x128xf32, #tpu.memory_space<vmem>>) dst(%dma_wait3A_153 : memref<10112x128xf32, #tpu.memory_space<vmem_shared>>)
      %dma_wait3A_154 = arith.constant 79 : i32
      %dma_wait3A_155 = arith.constant 0 : i32
      %dma_wait3A_156 = tpu.memref_slice %arg10[%dma_wait3A_154, %dma_wait3A_155] : memref<80x128xi32, #tpu.memory_space<vmem>> -> memref<1x128xi32, #tpu.memory_space<vmem>>
      %dma_wait3A_157 = tpu.memref_squeeze %dma_wait3A_156 : memref<1x128xi32, #tpu.memory_space<vmem>> -> memref<128xi32, #tpu.memory_space<vmem>>
      %dma_wait3A_158 = arith.constant 0 : i32
      %dma_wait3A_159 = arith.constant 0 : i32
      %dma_wait3A_160 = tpu.memref_slice %arg13[%dma_wait3A_158, %dma_wait3A_159] : memref<10112x128xf32, #tpu.memory_space<vmem_shared>> -> memref<10112x128xf32, #tpu.memory_space<vmem_shared>>
      tpu.wait_indirect_dma semaphore(%arg17 : memref<!tpu.dma_semaphore, #tpu.memory_space<semaphore_mem>>) src(%arg12 : memref<128x128xf32, #tpu.memory_space<vmem>>) dst(%dma_wait3A_160 : memref<10112x128xf32, #tpu.memory_space<vmem_shared>>)
      %dma_wait3A_161 = arith.constant 80 : i32
      %dma_wait3A_162 = arith.constant 0 : i32
      %dma_wait3A_163 = arith.constant 0 : i32
      %dma_wait3A_164 = tpu.memref_slice %arg9[%dma_wait3A_162, %dma_wait3A_163] : memref<2x128xi32, #tpu.memory_space<vmem>> -> memref<1x128xi32, #tpu.memory_space<vmem>>
      %dma_wait3A_165 = tpu.memref_squeeze %dma_wait3A_164 : memref<1x128xi32, #tpu.memory_space<vmem>> -> memref<128xi32, #tpu.memory_space<vmem>>
      %dma_wait3A_166 = arith.constant 0 : i32
      %dma_wait3A_167 = tpu.memref_slice %arg4[%arg1, %dma_wait3A_161, %dma_wait3A_166] : memref<16x82x128xi32, #tpu.memory_space<hbm>> -> memref<1x1x128xi32, #tpu.memory_space<hbm>>
      %dma_wait3A_168 = tpu.memref_squeeze %dma_wait3A_167 : memref<1x1x128xi32, #tpu.memory_space<hbm>> -> memref<128xi32, #tpu.memory_space<hbm>>
      %dma_wait3A_169 = arith.constant 0 : i32
      %dma_wait3A_170 = tpu.memref_slice %arg9[%dma_wait3A_162, %dma_wait3A_169] : memref<2x128xi32, #tpu.memory_space<vmem>> -> memref<1x128xi32, #tpu.memory_space<vmem>>
      %dma_wait3A_171 = tpu.memref_squeeze %dma_wait3A_170 : memref<1x128xi32, #tpu.memory_space<vmem>> -> memref<128xi32, #tpu.memory_space<vmem>>
      %dma_wait3A_172 = arith.constant 0 : i32
      %dma_wait3A_173 = tpu.memref_slice %arg4[%arg1, %dma_wait3A_161, %dma_wait3A_172] : memref<16x82x128xi32, #tpu.memory_space<hbm>> -> memref<1x1x128xi32, #tpu.memory_space<hbm>>
      %dma_wait3A_174 = tpu.memref_squeeze %dma_wait3A_173 : memref<1x1x128xi32, #tpu.memory_space<hbm>> -> memref<128xi32, #tpu.memory_space<hbm>>
      tpu.wait_dma2 semaphore(%arg18 : memref<!tpu.dma_semaphore, #tpu.memory_space<semaphore_mem>>) src(%dma_wait3A_174 : memref<128xi32, #tpu.memory_space<hbm>>) dst(%dma_wait3A_171 : memref<128xi32, #tpu.memory_space<vmem>>)
      %dma_wait3A_175 = arith.constant 81 : i32
      %dma_wait3A_176 = arith.constant 1 : i32
      %dma_wait3A_177 = arith.constant 0 : i32
      %dma_wait3A_178 = tpu.memref_slice %arg9[%dma_wait3A_176, %dma_wait3A_177] : memref<2x128xi32, #tpu.memory_space<vmem>> -> memref<1x128xi32, #tpu.memory_space<vmem>>
      %dma_wait3A_179 = tpu.memref_squeeze %dma_wait3A_178 : memref<1x128xi32, #tpu.memory_space<vmem>> -> memref<128xi32, #tpu.memory_space<vmem>>
      %dma_wait3A_180 = arith.constant 0 : i32
      %dma_wait3A_181 = tpu.memref_slice %arg4[%arg1, %dma_wait3A_175, %dma_wait3A_180] : memref<16x82x128xi32, #tpu.memory_space<hbm>> -> memref<1x1x128xi32, #tpu.memory_space<hbm>>
      %dma_wait3A_182 = tpu.memref_squeeze %dma_wait3A_181 : memref<1x1x128xi32, #tpu.memory_space<hbm>> -> memref<128xi32, #tpu.memory_space<hbm>>
      %dma_wait3A_183 = arith.constant 0 : i32
      %dma_wait3A_184 = tpu.memref_slice %arg9[%dma_wait3A_176, %dma_wait3A_183] : memref<2x128xi32, #tpu.memory_space<vmem>> -> memref<1x128xi32, #tpu.memory_space<vmem>>
      %dma_wait3A_185 = tpu.memref_squeeze %dma_wait3A_184 : memref<1x128xi32, #tpu.memory_space<vmem>> -> memref<128xi32, #tpu.memory_space<vmem>>
      %dma_wait3A_186 = arith.constant 0 : i32
      %dma_wait3A_187 = tpu.memref_slice %arg4[%arg1, %dma_wait3A_175, %dma_wait3A_186] : memref<16x82x128xi32, #tpu.memory_space<hbm>> -> memref<1x1x128xi32, #tpu.memory_space<hbm>>
      %dma_wait3A_188 = tpu.memref_squeeze %dma_wait3A_187 : memref<1x1x128xi32, #tpu.memory_space<hbm>> -> memref<128xi32, #tpu.memory_space<hbm>>
      tpu.wait_dma2 semaphore(%arg19 : memref<!tpu.dma_semaphore, #tpu.memory_space<semaphore_mem>>) src(%dma_wait3A_188 : memref<128xi32, #tpu.memory_space<hbm>>) dst(%dma_wait3A_185 : memref<128xi32, #tpu.memory_space<vmem>>)
    } else {
    }
    %eq3A_3 = arith.constant 1 : i32
    %eq3A_4 = arith.cmpi eq, %arg0, %eq3A_3 : i32
    %convert_element_type3A_5 = arith.extui %eq3A_4 : i1 to i32
    %cond3A_6 = arith.constant 0 : i32
    %cond3A_7 = arith.cmpi ne, %convert_element_type3A_5, %cond3A_6 : i32
    scf.if %cond3A_7 {
      %dma_start3A = arith.constant 0 : i32
      %dma_start3A_19 = arith.constant 0 : i32
      %dma_start3A_20 = arith.constant 0 : i32
      %dma_start3A_21 = tpu.memref_slice %arg9[%dma_start3A_19, %dma_start3A_20] : memref<2x128xi32, #tpu.memory_space<vmem>> -> memref<1x128xi32, #tpu.memory_space<vmem>>
      %dma_start3A_22 = tpu.memref_squeeze %dma_start3A_21 : memref<1x128xi32, #tpu.memory_space<vmem>> -> memref<128xi32, #tpu.memory_space<vmem>>
      %dma_start3A_23 = arith.constant 0 : i32
      %dma_start3A_24 = tpu.memref_slice %arg4[%arg1, %dma_start3A, %dma_start3A_23] : memref<16x82x128xi32, #tpu.memory_space<hbm>> -> memref<1x1x128xi32, #tpu.memory_space<hbm>>
      %dma_start3A_25 = tpu.memref_squeeze %dma_start3A_24 : memref<1x1x128xi32, #tpu.memory_space<hbm>> -> memref<128xi32, #tpu.memory_space<hbm>>
      %dma_start3A_26 = arith.constant 0 : i32
      %dma_start3A_27 = tpu.memref_slice %arg9[%dma_start3A_19, %dma_start3A_26] : memref<2x128xi32, #tpu.memory_space<vmem>> -> memref<1x128xi32, #tpu.memory_space<vmem>>
      %dma_start3A_28 = tpu.memref_squeeze %dma_start3A_27 : memref<1x128xi32, #tpu.memory_space<vmem>> -> memref<128xi32, #tpu.memory_space<vmem>>
      %dma_start3A_29 = arith.constant 0 : i32
      %dma_start3A_30 = tpu.memref_slice %arg4[%arg1, %dma_start3A, %dma_start3A_29] : memref<16x82x128xi32, #tpu.memory_space<hbm>> -> memref<1x1x128xi32, #tpu.memory_space<hbm>>
      %dma_start3A_31 = tpu.memref_squeeze %dma_start3A_30 : memref<1x1x128xi32, #tpu.memory_space<hbm>> -> memref<128xi32, #tpu.memory_space<hbm>>
      tpu.enqueue_dma source(%dma_start3A_31 : memref<128xi32, #tpu.memory_space<hbm>>) target(%dma_start3A_28 : memref<128xi32, #tpu.memory_space<vmem>>) target_semaphore(%arg18 : memref<!tpu.dma_semaphore, #tpu.memory_space<semaphore_mem>>)
      %dma_start3A_32 = arith.constant 1 : i32
      %dma_start3A_33 = arith.constant 1 : i32
      %dma_start3A_34 = arith.constant 0 : i32
      %dma_start3A_35 = tpu.memref_slice %arg9[%dma_start3A_33, %dma_start3A_34] : memref<2x128xi32, #tpu.memory_space<vmem>> -> memref<1x128xi32, #tpu.memory_space<vmem>>
      %dma_start3A_36 = tpu.memref_squeeze %dma_start3A_35 : memref<1x128xi32, #tpu.memory_space<vmem>> -> memref<128xi32, #tpu.memory_space<vmem>>
      %dma_start3A_37 = arith.constant 0 : i32
      %dma_start3A_38 = tpu.memref_slice %arg4[%arg1, %dma_start3A_32, %dma_start3A_37] : memref<16x82x128xi32, #tpu.memory_space<hbm>> -> memref<1x1x128xi32, #tpu.memory_space<hbm>>
      %dma_start3A_39 = tpu.memref_squeeze %dma_start3A_38 : memref<1x1x128xi32, #tpu.memory_space<hbm>> -> memref<128xi32, #tpu.memory_space<hbm>>
      %dma_start3A_40 = arith.constant 0 : i32
      %dma_start3A_41 = tpu.memref_slice %arg9[%dma_start3A_33, %dma_start3A_40] : memref<2x128xi32, #tpu.memory_space<vmem>> -> memref<1x128xi32, #tpu.memory_space<vmem>>
      %dma_start3A_42 = tpu.memref_squeeze %dma_start3A_41 : memref<1x128xi32, #tpu.memory_space<vmem>> -> memref<128xi32, #tpu.memory_space<vmem>>
      %dma_start3A_43 = arith.constant 0 : i32
      %dma_start3A_44 = tpu.memref_slice %arg4[%arg1, %dma_start3A_32, %dma_start3A_43] : memref<16x82x128xi32, #tpu.memory_space<hbm>> -> memref<1x1x128xi32, #tpu.memory_space<hbm>>
      %dma_start3A_45 = tpu.memref_squeeze %dma_start3A_44 : memref<1x1x128xi32, #tpu.memory_space<hbm>> -> memref<128xi32, #tpu.memory_space<hbm>>
      tpu.enqueue_dma source(%dma_start3A_45 : memref<128xi32, #tpu.memory_space<hbm>>) target(%dma_start3A_42 : memref<128xi32, #tpu.memory_space<vmem>>) target_semaphore(%arg19 : memref<!tpu.dma_semaphore, #tpu.memory_space<semaphore_mem>>)
      %dma_wait3A = arith.constant 0 : i32
      %dma_wait3A_46 = arith.constant 0 : i32
      %dma_wait3A_47 = arith.constant 0 : i32
      %dma_wait3A_48 = tpu.memref_slice %arg9[%dma_wait3A_46, %dma_wait3A_47] : memref<2x128xi32, #tpu.memory_space<vmem>> -> memref<1x128xi32, #tpu.memory_space<vmem>>
      %dma_wait3A_49 = tpu.memref_squeeze %dma_wait3A_48 : memref<1x128xi32, #tpu.memory_space<vmem>> -> memref<128xi32, #tpu.memory_space<vmem>>
      %dma_wait3A_50 = arith.constant 0 : i32
      %dma_wait3A_51 = tpu.memref_slice %arg4[%arg1, %dma_wait3A, %dma_wait3A_50] : memref<16x82x128xi32, #tpu.memory_space<hbm>> -> memref<1x1x128xi32, #tpu.memory_space<hbm>>
      %dma_wait3A_52 = tpu.memref_squeeze %dma_wait3A_51 : memref<1x1x128xi32, #tpu.memory_space<hbm>> -> memref<128xi32, #tpu.memory_space<hbm>>
      %dma_wait3A_53 = arith.constant 0 : i32
      %dma_wait3A_54 = tpu.memref_slice %arg9[%dma_wait3A_46, %dma_wait3A_53] : memref<2x128xi32, #tpu.memory_space<vmem>> -> memref<1x128xi32, #tpu.memory_space<vmem>>
      %dma_wait3A_55 = tpu.memref_squeeze %dma_wait3A_54 : memref<1x128xi32, #tpu.memory_space<vmem>> -> memref<128xi32, #tpu.memory_space<vmem>>
      %dma_wait3A_56 = arith.constant 0 : i32
      %dma_wait3A_57 = tpu.memref_slice %arg4[%arg1, %dma_wait3A, %dma_wait3A_56] : memref<16x82x128xi32, #tpu.memory_space<hbm>> -> memref<1x1x128xi32, #tpu.memory_space<hbm>>
      %dma_wait3A_58 = tpu.memref_squeeze %dma_wait3A_57 : memref<1x1x128xi32, #tpu.memory_space<hbm>> -> memref<128xi32, #tpu.memory_space<hbm>>
      tpu.wait_dma2 semaphore(%arg18 : memref<!tpu.dma_semaphore, #tpu.memory_space<semaphore_mem>>) src(%dma_wait3A_58 : memref<128xi32, #tpu.memory_space<hbm>>) dst(%dma_wait3A_55 : memref<128xi32, #tpu.memory_space<vmem>>)
      %dma_start3A_59 = arith.constant 0 : i32
      %dma_start3A_60 = arith.constant 0 : i32
      %dma_start3A_61 = tpu.memref_slice %arg9[%dma_start3A_59, %dma_start3A_60] : memref<2x128xi32, #tpu.memory_space<vmem>> -> memref<1x128xi32, #tpu.memory_space<vmem>>
      %dma_start3A_62 = tpu.memref_squeeze %dma_start3A_61 : memref<1x128xi32, #tpu.memory_space<vmem>> -> memref<128xi32, #tpu.memory_space<vmem>>
      %dma_start3A_63 = arith.constant 0 : i32
      %dma_start3A_64 = arith.constant 0 : i32
      %dma_start3A_65 = tpu.memref_slice %arg3[%dma_start3A_63, %dma_start3A_64] : memref<10000x128xf32, #tpu.memory_space<hbm>> -> memref<10000x128xf32, #tpu.memory_space<hbm>>
      tpu.enqueue_indirect_dma source(%dma_start3A_65 : memref<10000x128xf32, #tpu.memory_space<hbm>>) target(%arg11 : memref<128x128xf32, #tpu.memory_space<vmem>>) offsets(%dma_start3A_62 : memref<128xi32, #tpu.memory_space<vmem>>) semaphore(%arg14 : memref<!tpu.dma_semaphore, #tpu.memory_space<semaphore_mem>>)
      %dma_wait3A_66 = arith.constant 0 : i32
      %dma_wait3A_67 = arith.constant 0 : i32
      %dma_wait3A_68 = tpu.memref_slice %arg9[%dma_wait3A_66, %dma_wait3A_67] : memref<2x128xi32, #tpu.memory_space<vmem>> -> memref<1x128xi32, #tpu.memory_space<vmem>>
      %dma_wait3A_69 = tpu.memref_squeeze %dma_wait3A_68 : memref<1x128xi32, #tpu.memory_space<vmem>> -> memref<128xi32, #tpu.memory_space<vmem>>
      %dma_wait3A_70 = arith.constant 0 : i32
      %dma_wait3A_71 = arith.constant 0 : i32
      %dma_wait3A_72 = tpu.memref_slice %arg3[%dma_wait3A_70, %dma_wait3A_71] : memref<10000x128xf32, #tpu.memory_space<hbm>> -> memref<10000x128xf32, #tpu.memory_space<hbm>>
      tpu.wait_indirect_dma semaphore(%arg14 : memref<!tpu.dma_semaphore, #tpu.memory_space<semaphore_mem>>) src(%dma_wait3A_72 : memref<10000x128xf32, #tpu.memory_space<hbm>>) dst(%arg11 : memref<128x128xf32, #tpu.memory_space<vmem>>)
      %dma_start3A_73 = arith.constant 2 : i32
      %dma_start3A_74 = arith.constant 0 : i32
      %dma_start3A_75 = arith.constant 0 : i32
      %dma_start3A_76 = tpu.memref_slice %arg9[%dma_start3A_74, %dma_start3A_75] : memref<2x128xi32, #tpu.memory_space<vmem>> -> memref<1x128xi32, #tpu.memory_space<vmem>>
      %dma_start3A_77 = tpu.memref_squeeze %dma_start3A_76 : memref<1x128xi32, #tpu.memory_space<vmem>> -> memref<128xi32, #tpu.memory_space<vmem>>
      %dma_start3A_78 = arith.constant 0 : i32
      %dma_start3A_79 = tpu.memref_slice %arg4[%arg1, %dma_start3A_73, %dma_start3A_78] : memref<16x82x128xi32, #tpu.memory_space<hbm>> -> memref<1x1x128xi32, #tpu.memory_space<hbm>>
      %dma_start3A_80 = tpu.memref_squeeze %dma_start3A_79 : memref<1x1x128xi32, #tpu.memory_space<hbm>> -> memref<128xi32, #tpu.memory_space<hbm>>
      %dma_start3A_81 = arith.constant 0 : i32
      %dma_start3A_82 = tpu.memref_slice %arg9[%dma_start3A_74, %dma_start3A_81] : memref<2x128xi32, #tpu.memory_space<vmem>> -> memref<1x128xi32, #tpu.memory_space<vmem>>
      %dma_start3A_83 = tpu.memref_squeeze %dma_start3A_82 : memref<1x128xi32, #tpu.memory_space<vmem>> -> memref<128xi32, #tpu.memory_space<vmem>>
      %dma_start3A_84 = arith.constant 0 : i32
      %dma_start3A_85 = tpu.memref_slice %arg4[%arg1, %dma_start3A_73, %dma_start3A_84] : memref<16x82x128xi32, #tpu.memory_space<hbm>> -> memref<1x1x128xi32, #tpu.memory_space<hbm>>
      %dma_start3A_86 = tpu.memref_squeeze %dma_start3A_85 : memref<1x1x128xi32, #tpu.memory_space<hbm>> -> memref<128xi32, #tpu.memory_space<hbm>>
      tpu.enqueue_dma source(%dma_start3A_86 : memref<128xi32, #tpu.memory_space<hbm>>) target(%dma_start3A_83 : memref<128xi32, #tpu.memory_space<vmem>>) target_semaphore(%arg18 : memref<!tpu.dma_semaphore, #tpu.memory_space<semaphore_mem>>)
      %dma_start3A_87 = arith.constant 0 : i32
      %dma_start3A_88 = arith.constant 0 : i32
      %dma_start3A_89 = tpu.memref_slice %arg10[%dma_start3A_87, %dma_start3A_88] : memref<80x128xi32, #tpu.memory_space<vmem>> -> memref<1x128xi32, #tpu.memory_space<vmem>>
      %dma_start3A_90 = tpu.memref_squeeze %dma_start3A_89 : memref<1x128xi32, #tpu.memory_space<vmem>> -> memref<128xi32, #tpu.memory_space<vmem>>
      %dma_start3A_91 = arith.constant 0 : i32
      %dma_start3A_92 = arith.constant 0 : i32
      %dma_start3A_93 = tpu.memref_slice %arg13[%dma_start3A_91, %dma_start3A_92] : memref<10112x128xf32, #tpu.memory_space<vmem_shared>> -> memref<10112x128xf32, #tpu.memory_space<vmem_shared>>
      tpu.enqueue_indirect_dma source(%arg11 : memref<128x128xf32, #tpu.memory_space<vmem>>) target(%dma_start3A_93 : memref<10112x128xf32, #tpu.memory_space<vmem_shared>>) offsets(%dma_start3A_90 : memref<128xi32, #tpu.memory_space<vmem>>) semaphore(%arg16 : memref<!tpu.dma_semaphore, #tpu.memory_space<semaphore_mem>>) {add = true}
      %dma_wait3A_94 = arith.constant 1 : i32
      %dma_wait3A_95 = arith.constant 1 : i32
      %dma_wait3A_96 = arith.constant 0 : i32
      %dma_wait3A_97 = tpu.memref_slice %arg9[%dma_wait3A_95, %dma_wait3A_96] : memref<2x128xi32, #tpu.memory_space<vmem>> -> memref<1x128xi32, #tpu.memory_space<vmem>>
      %dma_wait3A_98 = tpu.memref_squeeze %dma_wait3A_97 : memref<1x128xi32, #tpu.memory_space<vmem>> -> memref<128xi32, #tpu.memory_space<vmem>>
      %dma_wait3A_99 = arith.constant 0 : i32
      %dma_wait3A_100 = tpu.memref_slice %arg4[%arg1, %dma_wait3A_94, %dma_wait3A_99] : memref<16x82x128xi32, #tpu.memory_space<hbm>> -> memref<1x1x128xi32, #tpu.memory_space<hbm>>
      %dma_wait3A_101 = tpu.memref_squeeze %dma_wait3A_100 : memref<1x1x128xi32, #tpu.memory_space<hbm>> -> memref<128xi32, #tpu.memory_space<hbm>>
      %dma_wait3A_102 = arith.constant 0 : i32
      %dma_wait3A_103 = tpu.memref_slice %arg9[%dma_wait3A_95, %dma_wait3A_102] : memref<2x128xi32, #tpu.memory_space<vmem>> -> memref<1x128xi32, #tpu.memory_space<vmem>>
      %dma_wait3A_104 = tpu.memref_squeeze %dma_wait3A_103 : memref<1x128xi32, #tpu.memory_space<vmem>> -> memref<128xi32, #tpu.memory_space<vmem>>
      %dma_wait3A_105 = arith.constant 0 : i32
      %dma_wait3A_106 = tpu.memref_slice %arg4[%arg1, %dma_wait3A_94, %dma_wait3A_105] : memref<16x82x128xi32, #tpu.memory_space<hbm>> -> memref<1x1x128xi32, #tpu.memory_space<hbm>>
      %dma_wait3A_107 = tpu.memref_squeeze %dma_wait3A_106 : memref<1x1x128xi32, #tpu.memory_space<hbm>> -> memref<128xi32, #tpu.memory_space<hbm>>
      tpu.wait_dma2 semaphore(%arg19 : memref<!tpu.dma_semaphore, #tpu.memory_space<semaphore_mem>>) src(%dma_wait3A_107 : memref<128xi32, #tpu.memory_space<hbm>>) dst(%dma_wait3A_104 : memref<128xi32, #tpu.memory_space<vmem>>)
      %dma_start3A_108 = arith.constant 1 : i32
      %dma_start3A_109 = arith.constant 0 : i32
      %dma_start3A_110 = tpu.memref_slice %arg9[%dma_start3A_108, %dma_start3A_109] : memref<2x128xi32, #tpu.memory_space<vmem>> -> memref<1x128xi32, #tpu.memory_space<vmem>>
      %dma_start3A_111 = tpu.memref_squeeze %dma_start3A_110 : memref<1x128xi32, #tpu.memory_space<vmem>> -> memref<128xi32, #tpu.memory_space<vmem>>
      %dma_start3A_112 = arith.constant 0 : i32
      %dma_start3A_113 = arith.constant 0 : i32
      %dma_start3A_114 = tpu.memref_slice %arg3[%dma_start3A_112, %dma_start3A_113] : memref<10000x128xf32, #tpu.memory_space<hbm>> -> memref<10000x128xf32, #tpu.memory_space<hbm>>
      tpu.enqueue_indirect_dma source(%dma_start3A_114 : memref<10000x128xf32, #tpu.memory_space<hbm>>) target(%arg12 : memref<128x128xf32, #tpu.memory_space<vmem>>) offsets(%dma_start3A_111 : memref<128xi32, #tpu.memory_space<vmem>>) semaphore(%arg15 : memref<!tpu.dma_semaphore, #tpu.memory_space<semaphore_mem>>)
      %scan3A = arith.constant 0 : i32
      %scan3A_115 = arith.constant 39 : i32
      %scan3A_116 = arith.addi %scan3A, %scan3A_115 : i32
      %scan3A_117 = arith.constant 1 : i32
      scf.for %scan3A_189 = %scan3A to %scan3A_116 step %scan3A_117  : i32 {
        %mul3A_190 = arith.constant 2 : i32
        %mul3A_191 = arith.muli %scan3A_189, %mul3A_190 : i32
        %add3A = arith.constant 1 : i32
        %add3A_192 = arith.addi %add3A, %mul3A_191 : i32
        %dma_wait3A_193 = arith.constant 1 : i32
        %dma_wait3A_194 = arith.constant 0 : i32
        %dma_wait3A_195 = tpu.memref_slice %arg9[%dma_wait3A_193, %dma_wait3A_194] : memref<2x128xi32, #tpu.memory_space<vmem>> -> memref<1x128xi32, #tpu.memory_space<vmem>>
        %dma_wait3A_196 = tpu.memref_squeeze %dma_wait3A_195 : memref<1x128xi32, #tpu.memory_space<vmem>> -> memref<128xi32, #tpu.memory_space<vmem>>
        %dma_wait3A_197 = arith.constant 0 : i32
        %dma_wait3A_198 = arith.constant 0 : i32
        %dma_wait3A_199 = tpu.memref_slice %arg3[%dma_wait3A_197, %dma_wait3A_198] : memref<10000x128xf32, #tpu.memory_space<hbm>> -> memref<10000x128xf32, #tpu.memory_space<hbm>>
        tpu.wait_indirect_dma semaphore(%arg15 : memref<!tpu.dma_semaphore, #tpu.memory_space<semaphore_mem>>) src(%dma_wait3A_199 : memref<10000x128xf32, #tpu.memory_space<hbm>>) dst(%arg12 : memref<128x128xf32, #tpu.memory_space<vmem>>)
        %add3A_200 = arith.constant 2 : i32
        %add3A_201 = arith.addi %add3A_192, %add3A_200 : i32
        %dma_start3A_202 = arith.constant 1 : i32
        %dma_start3A_203 = arith.constant 0 : i32
        %dma_start3A_204 = tpu.memref_slice %arg9[%dma_start3A_202, %dma_start3A_203] : memref<2x128xi32, #tpu.memory_space<vmem>> -> memref<1x128xi32, #tpu.memory_space<vmem>>
        %dma_start3A_205 = tpu.memref_squeeze %dma_start3A_204 : memref<1x128xi32, #tpu.memory_space<vmem>> -> memref<128xi32, #tpu.memory_space<vmem>>
        %dma_start3A_206 = arith.constant 0 : i32
        %dma_start3A_207 = tpu.memref_slice %arg4[%arg1, %add3A_201, %dma_start3A_206] : memref<16x82x128xi32, #tpu.memory_space<hbm>> -> memref<1x1x128xi32, #tpu.memory_space<hbm>>
        %dma_start3A_208 = tpu.memref_squeeze %dma_start3A_207 : memref<1x1x128xi32, #tpu.memory_space<hbm>> -> memref<128xi32, #tpu.memory_space<hbm>>
        %dma_start3A_209 = arith.constant 0 : i32
        %dma_start3A_210 = tpu.memref_slice %arg9[%dma_start3A_202, %dma_start3A_209] : memref<2x128xi32, #tpu.memory_space<vmem>> -> memref<1x128xi32, #tpu.memory_space<vmem>>
        %dma_start3A_211 = tpu.memref_squeeze %dma_start3A_210 : memref<1x128xi32, #tpu.memory_space<vmem>> -> memref<128xi32, #tpu.memory_space<vmem>>
        %dma_start3A_212 = arith.constant 0 : i32
        %dma_start3A_213 = tpu.memref_slice %arg4[%arg1, %add3A_201, %dma_start3A_212] : memref<16x82x128xi32, #tpu.memory_space<hbm>> -> memref<1x1x128xi32, #tpu.memory_space<hbm>>
        %dma_start3A_214 = tpu.memref_squeeze %dma_start3A_213 : memref<1x1x128xi32, #tpu.memory_space<hbm>> -> memref<128xi32, #tpu.memory_space<hbm>>
        tpu.enqueue_dma source(%dma_start3A_214 : memref<128xi32, #tpu.memory_space<hbm>>) target(%dma_start3A_211 : memref<128xi32, #tpu.memory_space<vmem>>) target_semaphore(%arg19 : memref<!tpu.dma_semaphore, #tpu.memory_space<semaphore_mem>>)
        %dma_start3A_215 = arith.constant 0 : i32
        %dma_start3A_216 = tpu.memref_slice %arg10[%add3A_192, %dma_start3A_215] : memref<80x128xi32, #tpu.memory_space<vmem>> -> memref<1x128xi32, #tpu.memory_space<vmem>>
        %dma_start3A_217 = tpu.memref_squeeze %dma_start3A_216 : memref<1x128xi32, #tpu.memory_space<vmem>> -> memref<128xi32, #tpu.memory_space<vmem>>
        %dma_start3A_218 = arith.constant 0 : i32
        %dma_start3A_219 = arith.constant 0 : i32
        %dma_start3A_220 = tpu.memref_slice %arg13[%dma_start3A_218, %dma_start3A_219] : memref<10112x128xf32, #tpu.memory_space<vmem_shared>> -> memref<10112x128xf32, #tpu.memory_space<vmem_shared>>
        tpu.enqueue_indirect_dma source(%arg12 : memref<128x128xf32, #tpu.memory_space<vmem>>) target(%dma_start3A_220 : memref<10112x128xf32, #tpu.memory_space<vmem_shared>>) offsets(%dma_start3A_217 : memref<128xi32, #tpu.memory_space<vmem>>) semaphore(%arg17 : memref<!tpu.dma_semaphore, #tpu.memory_space<semaphore_mem>>) {add = true}
        %sub3A = arith.constant 1 : i32
        %sub3A_221 = arith.subi %add3A_192, %sub3A : i32
        %dma_wait3A_222 = arith.constant 0 : i32
        %dma_wait3A_223 = tpu.memref_slice %arg10[%sub3A_221, %dma_wait3A_222] : memref<80x128xi32, #tpu.memory_space<vmem>> -> memref<1x128xi32, #tpu.memory_space<vmem>>
        %dma_wait3A_224 = tpu.memref_squeeze %dma_wait3A_223 : memref<1x128xi32, #tpu.memory_space<vmem>> -> memref<128xi32, #tpu.memory_space<vmem>>
        %dma_wait3A_225 = arith.constant 0 : i32
        %dma_wait3A_226 = arith.constant 0 : i32
        %dma_wait3A_227 = tpu.memref_slice %arg13[%dma_wait3A_225, %dma_wait3A_226] : memref<10112x128xf32, #tpu.memory_space<vmem_shared>> -> memref<10112x128xf32, #tpu.memory_space<vmem_shared>>
        tpu.wait_indirect_dma semaphore(%arg16 : memref<!tpu.dma_semaphore, #tpu.memory_space<semaphore_mem>>) src(%arg11 : memref<128x128xf32, #tpu.memory_space<vmem>>) dst(%dma_wait3A_227 : memref<10112x128xf32, #tpu.memory_space<vmem_shared>>)
        %add3A_228 = arith.constant 1 : i32
        %add3A_229 = arith.addi %add3A_192, %add3A_228 : i32
        %dma_wait3A_230 = arith.constant 0 : i32
        %dma_wait3A_231 = arith.constant 0 : i32
        %dma_wait3A_232 = tpu.memref_slice %arg9[%dma_wait3A_230, %dma_wait3A_231] : memref<2x128xi32, #tpu.memory_space<vmem>> -> memref<1x128xi32, #tpu.memory_space<vmem>>
        %dma_wait3A_233 = tpu.memref_squeeze %dma_wait3A_232 : memref<1x128xi32, #tpu.memory_space<vmem>> -> memref<128xi32, #tpu.memory_space<vmem>>
        %dma_wait3A_234 = arith.constant 0 : i32
        %dma_wait3A_235 = tpu.memref_slice %arg4[%arg1, %add3A_229, %dma_wait3A_234] : memref<16x82x128xi32, #tpu.memory_space<hbm>> -> memref<1x1x128xi32, #tpu.memory_space<hbm>>
        %dma_wait3A_236 = tpu.memref_squeeze %dma_wait3A_235 : memref<1x1x128xi32, #tpu.memory_space<hbm>> -> memref<128xi32, #tpu.memory_space<hbm>>
        %dma_wait3A_237 = arith.constant 0 : i32
        %dma_wait3A_238 = tpu.memref_slice %arg9[%dma_wait3A_230, %dma_wait3A_237] : memref<2x128xi32, #tpu.memory_space<vmem>> -> memref<1x128xi32, #tpu.memory_space<vmem>>
        %dma_wait3A_239 = tpu.memref_squeeze %dma_wait3A_238 : memref<1x128xi32, #tpu.memory_space<vmem>> -> memref<128xi32, #tpu.memory_space<vmem>>
        %dma_wait3A_240 = arith.constant 0 : i32
        %dma_wait3A_241 = tpu.memref_slice %arg4[%arg1, %add3A_229, %dma_wait3A_240] : memref<16x82x128xi32, #tpu.memory_space<hbm>> -> memref<1x1x128xi32, #tpu.memory_space<hbm>>
        %dma_wait3A_242 = tpu.memref_squeeze %dma_wait3A_241 : memref<1x1x128xi32, #tpu.memory_space<hbm>> -> memref<128xi32, #tpu.memory_space<hbm>>
        tpu.wait_dma2 semaphore(%arg18 : memref<!tpu.dma_semaphore, #tpu.memory_space<semaphore_mem>>) src(%dma_wait3A_242 : memref<128xi32, #tpu.memory_space<hbm>>) dst(%dma_wait3A_239 : memref<128xi32, #tpu.memory_space<vmem>>)
        %dma_start3A_243 = arith.constant 0 : i32
        %dma_start3A_244 = arith.constant 0 : i32
        %dma_start3A_245 = tpu.memref_slice %arg9[%dma_start3A_243, %dma_start3A_244] : memref<2x128xi32, #tpu.memory_space<vmem>> -> memref<1x128xi32, #tpu.memory_space<vmem>>
        %dma_start3A_246 = tpu.memref_squeeze %dma_start3A_245 : memref<1x128xi32, #tpu.memory_space<vmem>> -> memref<128xi32, #tpu.memory_space<vmem>>
        %dma_start3A_247 = arith.constant 0 : i32
        %dma_start3A_248 = arith.constant 0 : i32
        %dma_start3A_249 = tpu.memref_slice %arg3[%dma_start3A_247, %dma_start3A_248] : memref<10000x128xf32, #tpu.memory_space<hbm>> -> memref<10000x128xf32, #tpu.memory_space<hbm>>
        tpu.enqueue_indirect_dma source(%dma_start3A_249 : memref<10000x128xf32, #tpu.memory_space<hbm>>) target(%arg11 : memref<128x128xf32, #tpu.memory_space<vmem>>) offsets(%dma_start3A_246 : memref<128xi32, #tpu.memory_space<vmem>>) semaphore(%arg14 : memref<!tpu.dma_semaphore, #tpu.memory_space<semaphore_mem>>)
        %add3A_250 = arith.constant 1 : i32
        %add3A_251 = arith.addi %add3A_192, %add3A_250 : i32
        %dma_wait3A_252 = arith.constant 0 : i32
        %dma_wait3A_253 = arith.constant 0 : i32
        %dma_wait3A_254 = tpu.memref_slice %arg9[%dma_wait3A_252, %dma_wait3A_253] : memref<2x128xi32, #tpu.memory_space<vmem>> -> memref<1x128xi32, #tpu.memory_space<vmem>>
        %dma_wait3A_255 = tpu.memref_squeeze %dma_wait3A_254 : memref<1x128xi32, #tpu.memory_space<vmem>> -> memref<128xi32, #tpu.memory_space<vmem>>
        %dma_wait3A_256 = arith.constant 0 : i32
        %dma_wait3A_257 = arith.constant 0 : i32
        %dma_wait3A_258 = tpu.memref_slice %arg3[%dma_wait3A_256, %dma_wait3A_257] : memref<10000x128xf32, #tpu.memory_space<hbm>> -> memref<10000x128xf32, #tpu.memory_space<hbm>>
        tpu.wait_indirect_dma semaphore(%arg14 : memref<!tpu.dma_semaphore, #tpu.memory_space<semaphore_mem>>) src(%dma_wait3A_258 : memref<10000x128xf32, #tpu.memory_space<hbm>>) dst(%arg11 : memref<128x128xf32, #tpu.memory_space<vmem>>)
        %add3A_259 = arith.constant 2 : i32
        %add3A_260 = arith.addi %add3A_251, %add3A_259 : i32
        %dma_start3A_261 = arith.constant 0 : i32
        %dma_start3A_262 = arith.constant 0 : i32
        %dma_start3A_263 = tpu.memref_slice %arg9[%dma_start3A_261, %dma_start3A_262] : memref<2x128xi32, #tpu.memory_space<vmem>> -> memref<1x128xi32, #tpu.memory_space<vmem>>
        %dma_start3A_264 = tpu.memref_squeeze %dma_start3A_263 : memref<1x128xi32, #tpu.memory_space<vmem>> -> memref<128xi32, #tpu.memory_space<vmem>>
        %dma_start3A_265 = arith.constant 0 : i32
        %dma_start3A_266 = tpu.memref_slice %arg4[%arg1, %add3A_260, %dma_start3A_265] : memref<16x82x128xi32, #tpu.memory_space<hbm>> -> memref<1x1x128xi32, #tpu.memory_space<hbm>>
        %dma_start3A_267 = tpu.memref_squeeze %dma_start3A_266 : memref<1x1x128xi32, #tpu.memory_space<hbm>> -> memref<128xi32, #tpu.memory_space<hbm>>
        %dma_start3A_268 = arith.constant 0 : i32
        %dma_start3A_269 = tpu.memref_slice %arg9[%dma_start3A_261, %dma_start3A_268] : memref<2x128xi32, #tpu.memory_space<vmem>> -> memref<1x128xi32, #tpu.memory_space<vmem>>
        %dma_start3A_270 = tpu.memref_squeeze %dma_start3A_269 : memref<1x128xi32, #tpu.memory_space<vmem>> -> memref<128xi32, #tpu.memory_space<vmem>>
        %dma_start3A_271 = arith.constant 0 : i32
        %dma_start3A_272 = tpu.memref_slice %arg4[%arg1, %add3A_260, %dma_start3A_271] : memref<16x82x128xi32, #tpu.memory_space<hbm>> -> memref<1x1x128xi32, #tpu.memory_space<hbm>>
        %dma_start3A_273 = tpu.memref_squeeze %dma_start3A_272 : memref<1x1x128xi32, #tpu.memory_space<hbm>> -> memref<128xi32, #tpu.memory_space<hbm>>
        tpu.enqueue_dma source(%dma_start3A_273 : memref<128xi32, #tpu.memory_space<hbm>>) target(%dma_start3A_270 : memref<128xi32, #tpu.memory_space<vmem>>) target_semaphore(%arg18 : memref<!tpu.dma_semaphore, #tpu.memory_space<semaphore_mem>>)
        %dma_start3A_274 = arith.constant 0 : i32
        %dma_start3A_275 = tpu.memref_slice %arg10[%add3A_251, %dma_start3A_274] : memref<80x128xi32, #tpu.memory_space<vmem>> -> memref<1x128xi32, #tpu.memory_space<vmem>>
        %dma_start3A_276 = tpu.memref_squeeze %dma_start3A_275 : memref<1x128xi32, #tpu.memory_space<vmem>> -> memref<128xi32, #tpu.memory_space<vmem>>
        %dma_start3A_277 = arith.constant 0 : i32
        %dma_start3A_278 = arith.constant 0 : i32
        %dma_start3A_279 = tpu.memref_slice %arg13[%dma_start3A_277, %dma_start3A_278] : memref<10112x128xf32, #tpu.memory_space<vmem_shared>> -> memref<10112x128xf32, #tpu.memory_space<vmem_shared>>
        tpu.enqueue_indirect_dma source(%arg11 : memref<128x128xf32, #tpu.memory_space<vmem>>) target(%dma_start3A_279 : memref<10112x128xf32, #tpu.memory_space<vmem_shared>>) offsets(%dma_start3A_276 : memref<128xi32, #tpu.memory_space<vmem>>) semaphore(%arg16 : memref<!tpu.dma_semaphore, #tpu.memory_space<semaphore_mem>>) {add = true}
        %sub3A_280 = arith.constant 1 : i32
        %sub3A_281 = arith.subi %add3A_251, %sub3A_280 : i32
        %dma_wait3A_282 = arith.constant 0 : i32
        %dma_wait3A_283 = tpu.memref_slice %arg10[%sub3A_281, %dma_wait3A_282] : memref<80x128xi32, #tpu.memory_space<vmem>> -> memref<1x128xi32, #tpu.memory_space<vmem>>
        %dma_wait3A_284 = tpu.memref_squeeze %dma_wait3A_283 : memref<1x128xi32, #tpu.memory_space<vmem>> -> memref<128xi32, #tpu.memory_space<vmem>>
        %dma_wait3A_285 = arith.constant 0 : i32
        %dma_wait3A_286 = arith.constant 0 : i32
        %dma_wait3A_287 = tpu.memref_slice %arg13[%dma_wait3A_285, %dma_wait3A_286] : memref<10112x128xf32, #tpu.memory_space<vmem_shared>> -> memref<10112x128xf32, #tpu.memory_space<vmem_shared>>
        tpu.wait_indirect_dma semaphore(%arg17 : memref<!tpu.dma_semaphore, #tpu.memory_space<semaphore_mem>>) src(%arg12 : memref<128x128xf32, #tpu.memory_space<vmem>>) dst(%dma_wait3A_287 : memref<10112x128xf32, #tpu.memory_space<vmem_shared>>)
        %add3A_288 = arith.constant 1 : i32
        %add3A_289 = arith.addi %add3A_251, %add3A_288 : i32
        %dma_wait3A_290 = arith.constant 1 : i32
        %dma_wait3A_291 = arith.constant 0 : i32
        %dma_wait3A_292 = tpu.memref_slice %arg9[%dma_wait3A_290, %dma_wait3A_291] : memref<2x128xi32, #tpu.memory_space<vmem>> -> memref<1x128xi32, #tpu.memory_space<vmem>>
        %dma_wait3A_293 = tpu.memref_squeeze %dma_wait3A_292 : memref<1x128xi32, #tpu.memory_space<vmem>> -> memref<128xi32, #tpu.memory_space<vmem>>
        %dma_wait3A_294 = arith.constant 0 : i32
        %dma_wait3A_295 = tpu.memref_slice %arg4[%arg1, %add3A_289, %dma_wait3A_294] : memref<16x82x128xi32, #tpu.memory_space<hbm>> -> memref<1x1x128xi32, #tpu.memory_space<hbm>>
        %dma_wait3A_296 = tpu.memref_squeeze %dma_wait3A_295 : memref<1x1x128xi32, #tpu.memory_space<hbm>> -> memref<128xi32, #tpu.memory_space<hbm>>
        %dma_wait3A_297 = arith.constant 0 : i32
        %dma_wait3A_298 = tpu.memref_slice %arg9[%dma_wait3A_290, %dma_wait3A_297] : memref<2x128xi32, #tpu.memory_space<vmem>> -> memref<1x128xi32, #tpu.memory_space<vmem>>
        %dma_wait3A_299 = tpu.memref_squeeze %dma_wait3A_298 : memref<1x128xi32, #tpu.memory_space<vmem>> -> memref<128xi32, #tpu.memory_space<vmem>>
        %dma_wait3A_300 = arith.constant 0 : i32
        %dma_wait3A_301 = tpu.memref_slice %arg4[%arg1, %add3A_289, %dma_wait3A_300] : memref<16x82x128xi32, #tpu.memory_space<hbm>> -> memref<1x1x128xi32, #tpu.memory_space<hbm>>
        %dma_wait3A_302 = tpu.memref_squeeze %dma_wait3A_301 : memref<1x1x128xi32, #tpu.memory_space<hbm>> -> memref<128xi32, #tpu.memory_space<hbm>>
        tpu.wait_dma2 semaphore(%arg19 : memref<!tpu.dma_semaphore, #tpu.memory_space<semaphore_mem>>) src(%dma_wait3A_302 : memref<128xi32, #tpu.memory_space<hbm>>) dst(%dma_wait3A_299 : memref<128xi32, #tpu.memory_space<vmem>>)
        %dma_start3A_303 = arith.constant 1 : i32
        %dma_start3A_304 = arith.constant 0 : i32
        %dma_start3A_305 = tpu.memref_slice %arg9[%dma_start3A_303, %dma_start3A_304] : memref<2x128xi32, #tpu.memory_space<vmem>> -> memref<1x128xi32, #tpu.memory_space<vmem>>
        %dma_start3A_306 = tpu.memref_squeeze %dma_start3A_305 : memref<1x128xi32, #tpu.memory_space<vmem>> -> memref<128xi32, #tpu.memory_space<vmem>>
        %dma_start3A_307 = arith.constant 0 : i32
        %dma_start3A_308 = arith.constant 0 : i32
        %dma_start3A_309 = tpu.memref_slice %arg3[%dma_start3A_307, %dma_start3A_308] : memref<10000x128xf32, #tpu.memory_space<hbm>> -> memref<10000x128xf32, #tpu.memory_space<hbm>>
        tpu.enqueue_indirect_dma source(%dma_start3A_309 : memref<10000x128xf32, #tpu.memory_space<hbm>>) target(%arg12 : memref<128x128xf32, #tpu.memory_space<vmem>>) offsets(%dma_start3A_306 : memref<128xi32, #tpu.memory_space<vmem>>) semaphore(%arg15 : memref<!tpu.dma_semaphore, #tpu.memory_space<semaphore_mem>>)
      }
      %scan3A_118 = arith.constant 39 : i32
      %dma_wait3A_119 = arith.constant 1 : i32
      %dma_wait3A_120 = arith.constant 0 : i32
      %dma_wait3A_121 = tpu.memref_slice %arg9[%dma_wait3A_119, %dma_wait3A_120] : memref<2x128xi32, #tpu.memory_space<vmem>> -> memref<1x128xi32, #tpu.memory_space<vmem>>
      %dma_wait3A_122 = tpu.memref_squeeze %dma_wait3A_121 : memref<1x128xi32, #tpu.memory_space<vmem>> -> memref<128xi32, #tpu.memory_space<vmem>>
      %dma_wait3A_123 = arith.constant 0 : i32
      %dma_wait3A_124 = arith.constant 0 : i32
      %dma_wait3A_125 = tpu.memref_slice %arg3[%dma_wait3A_123, %dma_wait3A_124] : memref<10000x128xf32, #tpu.memory_space<hbm>> -> memref<10000x128xf32, #tpu.memory_space<hbm>>
      tpu.wait_indirect_dma semaphore(%arg15 : memref<!tpu.dma_semaphore, #tpu.memory_space<semaphore_mem>>) src(%dma_wait3A_125 : memref<10000x128xf32, #tpu.memory_space<hbm>>) dst(%arg12 : memref<128x128xf32, #tpu.memory_space<vmem>>)
      %dma_start3A_126 = arith.constant 81 : i32
      %dma_start3A_127 = arith.constant 1 : i32
      %dma_start3A_128 = arith.constant 0 : i32
      %dma_start3A_129 = tpu.memref_slice %arg9[%dma_start3A_127, %dma_start3A_128] : memref<2x128xi32, #tpu.memory_space<vmem>> -> memref<1x128xi32, #tpu.memory_space<vmem>>
      %dma_start3A_130 = tpu.memref_squeeze %dma_start3A_129 : memref<1x128xi32, #tpu.memory_space<vmem>> -> memref<128xi32, #tpu.memory_space<vmem>>
      %dma_start3A_131 = arith.constant 0 : i32
      %dma_start3A_132 = tpu.memref_slice %arg4[%arg1, %dma_start3A_126, %dma_start3A_131] : memref<16x82x128xi32, #tpu.memory_space<hbm>> -> memref<1x1x128xi32, #tpu.memory_space<hbm>>
      %dma_start3A_133 = tpu.memref_squeeze %dma_start3A_132 : memref<1x1x128xi32, #tpu.memory_space<hbm>> -> memref<128xi32, #tpu.memory_space<hbm>>
      %dma_start3A_134 = arith.constant 0 : i32
      %dma_start3A_135 = tpu.memref_slice %arg9[%dma_start3A_127, %dma_start3A_134] : memref<2x128xi32, #tpu.memory_space<vmem>> -> memref<1x128xi32, #tpu.memory_space<vmem>>
      %dma_start3A_136 = tpu.memref_squeeze %dma_start3A_135 : memref<1x128xi32, #tpu.memory_space<vmem>> -> memref<128xi32, #tpu.memory_space<vmem>>
      %dma_start3A_137 = arith.constant 0 : i32
      %dma_start3A_138 = tpu.memref_slice %arg4[%arg1, %dma_start3A_126, %dma_start3A_137] : memref<16x82x128xi32, #tpu.memory_space<hbm>> -> memref<1x1x128xi32, #tpu.memory_space<hbm>>
      %dma_start3A_139 = tpu.memref_squeeze %dma_start3A_138 : memref<1x1x128xi32, #tpu.memory_space<hbm>> -> memref<128xi32, #tpu.memory_space<hbm>>
      tpu.enqueue_dma source(%dma_start3A_139 : memref<128xi32, #tpu.memory_space<hbm>>) target(%dma_start3A_136 : memref<128xi32, #tpu.memory_space<vmem>>) target_semaphore(%arg19 : memref<!tpu.dma_semaphore, #tpu.memory_space<semaphore_mem>>)
      %dma_start3A_140 = arith.constant 79 : i32
      %dma_start3A_141 = arith.constant 0 : i32
      %dma_start3A_142 = tpu.memref_slice %arg10[%dma_start3A_140, %dma_start3A_141] : memref<80x128xi32, #tpu.memory_space<vmem>> -> memref<1x128xi32, #tpu.memory_space<vmem>>
      %dma_start3A_143 = tpu.memref_squeeze %dma_start3A_142 : memref<1x128xi32, #tpu.memory_space<vmem>> -> memref<128xi32, #tpu.memory_space<vmem>>
      %dma_start3A_144 = arith.constant 0 : i32
      %dma_start3A_145 = arith.constant 0 : i32
      %dma_start3A_146 = tpu.memref_slice %arg13[%dma_start3A_144, %dma_start3A_145] : memref<10112x128xf32, #tpu.memory_space<vmem_shared>> -> memref<10112x128xf32, #tpu.memory_space<vmem_shared>>
      tpu.enqueue_indirect_dma source(%arg12 : memref<128x128xf32, #tpu.memory_space<vmem>>) target(%dma_start3A_146 : memref<10112x128xf32, #tpu.memory_space<vmem_shared>>) offsets(%dma_start3A_143 : memref<128xi32, #tpu.memory_space<vmem>>) semaphore(%arg17 : memref<!tpu.dma_semaphore, #tpu.memory_space<semaphore_mem>>) {add = true}
      %dma_wait3A_147 = arith.constant 78 : i32
      %dma_wait3A_148 = arith.constant 0 : i32
      %dma_wait3A_149 = tpu.memref_slice %arg10[%dma_wait3A_147, %dma_wait3A_148] : memref<80x128xi32, #tpu.memory_space<vmem>> -> memref<1x128xi32, #tpu.memory_space<vmem>>
      %dma_wait3A_150 = tpu.memref_squeeze %dma_wait3A_149 : memref<1x128xi32, #tpu.memory_space<vmem>> -> memref<128xi32, #tpu.memory_space<vmem>>
      %dma_wait3A_151 = arith.constant 0 : i32
      %dma_wait3A_152 = arith.constant 0 : i32
      %dma_wait3A_153 = tpu.memref_slice %arg13[%dma_wait3A_151, %dma_wait3A_152] : memref<10112x128xf32, #tpu.memory_space<vmem_shared>> -> memref<10112x128xf32, #tpu.memory_space<vmem_shared>>
      tpu.wait_indirect_dma semaphore(%arg16 : memref<!tpu.dma_semaphore, #tpu.memory_space<semaphore_mem>>) src(%arg11 : memref<128x128xf32, #tpu.memory_space<vmem>>) dst(%dma_wait3A_153 : memref<10112x128xf32, #tpu.memory_space<vmem_shared>>)
      %dma_wait3A_154 = arith.constant 79 : i32
      %dma_wait3A_155 = arith.constant 0 : i32
      %dma_wait3A_156 = tpu.memref_slice %arg10[%dma_wait3A_154, %dma_wait3A_155] : memref<80x128xi32, #tpu.memory_space<vmem>> -> memref<1x128xi32, #tpu.memory_space<vmem>>
      %dma_wait3A_157 = tpu.memref_squeeze %dma_wait3A_156 : memref<1x128xi32, #tpu.memory_space<vmem>> -> memref<128xi32, #tpu.memory_space<vmem>>
      %dma_wait3A_158 = arith.constant 0 : i32
      %dma_wait3A_159 = arith.constant 0 : i32
      %dma_wait3A_160 = tpu.memref_slice %arg13[%dma_wait3A_158, %dma_wait3A_159] : memref<10112x128xf32, #tpu.memory_space<vmem_shared>> -> memref<10112x128xf32, #tpu.memory_space<vmem_shared>>
      tpu.wait_indirect_dma semaphore(%arg17 : memref<!tpu.dma_semaphore, #tpu.memory_space<semaphore_mem>>) src(%arg12 : memref<128x128xf32, #tpu.memory_space<vmem>>) dst(%dma_wait3A_160 : memref<10112x128xf32, #tpu.memory_space<vmem_shared>>)
      %dma_wait3A_161 = arith.constant 80 : i32
      %dma_wait3A_162 = arith.constant 0 : i32
      %dma_wait3A_163 = arith.constant 0 : i32
      %dma_wait3A_164 = tpu.memref_slice %arg9[%dma_wait3A_162, %dma_wait3A_163] : memref<2x128xi32, #tpu.memory_space<vmem>> -> memref<1x128xi32, #tpu.memory_space<vmem>>
      %dma_wait3A_165 = tpu.memref_squeeze %dma_wait3A_164 : memref<1x128xi32, #tpu.memory_space<vmem>> -> memref<128xi32, #tpu.memory_space<vmem>>
      %dma_wait3A_166 = arith.constant 0 : i32
      %dma_wait3A_167 = tpu.memref_slice %arg4[%arg1, %dma_wait3A_161, %dma_wait3A_166] : memref<16x82x128xi32, #tpu.memory_space<hbm>> -> memref<1x1x128xi32, #tpu.memory_space<hbm>>
      %dma_wait3A_168 = tpu.memref_squeeze %dma_wait3A_167 : memref<1x1x128xi32, #tpu.memory_space<hbm>> -> memref<128xi32, #tpu.memory_space<hbm>>
      %dma_wait3A_169 = arith.constant 0 : i32
      %dma_wait3A_170 = tpu.memref_slice %arg9[%dma_wait3A_162, %dma_wait3A_169] : memref<2x128xi32, #tpu.memory_space<vmem>> -> memref<1x128xi32, #tpu.memory_space<vmem>>
      %dma_wait3A_171 = tpu.memref_squeeze %dma_wait3A_170 : memref<1x128xi32, #tpu.memory_space<vmem>> -> memref<128xi32, #tpu.memory_space<vmem>>
      %dma_wait3A_172 = arith.constant 0 : i32
      %dma_wait3A_173 = tpu.memref_slice %arg4[%arg1, %dma_wait3A_161, %dma_wait3A_172] : memref<16x82x128xi32, #tpu.memory_space<hbm>> -> memref<1x1x128xi32, #tpu.memory_space<hbm>>
      %dma_wait3A_174 = tpu.memref_squeeze %dma_wait3A_173 : memref<1x1x128xi32, #tpu.memory_space<hbm>> -> memref<128xi32, #tpu.memory_space<hbm>>
      tpu.wait_dma2 semaphore(%arg18 : memref<!tpu.dma_semaphore, #tpu.memory_space<semaphore_mem>>) src(%dma_wait3A_174 : memref<128xi32, #tpu.memory_space<hbm>>) dst(%dma_wait3A_171 : memref<128xi32, #tpu.memory_space<vmem>>)
      %dma_wait3A_175 = arith.constant 81 : i32
      %dma_wait3A_176 = arith.constant 1 : i32
      %dma_wait3A_177 = arith.constant 0 : i32
      %dma_wait3A_178 = tpu.memref_slice %arg9[%dma_wait3A_176, %dma_wait3A_177] : memref<2x128xi32, #tpu.memory_space<vmem>> -> memref<1x128xi32, #tpu.memory_space<vmem>>
      %dma_wait3A_179 = tpu.memref_squeeze %dma_wait3A_178 : memref<1x128xi32, #tpu.memory_space<vmem>> -> memref<128xi32, #tpu.memory_space<vmem>>
      %dma_wait3A_180 = arith.constant 0 : i32
      %dma_wait3A_181 = tpu.memref_slice %arg4[%arg1, %dma_wait3A_175, %dma_wait3A_180] : memref<16x82x128xi32, #tpu.memory_space<hbm>> -> memref<1x1x128xi32, #tpu.memory_space<hbm>>
      %dma_wait3A_182 = tpu.memref_squeeze %dma_wait3A_181 : memref<1x1x128xi32, #tpu.memory_space<hbm>> -> memref<128xi32, #tpu.memory_space<hbm>>
      %dma_wait3A_183 = arith.constant 0 : i32
      %dma_wait3A_184 = tpu.memref_slice %arg9[%dma_wait3A_176, %dma_wait3A_183] : memref<2x128xi32, #tpu.memory_space<vmem>> -> memref<1x128xi32, #tpu.memory_space<vmem>>
      %dma_wait3A_185 = tpu.memref_squeeze %dma_wait3A_184 : memref<1x128xi32, #tpu.memory_space<vmem>> -> memref<128xi32, #tpu.memory_space<vmem>>
      %dma_wait3A_186 = arith.constant 0 : i32
      %dma_wait3A_187 = tpu.memref_slice %arg4[%arg1, %dma_wait3A_175, %dma_wait3A_186] : memref<16x82x128xi32, #tpu.memory_space<hbm>> -> memref<1x1x128xi32, #tpu.memory_space<hbm>>
      %dma_wait3A_188 = tpu.memref_squeeze %dma_wait3A_187 : memref<1x1x128xi32, #tpu.memory_space<hbm>> -> memref<128xi32, #tpu.memory_space<hbm>>
      tpu.wait_dma2 semaphore(%arg19 : memref<!tpu.dma_semaphore, #tpu.memory_space<semaphore_mem>>) src(%dma_wait3A_188 : memref<128xi32, #tpu.memory_space<hbm>>) dst(%dma_wait3A_185 : memref<128xi32, #tpu.memory_space<vmem>>)
    } else {
    }
    %barrier3A_8 = arith.constant 0 : index
    tpu.barrier barrier_id(%barrier3A_8)
    %eq3A_9 = arith.constant 0 : i32
    %eq3A_10 = arith.cmpi eq, %arg0, %eq3A_9 : i32
    %convert_element_type3A_11 = arith.extui %eq3A_10 : i1 to i32
    %cond3A_12 = arith.constant 0 : i32
    %cond3A_13 = arith.cmpi ne, %convert_element_type3A_11, %cond3A_12 : i32
    scf.if %cond3A_13 {
      "tpu.region"() ({
        %run_scoped3A = tpu.sem_alloc : memref<!tpu.dma_semaphore, #tpu.memory_space<semaphore_mem>>
        %dma_start3A = arith.constant 0 : i32
        %dma_start3A_19 = tpu.memref_slice %arg7[%mul3A_0, %dma_start3A] : memref<10112x128xf32, #tpu.memory_space<hbm>> -> memref<632x128xf32, #tpu.memory_space<hbm>>
        %dma_start3A_20 = arith.constant 0 : i32
        %dma_start3A_21 = tpu.memref_slice %arg13[%mul3A_0, %dma_start3A_20] : memref<10112x128xf32, #tpu.memory_space<vmem_shared>> -> memref<632x128xf32, #tpu.memory_space<vmem_shared>>
        tpu.enqueue_dma source(%dma_start3A_21 : memref<632x128xf32, #tpu.memory_space<vmem_shared>>) target(%dma_start3A_19 : memref<632x128xf32, #tpu.memory_space<hbm>>) target_semaphore(%run_scoped3A : memref<!tpu.dma_semaphore, #tpu.memory_space<semaphore_mem>>)
        %dma_wait3A = arith.constant 0 : i32
        %dma_wait3A_22 = tpu.memref_slice %arg7[%mul3A_0, %dma_wait3A] : memref<10112x128xf32, #tpu.memory_space<hbm>> -> memref<632x128xf32, #tpu.memory_space<hbm>>
        %dma_wait3A_23 = arith.constant 0 : i32
        %dma_wait3A_24 = tpu.memref_slice %arg13[%mul3A_0, %dma_wait3A_23] : memref<10112x128xf32, #tpu.memory_space<vmem_shared>> -> memref<632x128xf32, #tpu.memory_space<vmem_shared>>
        tpu.wait_dma2 semaphore(%run_scoped3A : memref<!tpu.dma_semaphore, #tpu.memory_space<semaphore_mem>>) src(%dma_wait3A_24 : memref<632x128xf32, #tpu.memory_space<vmem_shared>>) dst(%dma_wait3A_22 : memref<632x128xf32, #tpu.memory_space<hbm>>)
        tpu.yield
      }) : () -> ()
    } else {
    }
    %eq3A_14 = arith.constant 1 : i32
    %eq3A_15 = arith.cmpi eq, %arg0, %eq3A_14 : i32
    %convert_element_type3A_16 = arith.extui %eq3A_15 : i1 to i32
    %cond3A_17 = arith.constant 0 : i32
    %cond3A_18 = arith.cmpi ne, %convert_element_type3A_16, %cond3A_17 : i32
    scf.if %cond3A_18 {
      "tpu.region"() ({
        %run_scoped3A = tpu.sem_alloc : memref<!tpu.dma_semaphore, #tpu.memory_space<semaphore_mem>>
        %dma_start3A = arith.constant 0 : i32
        %dma_start3A_19 = tpu.memref_slice %arg8[%mul3A_0, %dma_start3A] : memref<10112x128xf32, #tpu.memory_space<hbm>> -> memref<632x128xf32, #tpu.memory_space<hbm>>
        %dma_start3A_20 = arith.constant 0 : i32
        %dma_start3A_21 = tpu.memref_slice %arg13[%mul3A_0, %dma_start3A_20] : memref<10112x128xf32, #tpu.memory_space<vmem_shared>> -> memref<632x128xf32, #tpu.memory_space<vmem_shared>>
        tpu.enqueue_dma source(%dma_start3A_21 : memref<632x128xf32, #tpu.memory_space<vmem_shared>>) target(%dma_start3A_19 : memref<632x128xf32, #tpu.memory_space<hbm>>) target_semaphore(%run_scoped3A : memref<!tpu.dma_semaphore, #tpu.memory_space<semaphore_mem>>)
        %dma_wait3A = arith.constant 0 : i32
        %dma_wait3A_22 = tpu.memref_slice %arg8[%mul3A_0, %dma_wait3A] : memref<10112x128xf32, #tpu.memory_space<hbm>> -> memref<632x128xf32, #tpu.memory_space<hbm>>
        %dma_wait3A_23 = arith.constant 0 : i32
        %dma_wait3A_24 = tpu.memref_slice %arg13[%mul3A_0, %dma_wait3A_23] : memref<10112x128xf32, #tpu.memory_space<vmem_shared>> -> memref<632x128xf32, #tpu.memory_space<vmem_shared>>
        tpu.wait_dma2 semaphore(%run_scoped3A : memref<!tpu.dma_semaphore, #tpu.memory_space<semaphore_mem>>) src(%dma_wait3A_24 : memref<632x128xf32, #tpu.memory_space<vmem_shared>>) dst(%dma_wait3A_22 : memref<632x128xf32, #tpu.memory_space<hbm>>)
        tpu.yield
      }) : () -> ()
    } else {
    }
    return
  }
}

module attributes {stable_mosaic.version = 14 : i64} {
  func.func @_mm_scale_body(%arg0: i32, %arg1: memref<32x512xf32, #tpu.memory_space<vmem>>, %arg2: memref<512x256xf32, #tpu.memory_space<vmem>>, %arg3: memref<256x256xf32, #tpu.memory_space<vmem>>, %arg4: memref<512x256xf32, #tpu.memory_space<vmem>>, %arg5: memref<512x128xf32, #tpu.memory_space<vmem>>, %arg6: memref<512x128xf32, #tpu.memory_space<vmem>>) attributes {dimension_semantics = [#tpu.dimension_semantics<arbitrary>], iteration_bounds = array<i64: 20>, scalar_prefetch = 0 : i64, scratch_operands = 0 : i64, tpu.core_type = #tpu.core_type<tc>, window_params = [{transform_indices = @transform_0, window_bounds = array<i64: 32, 512>}, {transform_indices = @transform_1, window_bounds = array<i64: 512, 256>}, {pipeline_mode = #tpu.pipeline_mode<synchronous>, transform_indices = @transform_2, window_bounds = array<i64: 256, 256>}, {transform_indices = @transform_3, window_bounds = array<i64: 512, 256>}, {transform_indices = @transform_4, window_bounds = array<i64: 512, 128>}, {transform_indices = @transform_5, window_bounds = array<i64: 512, 128>}]} {
    %get3A = arith.constant 0 : index
    %get3A_0 = arith.constant 0 : index
    %get3A_1 = vector.load %arg1[%get3A, %get3A_0] : memref<32x512xf32, #tpu.memory_space<vmem>>, vector<32x512xf32>
    %reduce_sum3A = arith.constant dense<0.000000e+00> : vector<512xf32>
    %reduce_sum3A_2 = vector.multi_reduction <add>, %get3A_1, %reduce_sum3A [0] : vector<32x512xf32> to vector<512xf32>
    %add3A = arith.constant 1.000000e+00 : f32
    %add3A_3 = vector.broadcast %add3A : f32 to vector<512xf32>
    %add3A_4 = arith.addf %reduce_sum3A_2, %add3A_3 : vector<512xf32>
    %rsqrt3A = math.rsqrt %add3A_4 : vector<512xf32>
    %broadcast_in_dim3A = vector.shape_cast %rsqrt3A : vector<512xf32> to vector<512x1xf32>
    %get3A_5 = arith.constant 0 : index
    %get3A_6 = arith.constant 0 : index
    %get3A_7 = vector.load %arg2[%get3A_5, %get3A_6] : memref<512x256xf32, #tpu.memory_space<vmem>>, vector<512x256xf32>
    %get3A_8 = arith.constant 0 : index
    %get3A_9 = arith.constant 0 : index
    %get3A_10 = vector.load %arg3[%get3A_8, %get3A_9] : memref<256x256xf32, #tpu.memory_space<vmem>>, vector<256x256xf32>
    %dot_general3A = arith.constant dense<0.000000e+00> : vector<512x256xf32>
    %dot_general3A_11 = tpu.matmul %get3A_7, %get3A_10, %dot_general3A {dimension_numbers = #tpu.dot_dimension_numbers<[1], [0], [0], [1], [0, 0, 1, 1], [], []>, transpose_lhs_hint = false} : vector<512x256xf32>, vector<256x256xf32>, vector<512x256xf32> -> vector<512x256xf32>
    %swap3A = arith.constant 0 : index
    %swap3A_12 = arith.constant 0 : index
    %swap3A_13 = vector.load %arg4[%swap3A, %swap3A_12] : memref<512x256xf32, #tpu.memory_space<vmem>>, vector<512x256xf32>
    tpu.vector_store %arg4[%swap3A, %swap3A_12], %dot_general3A_11 {strides = array<i32>} : memref<512x256xf32, #tpu.memory_space<vmem>>, vector<512x256xf32>,
    %mul3A = vector.broadcast %broadcast_in_dim3A : vector<512x1xf32> to vector<512x256xf32>
    %mul3A_14 = arith.mulf %dot_general3A_11, %mul3A : vector<512x256xf32>
    %slice3A = vector.extract_strided_slice %mul3A_14 {offsets = [0, 0], sizes = [512, 128], strides = [1, 1]} : vector<512x256xf32> to vector<512x128xf32>
    %swap3A_15 = arith.constant 0 : index
    %swap3A_16 = arith.constant 0 : index
    %swap3A_17 = vector.load %arg5[%swap3A_15, %swap3A_16] : memref<512x128xf32, #tpu.memory_space<vmem>>, vector<512x128xf32>
    tpu.vector_store %arg5[%swap3A_15, %swap3A_16], %slice3A {strides = array<i32>} : memref<512x128xf32, #tpu.memory_space<vmem>>, vector<512x128xf32>,
    %slice3A_18 = vector.extract_strided_slice %mul3A_14 {offsets = [0, 128], sizes = [512, 128], strides = [1, 1]} : vector<512x256xf32> to vector<512x128xf32>
    %swap3A_19 = arith.constant 0 : index
    %swap3A_20 = arith.constant 0 : index
    %swap3A_21 = vector.load %arg6[%swap3A_19, %swap3A_20] : memref<512x128xf32, #tpu.memory_space<vmem>>, vector<512x128xf32>
    tpu.vector_store %arg6[%swap3A_19, %swap3A_20], %slice3A_18 {strides = array<i32>} : memref<512x128xf32, #tpu.memory_space<vmem>>, vector<512x128xf32>,
    return
  }
  func.func @transform_0(%arg0: i32) -> (i32, i32) {
    %c0_i32 = arith.constant 0 : i32
    %c0_i32_0 = arith.constant 0 : i32
    return %c0_i32, %arg0 : i32, i32
  }
  func.func @transform_1(%arg0: i32) -> (i32, i32) {
    %c0_i32 = arith.constant 0 : i32
    %c0_i32_0 = arith.constant 0 : i32
    return %arg0, %c0_i32 : i32, i32
  }
  func.func @transform_2(%arg0: i32) -> (i32, i32) {
    %c0_i32 = arith.constant 0 : i32
    %c0_i32_0 = arith.constant 0 : i32
    %c0_i32_1 = arith.constant 0 : i32
    return %c0_i32, %c0_i32_0 : i32, i32
  }
  func.func @transform_3(%arg0: i32) -> (i32, i32) {
    %c0_i32 = arith.constant 0 : i32
    %c0_i32_0 = arith.constant 0 : i32
    return %arg0, %c0_i32 : i32, i32
  }
  func.func @transform_4(%arg0: i32) -> (i32, i32) {
    %c0_i32 = arith.constant 0 : i32
    %c0_i32_0 = arith.constant 0 : i32
    return %arg0, %c0_i32 : i32, i32
  }
  func.func @transform_5(%arg0: i32) -> (i32, i32) {
    %c0_i32 = arith.constant 0 : i32
    %c0_i32_0 = arith.constant 0 : i32
    return %arg0, %c0_i32 : i32, i32
  }
}

module attributes {stable_mosaic.version = 14 : i64} {
  func.func @_mid_body(%arg0: i32, %arg1: memref<32x512xf32, #tpu.memory_space<vmem>>, %arg2: memref<512x128xf32, #tpu.memory_space<vmem>>, %arg3: memref<512x128xf32, #tpu.memory_space<vmem>>, %arg4: memref<512x256xf32, #tpu.memory_space<vmem>>, %arg5: memref<1x256xf32, #tpu.memory_space<vmem>>, %arg6: memref<256x256xf32, #tpu.memory_space<vmem>>, %arg7: memref<512x256xf32, #tpu.memory_space<vmem>>, %arg8: memref<512x128xf32, #tpu.memory_space<vmem>>, %arg9: memref<512x128xf32, #tpu.memory_space<vmem>>) attributes {dimension_semantics = [#tpu.dimension_semantics<arbitrary>], iteration_bounds = array<i64: 20>, scalar_prefetch = 0 : i64, scratch_operands = 0 : i64, tpu.core_type = #tpu.core_type<tc>, window_params = [{transform_indices = @transform_0, window_bounds = array<i64: 32, 512>}, {transform_indices = @transform_1, window_bounds = array<i64: 512, 128>}, {transform_indices = @transform_2, window_bounds = array<i64: 512, 128>}, {transform_indices = @transform_3, window_bounds = array<i64: 512, 256>}, {pipeline_mode = #tpu.pipeline_mode<synchronous>, transform_indices = @transform_4, window_bounds = array<i64: 1, 256>}, {pipeline_mode = #tpu.pipeline_mode<synchronous>, transform_indices = @transform_5, window_bounds = array<i64: 256, 256>}, {transform_indices = @transform_6, window_bounds = array<i64: 512, 256>}, {transform_indices = @transform_7, window_bounds = array<i64: 512, 128>}, {transform_indices = @transform_8, window_bounds = array<i64: 512, 128>}]} {
    %get3A = arith.constant 0 : index
    %get3A_0 = arith.constant 0 : index
    %get3A_1 = vector.load %arg1[%get3A, %get3A_0] : memref<32x512xf32, #tpu.memory_space<vmem>>, vector<32x512xf32>
    %reduce_sum3A = arith.constant dense<0.000000e+00> : vector<512xf32>
    %reduce_sum3A_2 = vector.multi_reduction <add>, %get3A_1, %reduce_sum3A [0] : vector<32x512xf32> to vector<512xf32>
    %add3A = arith.constant 1.000000e+00 : f32
    %add3A_3 = vector.broadcast %add3A : f32 to vector<512xf32>
    %add3A_4 = arith.addf %reduce_sum3A_2, %add3A_3 : vector<512xf32>
    %rsqrt3A = math.rsqrt %add3A_4 : vector<512xf32>
    %broadcast_in_dim3A = vector.shape_cast %rsqrt3A : vector<512xf32> to vector<512x1xf32>
    %get3A_5 = arith.constant 0 : index
    %get3A_6 = arith.constant 0 : index
    %get3A_7 = vector.load %arg2[%get3A_5, %get3A_6] : memref<512x128xf32, #tpu.memory_space<vmem>>, vector<512x128xf32>
    %get3A_8 = arith.constant 0 : index
    %get3A_9 = arith.constant 0 : index
    %get3A_10 = vector.load %arg3[%get3A_8, %get3A_9] : memref<512x128xf32, #tpu.memory_space<vmem>>, vector<512x128xf32>
    %concatenate3A = tpu.concatenate %get3A_7, %get3A_10 in 1 : vector<512x128xf32>, vector<512x128xf32> -> vector<512x256xf32>
    %mul3A = vector.broadcast %broadcast_in_dim3A : vector<512x1xf32> to vector<512x256xf32>
    %mul3A_11 = arith.mulf %mul3A, %concatenate3A : vector<512x256xf32>
    %mul3A_12 = arith.mulf %broadcast_in_dim3A, %broadcast_in_dim3A : vector<512x1xf32>
    %get3A_13 = arith.constant 0 : index
    %get3A_14 = arith.constant 0 : index
    %get3A_15 = vector.load %arg4[%get3A_13, %get3A_14] : memref<512x256xf32, #tpu.memory_space<vmem>>, vector<512x256xf32>
    %mul3A_16 = vector.broadcast %mul3A_12 : vector<512x1xf32> to vector<512x256xf32>
    %mul3A_17 = arith.mulf %mul3A_16, %get3A_15 : vector<512x256xf32>
    %add3A_18 = arith.addf %mul3A_11, %mul3A_17 : vector<512x256xf32>
    %get3A_19 = arith.constant 0 : index
    %get3A_20 = arith.constant 0 : index
    %get3A_21 = vector.load %arg5[%get3A_19, %get3A_20] : memref<1x256xf32, #tpu.memory_space<vmem>>, vector<1x256xf32>
    %add3A_22 = vector.broadcast %get3A_21 : vector<1x256xf32> to vector<512x256xf32>
    %add3A_23 = arith.addf %add3A_18, %add3A_22 : vector<512x256xf32>
    %max3A = arith.constant 0.000000e+00 : f32
    %max3A_24 = vector.broadcast %max3A : f32 to vector<512x256xf32>
    %max3A_25 = arith.maximumf %add3A_23, %max3A_24 : vector<512x256xf32>
    %get3A_26 = arith.constant 0 : index
    %get3A_27 = arith.constant 0 : index
    %get3A_28 = vector.load %arg6[%get3A_26, %get3A_27] : memref<256x256xf32, #tpu.memory_space<vmem>>, vector<256x256xf32>
    %dot_general3A = arith.constant dense<0.000000e+00> : vector<512x256xf32>
    %dot_general3A_29 = tpu.matmul %max3A_25, %get3A_28, %dot_general3A {dimension_numbers = #tpu.dot_dimension_numbers<[1], [0], [0], [1], [0, 0, 1, 1], [], []>, transpose_lhs_hint = false} : vector<512x256xf32>, vector<256x256xf32>, vector<512x256xf32> -> vector<512x256xf32>
    %swap3A = arith.constant 0 : index
    %swap3A_30 = arith.constant 0 : index
    %swap3A_31 = vector.load %arg7[%swap3A, %swap3A_30] : memref<512x256xf32, #tpu.memory_space<vmem>>, vector<512x256xf32>
    tpu.vector_store %arg7[%swap3A, %swap3A_30], %dot_general3A_29 {strides = array<i32>} : memref<512x256xf32, #tpu.memory_space<vmem>>, vector<512x256xf32>,
    %mul3A_32 = vector.broadcast %broadcast_in_dim3A : vector<512x1xf32> to vector<512x256xf32>
    %mul3A_33 = arith.mulf %dot_general3A_29, %mul3A_32 : vector<512x256xf32>
    %slice3A = vector.extract_strided_slice %mul3A_33 {offsets = [0, 0], sizes = [512, 128], strides = [1, 1]} : vector<512x256xf32> to vector<512x128xf32>
    %swap3A_34 = arith.constant 0 : index
    %swap3A_35 = arith.constant 0 : index
    %swap3A_36 = vector.load %arg8[%swap3A_34, %swap3A_35] : memref<512x128xf32, #tpu.memory_space<vmem>>, vector<512x128xf32>
    tpu.vector_store %arg8[%swap3A_34, %swap3A_35], %slice3A {strides = array<i32>} : memref<512x128xf32, #tpu.memory_space<vmem>>, vector<512x128xf32>,
    %slice3A_37 = vector.extract_strided_slice %mul3A_33 {offsets = [0, 128], sizes = [512, 128], strides = [1, 1]} : vector<512x256xf32> to vector<512x128xf32>
    %swap3A_38 = arith.constant 0 : index
    %swap3A_39 = arith.constant 0 : index
    %swap3A_40 = vector.load %arg9[%swap3A_38, %swap3A_39] : memref<512x128xf32, #tpu.memory_space<vmem>>, vector<512x128xf32>
    tpu.vector_store %arg9[%swap3A_38, %swap3A_39], %slice3A_37 {strides = array<i32>} : memref<512x128xf32, #tpu.memory_space<vmem>>, vector<512x128xf32>,
    return
  }
  func.func @transform_0(%arg0: i32) -> (i32, i32) {
    %c0_i32 = arith.constant 0 : i32
    %c0_i32_0 = arith.constant 0 : i32
    return %c0_i32, %arg0 : i32, i32
  }
  func.func @transform_1(%arg0: i32) -> (i32, i32) {
    %c0_i32 = arith.constant 0 : i32
    %c0_i32_0 = arith.constant 0 : i32
    return %arg0, %c0_i32 : i32, i32
  }
  func.func @transform_2(%arg0: i32) -> (i32, i32) {
    %c0_i32 = arith.constant 0 : i32
    %c0_i32_0 = arith.constant 0 : i32
    return %arg0, %c0_i32 : i32, i32
  }
  func.func @transform_3(%arg0: i32) -> (i32, i32) {
    %c0_i32 = arith.constant 0 : i32
    %c0_i32_0 = arith.constant 0 : i32
    return %arg0, %c0_i32 : i32, i32
  }
  func.func @transform_4(%arg0: i32) -> (i32, i32) {
    %c0_i32 = arith.constant 0 : i32
    %c0_i32_0 = arith.constant 0 : i32
    %c0_i32_1 = arith.constant 0 : i32
    return %c0_i32, %c0_i32_0 : i32, i32
  }
  func.func @transform_5(%arg0: i32) -> (i32, i32) {
    %c0_i32 = arith.constant 0 : i32
    %c0_i32_0 = arith.constant 0 : i32
    %c0_i32_1 = arith.constant 0 : i32
    return %c0_i32, %c0_i32_0 : i32, i32
  }
  func.func @transform_6(%arg0: i32) -> (i32, i32) {
    %c0_i32 = arith.constant 0 : i32
    %c0_i32_0 = arith.constant 0 : i32
    return %arg0, %c0_i32 : i32, i32
  }
  func.func @transform_7(%arg0: i32) -> (i32, i32) {
    %c0_i32 = arith.constant 0 : i32
    %c0_i32_0 = arith.constant 0 : i32
    return %arg0, %c0_i32 : i32, i32
  }
  func.func @transform_8(%arg0: i32) -> (i32, i32) {
    %c0_i32 = arith.constant 0 : i32
    %c0_i32_0 = arith.constant 0 : i32
    return %arg0, %c0_i32 : i32, i32
  }
}

module attributes {stable_mosaic.version = 14 : i64} {
  func.func @_final_body(%arg0: i32, %arg1: memref<32x512xf32, #tpu.memory_space<vmem>>, %arg2: memref<512x128xf32, #tpu.memory_space<vmem>>, %arg3: memref<512x128xf32, #tpu.memory_space<vmem>>, %arg4: memref<512x256xf32, #tpu.memory_space<vmem>>, %arg5: memref<1x256xf32, #tpu.memory_space<vmem>>, %arg6: memref<512x256xf32, #tpu.memory_space<vmem>>) attributes {dimension_semantics = [#tpu.dimension_semantics<arbitrary>], iteration_bounds = array<i64: 20>, scalar_prefetch = 0 : i64, scratch_operands = 0 : i64, tpu.core_type = #tpu.core_type<tc>, window_params = [{transform_indices = @transform_0, window_bounds = array<i64: 32, 512>}, {transform_indices = @transform_1, window_bounds = array<i64: 512, 128>}, {transform_indices = @transform_2, window_bounds = array<i64: 512, 128>}, {transform_indices = @transform_3, window_bounds = array<i64: 512, 256>}, {pipeline_mode = #tpu.pipeline_mode<synchronous>, transform_indices = @transform_4, window_bounds = array<i64: 1, 256>}, {transform_indices = @transform_5, window_bounds = array<i64: 512, 256>}]} {
    %get3A = arith.constant 0 : index
    %get3A_0 = arith.constant 0 : index
    %get3A_1 = vector.load %arg1[%get3A, %get3A_0] : memref<32x512xf32, #tpu.memory_space<vmem>>, vector<32x512xf32>
    %reduce_sum3A = arith.constant dense<0.000000e+00> : vector<512xf32>
    %reduce_sum3A_2 = vector.multi_reduction <add>, %get3A_1, %reduce_sum3A [0] : vector<32x512xf32> to vector<512xf32>
    %add3A = arith.constant 1.000000e+00 : f32
    %add3A_3 = vector.broadcast %add3A : f32 to vector<512xf32>
    %add3A_4 = arith.addf %reduce_sum3A_2, %add3A_3 : vector<512xf32>
    %rsqrt3A = math.rsqrt %add3A_4 : vector<512xf32>
    %broadcast_in_dim3A = vector.shape_cast %rsqrt3A : vector<512xf32> to vector<512x1xf32>
    %get3A_5 = arith.constant 0 : index
    %get3A_6 = arith.constant 0 : index
    %get3A_7 = vector.load %arg2[%get3A_5, %get3A_6] : memref<512x128xf32, #tpu.memory_space<vmem>>, vector<512x128xf32>
    %get3A_8 = arith.constant 0 : index
    %get3A_9 = arith.constant 0 : index
    %get3A_10 = vector.load %arg3[%get3A_8, %get3A_9] : memref<512x128xf32, #tpu.memory_space<vmem>>, vector<512x128xf32>
    %concatenate3A = tpu.concatenate %get3A_7, %get3A_10 in 1 : vector<512x128xf32>, vector<512x128xf32> -> vector<512x256xf32>
    %mul3A = vector.broadcast %broadcast_in_dim3A : vector<512x1xf32> to vector<512x256xf32>
    %mul3A_11 = arith.mulf %mul3A, %concatenate3A : vector<512x256xf32>
    %mul3A_12 = arith.mulf %broadcast_in_dim3A, %broadcast_in_dim3A : vector<512x1xf32>
    %get3A_13 = arith.constant 0 : index
    %get3A_14 = arith.constant 0 : index
    %get3A_15 = vector.load %arg4[%get3A_13, %get3A_14] : memref<512x256xf32, #tpu.memory_space<vmem>>, vector<512x256xf32>
    %mul3A_16 = vector.broadcast %mul3A_12 : vector<512x1xf32> to vector<512x256xf32>
    %mul3A_17 = arith.mulf %mul3A_16, %get3A_15 : vector<512x256xf32>
    %add3A_18 = arith.addf %mul3A_11, %mul3A_17 : vector<512x256xf32>
    %get3A_19 = arith.constant 0 : index
    %get3A_20 = arith.constant 0 : index
    %get3A_21 = vector.load %arg5[%get3A_19, %get3A_20] : memref<1x256xf32, #tpu.memory_space<vmem>>, vector<1x256xf32>
    %add3A_22 = vector.broadcast %get3A_21 : vector<1x256xf32> to vector<512x256xf32>
    %add3A_23 = arith.addf %add3A_18, %add3A_22 : vector<512x256xf32>
    %max3A = arith.constant 0.000000e+00 : f32
    %max3A_24 = vector.broadcast %max3A : f32 to vector<512x256xf32>
    %max3A_25 = arith.maximumf %add3A_23, %max3A_24 : vector<512x256xf32>
    %swap3A = arith.constant 0 : index
    %swap3A_26 = arith.constant 0 : index
    %swap3A_27 = vector.load %arg6[%swap3A, %swap3A_26] : memref<512x256xf32, #tpu.memory_space<vmem>>, vector<512x256xf32>
    tpu.vector_store %arg6[%swap3A, %swap3A_26], %max3A_25 {strides = array<i32>} : memref<512x256xf32, #tpu.memory_space<vmem>>, vector<512x256xf32>,
    return
  }
  func.func @transform_0(%arg0: i32) -> (i32, i32) {
    %c0_i32 = arith.constant 0 : i32
    %c0_i32_0 = arith.constant 0 : i32
    return %c0_i32, %arg0 : i32, i32
  }
  func.func @transform_1(%arg0: i32) -> (i32, i32) {
    %c0_i32 = arith.constant 0 : i32
    %c0_i32_0 = arith.constant 0 : i32
    return %arg0, %c0_i32 : i32, i32
  }
  func.func @transform_2(%arg0: i32) -> (i32, i32) {
    %c0_i32 = arith.constant 0 : i32
    %c0_i32_0 = arith.constant 0 : i32
    return %arg0, %c0_i32 : i32, i32
  }
  func.func @transform_3(%arg0: i32) -> (i32, i32) {
    %c0_i32 = arith.constant 0 : i32
    %c0_i32_0 = arith.constant 0 : i32
    return %arg0, %c0_i32 : i32, i32
  }
  func.func @transform_4(%arg0: i32) -> (i32, i32) {
    %c0_i32 = arith.constant 0 : i32
    %c0_i32_0 = arith.constant 0 : i32
    %c0_i32_1 = arith.constant 0 : i32
    return %c0_i32, %c0_i32_0 : i32, i32
  }
  func.func @transform_5(%arg0: i32) -> (i32, i32) {
    %c0_i32 = arith.constant 0 : i32
    %c0_i32_0 = arith.constant 0 : i32
    return %arg0, %c0_i32 : i32, i32
  }
}

</mosaic_0001>

<sc_bundles>
// kernel: kernel.11.cloned.1.call-start
scs
__scs_entry_jumppad:
0x0: {  	(pc) =	sbr.rel $0x88, $3  }
0x1: {  	(tag) =	ssettag $0x0;
	lr =	simm.s32 $0x1  }
0x2: {  	[smem:$0x3F9B] =	sst lr;
	_ =	strace $0xD0000000  }
0x3: {  	_ = 	snop  }
0x4: {  	_ = 	snop  }
0x5: {  	_ = 	snop  }
0x6: {  	_ = 	snop  }
0x7: {  	_ = 	snop  }
__scs_overlays_trampoline_lowered:
0x8: {  	[smem:$0x3FAA] =	sst s0  }
0x9: {  	[smem:$0x3FAB] =	sst s1  }
0xa: {  	[smem:$0x3FAC] =	sst s2  }
0xb: {  	[smem:$0x3FAD] =	sst s3  }
0xc: {  	[smem:$0x3FAE] =	sst s4  }
0xd: {  	[smem:$0x3FAF] =	sst s5  }
0xe: {  	[smem:$0x3FB0] =	sst s6  }
0xf: {  	[smem:$0x3FB1] =	sst s7  }
0x10: {  	[smem:$0x3FB2] =	sst s8  }
0x11: {  	[smem:$0x3FB3] =	sst s9;
	s0 =	simm.s32 @!p0 $0x0  }
0x12: {  	s1 =	sld [smem:$0x3F99];
	s0 =	simm.s32 @p0 $0x1  }
0x13: {  	[smem:$0x3FB4] =	sst s0;
	s0 =	simm.s32 @!p1 $0x0  }
0x14: {  	s2 =	sld [smem:$0x3F98];
	s0 =	simm.s32 @p1 $0x1  }
0x15: {  	[smem:$0x3FB5] =	sst s0;
	s0 =	simm.s32 @!p2 $0x0  }
0x16: {  	s3 =	sld [smem:$0x3FDB];
	s0 =	simm.s32 @p2 $0x1  }
0x17: {  	s4 =	simm.s32 $0x1BF5;
	[smem:$0x3FB7] =	sst s0  }
0x18: {  	s0 =	sld [smem:$0x3F9A];
	_ =	swait.ge [sflag:s4], $0x0  }
0x19: {  	s7 =	sld [smem:$0x3F9B]  }
0x1a: {  	s8 =	sadd.s32 $0xFFFFE003, lr  }
0x1b: {  	s9 =	sadd.s32 $0xFFFFFEF7, lr;
	s5 =	simm.s32 $0xFFFFFFFF;
	p2 =	slt.u32 s8, $0xFFFFF086  }
0x1c: {  	p1 =	slt.u32 s9, $0xF7A;
	s5 =	simm.s32 @!p2 $0x0  }
0x1d: {  	s5 =	simm.s32 @p1 $0x1;
	p0 =	seq.s32 s7, s2  }
0x1e: {  	s7 =	smul.u32 @!p0 $0xF7A, s2;
	p2 =	seq.s32 @!p0 s5, $0x0  }
0x1f: {  	s9 =	smul.u32 $0xF7A, s1;
	s8 =	simm.s32 @!p0 $0x1BF5;
	p2 =	por !p2, p0  }
0x20: {  	[sflag:s8] =	ssyncset.s32 @!p0 $0xFFFFF086;
	s6 =	sadd.s32 @!p0 s3, s7;
	s7 =	simm.s32 @!p0 $0x108  }
0x21: {  	s3 =	sadd.s32 s3, s9;
	s6 =	sadd.s32 @!p0 $0x88, s6;
	s7 =	simm.s32 @p2 $0x1082  }
0x22: {  	[simem:s7], [sflag:s8] =	dma.local @!p0 [hbm:s6], $0xF7A  }
0x23: {  	s9 =	sor.u32 $0xD0000000, s2;
	s6 =	simm.s32 $0x108;
	_ =	swait.ge @!p0 [sflag:s8], $0x0  }
0x24: {  	s3 =	sadd.s32 $0x88, s3;
	s6 =	simm.s32 @!p1 $0x1082;
	[sflag:s4] =	ssyncset.s32 $0xFFFFF086  }
0x25: {  	[simem:s6], [sflag:s4] =	dma.local [hbm:s3], $0xF7A  }
0x26: {  	[smem:$0x3F9B] =	sst s1;
	(tag) =	ssettag s2;
	_ =	strace s9  }
0x27: {  	s1 =	sld [smem:$0x3FAB]  }
0x28: {  	s2 =	sld [smem:$0x3FAC]  }
0x29: {  	s4 =	sld [smem:$0x3FAE]  }
0x2a: {  	p0 =	seq.s32 s5, $0x0;
	s5 =	sld [smem:$0x3FAF]  }
0x2b: {  	s6 =	sld [smem:$0x3FB0]  }
0x2c: {  	s7 =	sld [smem:$0x3FB1]  }
0x2d: {  	s3 =	simm.s32 $0x108;
	s8 =	sld [smem:$0x3FB2]  }
0x2e: {  	s3 =	simm.s32 @!p0 $0x1082;
	s9 =	sld [smem:$0x3FB3]  }
0x2f: {  	lr =	sadd.s32 s0, s3;
	s0 =	sld [smem:$0x3FAA]  }
0x30: {  	s3 =	sld [smem:$0x3FAD]  }
0x31: {  	[smem:$0x3FB6] =	sst s10  }
0x32: {  	s10 =	sld [smem:$0x3FB4];
	_ =	sdelay $0x3  }
0x33: {  	p0 =	seq.s32 s10, $0x1;
	s10 =	sld [smem:$0x3FB6];
	_ =	sdelay $0x3  }
0x34: {  	[smem:$0x3FB6] =	sst s10  }
0x35: {  	s10 =	sld [smem:$0x3FB5];
	_ =	sdelay $0x3  }
0x36: {  	p1 =	seq.s32 s10, $0x1;
	s10 =	sld [smem:$0x3FB6];
	_ =	sdelay $0x3  }
0x37: {  	[smem:$0x3FB6] =	sst s10  }
0x38: {  	s10 =	sld [smem:$0x3FB7]  }
0x39: {  	_ = 	snop;
	(pc) =	sbr.ind lr, $3  }
0x3a: {  	_ = 	snop  }
0x3b: {  	_ = 	snop  }
0x3c: {  	p2 =	seq.s32 s10, $0x1;
	s10 =	sld [smem:$0x3FB6]  }
0x3d: {  	_ =	shalt  }
0x3e: {  	_ =	shalt  }
0x3f: {  	_ =	shalt  }
0x40: {  	_ =	shalt  }
0x41: {  	_ =	shalt  }
0x42: {  	_ =	shalt  }
0x43: {  	_ =	shalt  }
0x44: {  	_ =	shalt  }
0x45: {  	_ =	shalt  }
0x46: {  	_ =	shalt  }
0x47: {  	_ =	shalt  }
0x48: {  	_ =	shalt  }
0x49: {  	_ =	shalt  }
0x4a: {  	_ =	shalt  }
0x4b: {  	_ =	shalt  }
0x4c: {  	_ =	shalt  }
0x4d: {  	_ =	shalt  }
0x4e: {  	_ =	shalt  }
0x4f: {  	_ =	shalt  }
0x50: {  	_ =	shalt  }
0x51: {  	_ =	shalt  }
0x52: {  	_ =	shalt  }
0x53: {  	_ =	shalt  }
0x54: {  	_ =	shalt  }
0x55: {  	_ =	shalt  }
0x56: {  	_ =	shalt  }
0x57: {  	_ =	shalt  }
0x58: {  	_ =	shalt  }
0x59: {  	_ =	shalt  }
0x5a: {  	_ =	shalt  }
0x5b: {  	_ =	shalt  }
0x5c: {  	_ =	shalt  }
0x5d: {  	_ =	shalt  }
0x5e: {  	_ =	shalt  }
0x5f: {  	_ =	shalt  }
0x60: {  	_ =	shalt  }
0x61: {  	_ =	shalt  }
0x62: {  	_ =	shalt  }
0x63: {  	_ =	shalt  }
0x64: {  	_ =	shalt  }
0x65: {  	_ =	shalt  }
0x66: {  	_ =	shalt  }
0x67: {  	_ =	shalt  }
0x68: {  	_ =	shalt  }
0x69: {  	_ =	shalt  }
0x6a: {  	_ =	shalt  }
0x6b: {  	_ =	shalt  }
0x6c: {  	_ =	shalt  }
0x6d: {  	_ =	shalt  }
0x6e: {  	_ =	shalt  }
0x6f: {  	_ =	shalt  }
0x70: {  	_ =	shalt  }
0x71: {  	_ =	shalt  }
0x72: {  	_ =	shalt  }
0x73: {  	_ =	shalt  }
0x74: {  	_ =	shalt  }
0x75: {  	_ =	shalt  }
0x76: {  	_ =	shalt  }
0x77: {  	_ =	shalt  }
0x78: {  	_ =	shalt  }
0x79: {  	_ =	shalt  }
0x7a: {  	_ =	shalt  }
0x7b: {  	_ =	shalt  }
0x7c: {  	_ =	shalt  }
0x7d: {  	_ =	shalt  }
0x7e: {  	_ =	shalt  }
0x7f: {  	_ =	shalt  }
0x80: {  	_ =	shalt  }
0x81: {  	_ =	shalt  }
0x82: {  	_ =	shalt  }
0x83: {  	_ =	shalt  }
0x84: {  	_ =	shalt  }
0x85: {  	_ =	shalt  }
0x86: {  	_ =	shalt  }
0x87: {  	_ =	shalt  }
.Lfunc_end0:
.L_simem_size_0:
called_computation.1_lowered:
.L_overlay_start_0:
0x88: {  	s2 =	sld [smem:$0x3FD9]  }
0x89: {  	s3 =	sld [smem:$0x3FFE];
	_ =	sdelay $0x1  }
0x8a: {  	s1 =	srdreg.scid  }
0x8b: {  	s0 =	sand.u32 $0x1, s1  }
0x8c: {  	s16 =	sshll.u32 s0, $0xA;
	s2 =	sadd.s32 s3, s2  }
0x8d: {  	s2 =	sadd.s32 s2, s16  }
0x8e: {  	[smem:$0x3FC2] =	sst s2  }
0x8f: {  	_ = 	snop  }
0x90: {  	(tm) =	ssettm $0x1  }
0x91: {  	s17 =	sld [smem:$0x3FFB];
	_ =	sdelay $0x3  }
0x92: {  	_ =	strace s17  }
0x93: {  	s2 =	sld [smem:$0x3FFC];
	_ =	sdelay $0x3  }
0x94: {  	_ =	strace s2  }
0x95: {  	s2 =	sld [smem:$0x3FFD];
	_ =	sdelay $0x3  }
0x96: {  	_ =	strace s2  }
0x97: {  	_ =	strace $0x8FFFFFFF  }
0x98: {  	s18 =	sld [smem:$0x3FDB];
	_ =	sdelay $0x1  }
0x99: {  	s19 =	simm.s32 $_scs_section_size  }
0x9a: {  	s4 =	simm.s32 $_size__tile_overlayer_lowered;
	s5 =	simm.s32 $_tile_overlayer_lowered  }
0x9b: {  	s22 =	simm.s32 $0x1BFF;
	s21 =	sshll.u32 s5, $0x1;
	s2 =	sadd.s32 s19, s18  }
0x9c: {  	s6 =	simm.s32 $0x0;
	s20 =	sshll.u32 s4, $0x1;
	s4 =	sadd.s32 s21, s2  }
0x9d: {  	[timem:s6], [sflag:s22] =	dma.local [hbm:s4], s20  }
0x9e: {  	_ =	swait.ge [sflag:s22], s20  }
0x9f: {  	s3 =	ssub.s32 $0x0, s20;
	[sflag:s22] =	ssyncset.done $0x0  }
0xa0: {  	[sflag:s22] =	ssyncadd.s32 s3;
	_ =	sdelay $0x1  }
0xa1: {  	s23 =	simm.s32 $0x1B8B  }
0xa2: {  	_ =	swait.ge [sflag:s23], $0x1  }
0xa3: {  	[sflag:s23] =	ssyncset.done $0x0  }
0xa4: {  	s25 =	simm.s32 $0x1B8E;
	s24 =	sld [smem:$0x3FFE];
	[sflag:s23] =	ssyncadd.s32 $0xFFFFFFFF  }
0xa5: {  	s26 =	simm.s32 $execute0_lowered;
	[smem:$0x3FD2] =	sst s25  }
0xa6: {  	s4 =	sshll.u32 s26, $0x1;
	_ =	strace $0x80000049;
	[dreg:$0x1] =	wrdreg $0xFFFFFFFF  }
0xa7: {  	s28 =	simm.s32 $_size_execute0_lowered;
	s2 =	sadd.s32 s2, s4;
	[dreg:$0x0] =	wrdreg $0x0  }
0xa8: {  	s4 =	sshll.u32 s28, $0x1;
	[dreg:$0x2] =	wrdreg s2  }
0xa9: {  	[dreg:$0x3] =	wrdreg s4  }
0xaa: {  	[dreg:$0x4] =	wrdreg $0xC0  }
0xab: {  	_ =	task [dreg:s6], $0x5FFFF  }
0xac: {  	[dreg:$0x1] =	wrdreg $0xFFFFFFFF  }
0xad: {  	[dreg:$0x0] =	wrdreg $0x60  }
0xae: {  	[dreg:$0x2] =	wrdreg s24  }
0xaf: {  	[dreg:$0x3] =	wrdreg $0xA9000  }
0xb0: {  	[dreg:$0x4] =	wrdreg $0x9  }
0xb1: {  	_ =	task.clear_ibuf [dreg:s6], $0x5FFFF;
	_ =	strace $0x90000049  }
0xb2: {  	s29 =	simm.s32 $0x9;
	_ =	strace $0x8000004B  }
0xb3: {  	_ =	swait.ge [sflag:s29], $0x1  }
0xb4: {  	[sflag:s29] =	ssyncadd.s32 $0xFFFFFFFF  }
0xb5: {  	_ =	strace $0x9000004B  }
0xb6: {  	_ =	sfence  }
0xb7: {  	s30 =	sld [smem:$0x0];
	_ =	sdelay $0x2  }
0xb8: {  	s31 =	sshll.u32 s1, $0xD;
	s1 =	sshrl.u32 s1, $0x2  }
0xb9: {  	s3 =	sand.u32 $0x4000, s31;
	s1 =	sadd.s32 s1, s30  }
0xba: {  	s0 =	sor.u32 s3, s0;
	s1 =	sshll.u32 s1, $0x11  }
0xbb: {  	s0 =	sor.u32 s1, s0  }
0xbc: {  	s0 =	sadd.s32 $0x8F2B, s0  }
0xbd: {  	[sflag:s0] =	ssyncadd.remote.s32 $0x1  }
0xbe: {  	_ =	sfence.sel $0xFFFF  }
0xbf: {  	[dreg:$0x0] =	wrdreg $0xFFFFFFFF;
	(pc) =	sbr.abs _section_cstart, $3  }
0xc0: {  	[dreg:$0x1] =	wrdreg $0xFFFFFFFF  }
0xc1: {  	_ =	task.clear_ibuf [dreg:s6], $0x2FFFF;
	_ =	strace $0x9FFFFFFF  }
0xc2: {  	(tm) =	ssettm $0x7FFFFFFF  }
0xc3: {  	_ =	shalt  }
tec
execute0_lowered:
.L_overlay_start_1:
0x0: {  	(tag) =	ssettag $0x1  }
0x1: {  	s0 =	rddreg [dreg:$0x0]  }
0x2: {  	s2 =	rddreg [dreg:$0x1];
	s3 =	simm.s32 $0x0;
	s12 =	stileid.u32  }
0x3: {  	s6 =	srdreg.scid;
	s20 =	simm.s32 $0x7;
	s21 =	simm.s32 $0x100  }
0x4: {  	s22 =	simm.s32 $0x80;
	s28 =	simm.s32 $0x6900;
	s29 =	simm.s32 $0x2  }
0x5: {  	s30 =	simm.s32 $0x3;
	s31 =	simm.s32 $0x4;
	[smem:$0x7FF] =	sst s3  }
0x6: {  	s1 =	smul.u32 $0x500, s12;
	s4 =	sadd.s32 $0x3F200, s0;
	s5 =	sadd.s32 $0x18000, s0  }
0x7: {  	s8 =	smul.u32 $0x2780, s12;
	s7 =	sadd.s32 $0x12800, s0;
	s6 =	sand.u32 $0x1, s6  }
0x8: {  	s10 =	smul.u32 $0x4F000, s12;
	s9 =	sadd.s32 $0x8DC00, s0;
	s25 =	sshll.u32 s12, $0x6  }
0x9: {  	_ =	strace $0x8000004A;
	[dreg:$0x4] =	wrdreg s9;
	s11 =	ssub.s32 $0x2, s6  }
0xa: {  	s9 =	smul.u32 $0x2C00, s12;
	s13 =	sor.u32 $0x1C07, s25;
	p0 =	sne.s32 s6, $0x0  }
0xb: {  	s25 =	simm.s32 $0x1;
	s1 =	sadd.s32 s1, s0;
	[dreg:$0x3] =	wrdreg s8  }
0xc: {  	s8 =	sadd.s32 s8, s0;
	s0 =	sadd.s32 $0xB5400, s0;
	s23 =	sshrl.u32 s11, $0x1  }
0xd: {  	s10 =	sshrl.u32 s10, $0x2;
	[dreg:$0x5] =	wrdreg s0;
	s0 =	ssub.s32 s11, s23  }
0xe: {  	s10 =	sadd.s32 s10, s2;
	s24 =	sshrl.u32 s9, $0x3;
	s8 =	sadd.s32 $0x66400, s8  }
.Ltmp0:
0xf: {  	s1 =	sadd.s32 $0x3A00, s1;
	[dreg:$0x6] =	wrdreg s8;
	(pc) =	sbr.rel .LBB2_1-.Ltmp0, $4  }
0x10: {  	s23 =	simm.s32 $0x5;
	s12 =	sadd.s32 s7, s24;
	[dreg:$0x7] =	wrdreg s1  }
0x11: {  	s18 =	smax.u32 s0, $0x1;
	s19 =	sshrl.u32 s10, $0x3;
	s24 =	simm.s32 $0x2900  }
0x12: {  	s1 =	simm.s32 $0x0;
	s26 =	sadd.s32 $0x10, s12;
	s16 =	sadd.s32 $0x20, s12  }
0x13: {  	s17 =	sadd.s32 $0x510, s12;
	[dreg:$0x8] =	wrdreg s26;
	s26 =	simm.s32 $0x6  }
.LBB2_7:
0x14: {  	[sflag:s31] =	ssyncadd.s32 $0xFFFFC000  }
0x15: {  	_ =	swait.ge [sflag:s26], $0x80  }
0x16: {  	s0 =	sand.u32 $0x7C00, s6;
	[sflag:s26] =	ssyncset.done $0x0  }
0x17: {  	s15 =	sand.u32 $0x380, s6;
	s0 =	sadd.s32 s9, s0;
	[sflag:s26] =	ssyncadd.s32 $0xFFFFFF80  }
0x18: {  	[tilespmem:s28], [sflag:$0x2] =	stream.indirect.gather [hbm4b:s5+s22], $0x80, s22, s22, $0xb8;
	[tilespmem:$0x1E500] =	vst v63  }
0x19: {  	s0 =	sor.u32 s15, s0;
	_ =	swait.ge [sflag:s29], $0x4000  }
0x1a: {  	s0 =	sshrl.u32 s0, $0x3;
	[sflag:s29] =	ssyncset.done $0x0  }
0x1b: {  	s0 =	sadd.s32 s7, s0;
	[sflag:s29] =	ssyncadd.s32 $0xFFFFC000  }
0x1c: {  	[tilespmem:s22], [sflag:$0x6] =	stream.linear.gather [hbm4b:s0+s3], $0x80, $0x38;
	[tilespmem:$0x1E500] =	vst v63  }
0x1d: {  	s11 =	sadd.s32 $0xFFFFFF80, s8  }
0x1e: {  	[spmem:s2] =	stream.indirect.scatter.add.f32 [tilespmem:s28], [sflag:$0x4], $0x80, s11, s22, $0xb8;
	[tilespmem:$0x1E500] =	vst v63  }
0x1f: {  	_ =	swait.ge [sflag:s30], $0x4000  }
0x20: {  	[sflag:s30] =	ssyncset.done $0x0  }
0x21: {  	[sflag:s30] =	ssyncadd.s32 $0xFFFFC000  }
0x22: {  	_ =	swait.ge [sflag:s23], $0x80  }
0x23: {  	s14 =	sand.u32 $0x7C00, s10;
	[sflag:s23] =	ssyncset.done $0x0  }
0x24: {  	s15 =	sand.u32 $0x300, s10;
	s0 =	sadd.s32 s9, s14;
	[sflag:s23] =	ssyncadd.s32 $0xFFFFFF80  }
0x25: {  	[tilespmem:s24], [sflag:$0x1] =	stream.indirect.gather [hbm4b:s5+s22], $0x80, s3, s22, $0xb8;
	[tilespmem:$0x1E500] =	vst v63  }
0x26: {  	s0 =	sor.u32 s15, s0;
	_ =	swait.ge [sflag:s25], $0x4000  }
0x27: {  	s0 =	sshrl.u32 s0, $0x3;
	[sflag:s25] =	ssyncset.done $0x0  }
0x28: {  	s0 =	sadd.s32 s7, s0;
	[sflag:s25] =	ssyncadd.s32 $0xFFFFC000  }
0x29: {  	[tilespmem:s3], [sflag:$0x5] =	stream.linear.gather [hbm4b:s0+s3], $0x80, $0x38;
	[tilespmem:$0x1E500] =	vst v63  }
0x2a: {  	_ = 	snop  }
0x2b: {  	[spmem:s2] =	stream.indirect.scatter.add.f32 [tilespmem:s24], [sflag:$0x3], $0x80, s8, s22, $0xb8;
	[tilespmem:$0x1E500] =	vst v63  }
0x2c: {  	_ =	swait.ge [sflag:s31], $0x4000  }
0x2d: {  	[sflag:s31] =	ssyncset.done $0x0  }
0x2e: {  	[sflag:s31] =	ssyncadd.s32 $0xFFFFC000  }
0x2f: {  	_ =	swait.ge [sflag:s26], $0x80  }
0x30: {  	[sflag:s26] =	ssyncset.done $0x0  }
0x31: {  	s0 =	rddreg [dreg:$0x5];
	[sflag:s26] =	ssyncadd.s32 $0xFFFFFF80  }
0x32: {  	[tilespmem:s28], [sflag:$0x2] =	stream.indirect.gather [hbm4b:s5+s22], $0x80, s22, s22, $0xb8;
	[tilespmem:$0x1E500] =	vst v63  }
.LBB2_8:
0x33: {  	_ =	swait.ge [sflag:s29], $0x4000  }
0x34: {  	[sflag:s29] =	ssyncset.done $0x0  }
0x35: {  	[sflag:s29] =	ssyncadd.s32 $0xFFFFC000  }
0x36: {  	[tilespmem:s22], [sflag:$0x6] =	stream.linear.gather [hbm4b:s17+s3], $0x80, $0x38;
	[tilespmem:$0x1E500] =	vst v63  }
0x37: {  	s6 =	simm.s32 $0x2880  }
0x38: {  	[spmem:s2] =	stream.indirect.scatter.add.f32 [tilespmem:s28], [sflag:$0x4], $0x80, s6, s22, $0xb8;
	[tilespmem:$0x1E500] =	vst v63  }
0x39: {  	_ =	swait.ge [sflag:s30], $0x4000  }
0x3a: {  	[sflag:s30] =	ssyncset.done $0x0  }
0x3b: {  	[sflag:s30] =	ssyncadd.s32 $0xFFFFC000  }
0x3c: {  	_ =	swait.ge [sflag:s31], $0x4000  }
0x3d: {  	[sflag:s31] =	ssyncset.done $0x0  }
0x3e: {  	[sflag:s31] =	ssyncadd.s32 $0xFFFFC000  }
0x3f: {  	_ =	swait.ge [sflag:s23], $0x80  }
0x40: {  	[sflag:s23] =	ssyncset.done $0x0  }
0x41: {  	[sflag:s23] =	ssyncadd.s32 $0xFFFFFF80  }
0x42: {  	_ =	swait.ge [sflag:s26], $0x80  }
0x43: {  	s1 =	sadd.s32 $0x1, s1;
	[sflag:s26] =	ssyncset.done $0x0  }
0x44: {  	p1 =	sne.s32 s1, s18;
	s15 =	rddreg [dreg:$0x3];
	[sflag:s26] =	ssyncadd.s32 $0xFFFFFF80  }
.Ltmp1:
0x45: {  	s0 =	sadd.s32 s0, s15;
	[bflag:$0x0] =	sbarrier.arrive $0xFFFF;
	(pc) =	sbr.rel @!p1 .LBB2_9-.Ltmp1, $4  }
0x46: {  	[hbm:s0], [sflag:s13] =	dma.local [spmem:s19], $0x2780  }
0x47: {  	_ =	swait.ge [sflag:s20], $0x2780  }
0x48: {  	[sflag:s20] =	ssyncset.done $0x0  }
0x49: {  	[sflag:s20] =	ssyncadd.s32 $0xFFFFD880  }
.LBB2_1:
0x4a: {  	s0 =	rddreg [dreg:$0x6]  }
0x4b: {  	[spmem:s19], [sflag:s13] =	dma.local [hbm:s0], $0x2780  }
0x4c: {  	_ =	swait.ge [sflag:s20], $0x2780  }
0x4d: {  	[sflag:s20] =	ssyncset.done $0x0  }
0x4e: {  	s14 =	rddreg [dreg:$0x7];
	[sflag:s20] =	ssyncadd.s32 $0xFFFFD880  }
0x4f: {  	[tilespmem:s21], [sflag:$0x7] =	stream.linear.gather [hbm4b:s14+s3], $0x2800, $0x38;
	[tilespmem:$0x1E500] =	vst v63  }
0x50: {  	_ =	swait.ge [sflag:s20], $0x2800  }
0x51: {  	[sflag:s20] =	ssyncset.done $0x0  }
0x52: {  	[sflag:s20] =	ssyncadd.s32 $0xFFFFD800  }
0x53: {  	[bflag:$0x0] =	sbarrier.arrive $0xFFFF  }
0x54: {  	[tilespmem:s3], [sflag:$0x5] =	stream.linear.gather [hbm4b:s12+s3], $0x80, $0x38;
	[tilespmem:$0x1E500] =	vst v63  }
.Ltmp2:
0x55: {  	s15 =	rddreg [dreg:$0x8];
	(pc) =	sbr.rel @p0 .LBB2_5-.Ltmp2, $4  }
0x56: {  	[tilespmem:s22], [sflag:$0x6] =	stream.linear.gather [hbm4b:s15+s3], $0x80, $0x38;
	[tilespmem:$0x1E500] =	vst v63  }
0x57: {  	_ =	swait.ge [sflag:s23], $0x80  }
0x58: {  	[sflag:s23] =	ssyncset.done $0x0  }
0x59: {  	[sflag:s23] =	ssyncadd.s32 $0xFFFFFF80  }
0x5a: {  	[tilespmem:s24], [sflag:$0x1] =	stream.indirect.gather [hbm4b:s4+s22], $0x80, s3, s22, $0xb8;
	[tilespmem:$0x1E500] =	vst v63  }
0x5b: {  	_ =	swait.ge [sflag:s25], $0x4000  }
0x5c: {  	[sflag:s25] =	ssyncset.done $0x0  }
0x5d: {  	[sflag:s25] =	ssyncadd.s32 $0xFFFFC000  }
0x5e: {  	[tilespmem:s3], [sflag:$0x5] =	stream.linear.gather [hbm4b:s16+s3], $0x80, $0x38;
	[tilespmem:$0x1E500] =	vst v63  }
0x5f: {  	_ = 	snop  }
0x60: {  	[spmem:s2] =	stream.indirect.scatter.add.f32 [tilespmem:s24], [sflag:$0x3], $0x80, s21, s22, $0xb8;
	[tilespmem:$0x1E500] =	vst v63  }
0x61: {  	s0 =	simm.s32 $0x180;
	_ =	swait.ge [sflag:s26], $0x80  }
0x62: {  	s6 =	sand.u32 $0x7C00, s0;
	[sflag:s26] =	ssyncset.done $0x0  }
0x63: {  	s0 =	sand.u32 $0x380, s0;
	s6 =	sadd.s32 s9, s6;
	[sflag:s26] =	ssyncadd.s32 $0xFFFFFF80  }
0x64: {  	[tilespmem:s28], [sflag:$0x2] =	stream.indirect.gather [hbm4b:s4+s22], $0x80, s22, s22, $0xb8;
	[tilespmem:$0x1E500] =	vst v63  }
0x65: {  	s0 =	sor.u32 s0, s6;
	_ =	swait.ge [sflag:s29], $0x4000  }
0x66: {  	s0 =	sshrl.u32 s0, $0x3;
	[sflag:s29] =	ssyncset.done $0x0  }
0x67: {  	s0 =	sadd.s32 s7, s0;
	[sflag:s29] =	ssyncadd.s32 $0xFFFFC000  }
0x68: {  	[tilespmem:s22], [sflag:$0x6] =	stream.linear.gather [hbm4b:s0+s3], $0x80, $0x38;
	[tilespmem:$0x1E500] =	vst v63  }
0x69: {  	s11 =	simm.s32 $0x180  }
0x6a: {  	[spmem:s2] =	stream.indirect.scatter.add.f32 [tilespmem:s28], [sflag:$0x4], $0x80, s11, s22, $0xb8;
	[tilespmem:$0x1E500] =	vst v63  }
0x6b: {  	_ =	swait.ge [sflag:s30], $0x4000  }
0x6c: {  	[sflag:s30] =	ssyncset.done $0x0  }
0x6d: {  	[sflag:s30] =	ssyncadd.s32 $0xFFFFC000  }
0x6e: {  	s14 =	simm.s32 $0x200;
	_ =	swait.ge [sflag:s23], $0x80  }
0x6f: {  	s15 =	sand.u32 $0x7C00, s14;
	[sflag:s23] =	ssyncset.done $0x0  }
0x70: {  	s8 =	sand.u32 $0x300, s14;
	s6 =	sadd.s32 s9, s15;
	[sflag:s23] =	ssyncadd.s32 $0xFFFFFF80  }
0x71: {  	[tilespmem:s24], [sflag:$0x1] =	stream.indirect.gather [hbm4b:s4+s22], $0x80, s3, s22, $0xb8;
	[tilespmem:$0x1E500] =	vst v63  }
0x72: {  	s6 =	sor.u32 s8, s6;
	_ =	swait.ge [sflag:s25], $0x4000  }
0x73: {  	s6 =	sshrl.u32 s6, $0x3;
	[sflag:s25] =	ssyncset.done $0x0  }
0x74: {  	s6 =	sadd.s32 s7, s6;
	[sflag:s25] =	ssyncadd.s32 $0xFFFFC000  }
0x75: {  	[tilespmem:s3], [sflag:$0x5] =	stream.linear.gather [hbm4b:s6+s3], $0x80, $0x38;
	[tilespmem:$0x1E500] =	vst v63  }
0x76: {  	_ = 	snop  }
0x77: {  	[spmem:s2] =	stream.indirect.scatter.add.f32 [tilespmem:s24], [sflag:$0x3], $0x80, s14, s22, $0xb8;
	[tilespmem:$0x1E500] =	vst v63  }
0x78: {  	s10 =	simm.s32 $0x300;
	s8 =	simm.s32 $0x300;
	_ =	swait.ge [sflag:s31], $0x4000  }
0x79: {  	s0 =	simm.s32 $0x400;
	s6 =	simm.s32 $0x280;
	[sflag:s31] =	ssyncset.done $0x0  }
.LBB2_3:
0x7a: {  	s14 =	sand.u32 $0x7C00, s6  }
0x7b: {  	[sflag:s31] =	ssyncadd.s32 $0xFFFFC000;
	s15 =	smov.u32 s0;
	s11 =	sadd.s32 $0x100, s0  }
0x7c: {  	s6 =	sand.u32 $0x380, s6;
	s14 =	sadd.s32 s9, s14;
	_ =	swait.ge [sflag:s26], $0x80  }
0x7d: {  	p1 =	seq.s32 s0, $0x2800;
	s0 =	sor.u32 s6, s14;
	[sflag:s26] =	ssyncset.done $0x0  }
0x7e: {  	s0 =	sshrl.u32 s0, $0x3;
	[sflag:s26] =	ssyncadd.s32 $0xFFFFFF80  }
0x7f: {  	[tilespmem:s28], [sflag:$0x2] =	stream.indirect.gather [hbm4b:s4+s22], $0x80, s22, s22, $0xb8;
	[tilespmem:$0x1E500] =	vst v63  }
0x80: {  	_ =	swait.ge [sflag:s29], $0x4000  }
0x81: {  	[sflag:s29] =	ssyncset.done $0x0  }
0x82: {  	s0 =	sadd.s32 s7, s0;
	[sflag:s29] =	ssyncadd.s32 $0xFFFFC000  }
0x83: {  	[tilespmem:s22], [sflag:$0x6] =	stream.linear.gather [hbm4b:s0+s3], $0x80, $0x38;
	[tilespmem:$0x1E500] =	vst v63  }
0x84: {  	s0 =	sadd.s32 $0xFFFFFF80, s8  }
0x85: {  	[spmem:s2] =	stream.indirect.scatter.add.f32 [tilespmem:s28], [sflag:$0x4], $0x80, s0, s22, $0xb8;
	[tilespmem:$0x1E500] =	vst v63  }
0x86: {  	_ =	swait.ge [sflag:s30], $0x4000  }
0x87: {  	[sflag:s30] =	ssyncset.done $0x0  }
0x88: {  	[sflag:s30] =	ssyncadd.s32 $0xFFFFC000  }
0x89: {  	_ =	swait.ge [sflag:s23], $0x80  }
0x8a: {  	[sflag:s23] =	ssyncset.done $0x0  }
0x8b: {  	s0 =	sand.u32 $0x7C00, s10;
	[sflag:s23] =	ssyncadd.s32 $0xFFFFFF80  }
0x8c: {  	[tilespmem:s24], [sflag:$0x1] =	stream.indirect.gather [hbm4b:s4+s22], $0x80, s3, s22, $0xb8;
	[tilespmem:$0x1E500] =	vst v63  }
0x8d: {  	s6 =	sand.u32 $0x300, s10;
	s10 =	smov.u32 s15;
	s0 =	sadd.s32 s9, s0  }
0x8e: {  	s0 =	sor.u32 s6, s0;
	_ =	swait.ge [sflag:s25], $0x4000  }
0x8f: {  	s0 =	sshrl.u32 s0, $0x3;
	[sflag:s25] =	ssyncset.done $0x0  }
0x90: {  	s0 =	sadd.s32 s7, s0;
	[sflag:s25] =	ssyncadd.s32 $0xFFFFC000  }
0x91: {  	[tilespmem:s3], [sflag:$0x5] =	stream.linear.gather [hbm4b:s0+s3], $0x80, $0x38;
	[tilespmem:$0x1E500] =	vst v63  }
.Ltmp3:
0x92: {  	_ = 	snop;
	(pc) =	sbr.rel @!p1 .LBB2_3-.Ltmp3, $4  }
0x93: {  	_ = 	snop  }
0x94: {  	[spmem:s2] =	stream.indirect.scatter.add.f32 [tilespmem:s24], [sflag:$0x3], $0x80, s8, s22, $0xb8;
	[tilespmem:$0x1E500] =	vst v63  }
0x95: {  	s6 =	sadd.s32 $0xFFFFFF80, s10;
	_ =	swait.ge [sflag:s31], $0x4000  }
0x96: {  	s0 =	smov.u32 s11;
	s8 =	sadd.s32 $0x100, s8;
	[sflag:s31] =	ssyncset.done $0x0  }
0x97: {  	[sflag:s31] =	ssyncadd.s32 $0xFFFFC000  }
0x98: {  	_ =	swait.ge [sflag:s26], $0x80  }
0x99: {  	s0 =	sand.u32 $0x7C00, s6;
	[sflag:s26] =	ssyncset.done $0x0  }
0x9a: {  	s15 =	sand.u32 $0x380, s6;
	s0 =	sadd.s32 s9, s0;
	[sflag:s26] =	ssyncadd.s32 $0xFFFFFF80  }
0x9b: {  	[tilespmem:s28], [sflag:$0x2] =	stream.indirect.gather [hbm4b:s4+s22], $0x80, s22, s22, $0xb8;
	[tilespmem:$0x1E500] =	vst v63  }
0x9c: {  	s0 =	sor.u32 s15, s0;
	_ =	swait.ge [sflag:s29], $0x4000  }
0x9d: {  	s0 =	sshrl.u32 s0, $0x3;
	[sflag:s29] =	ssyncset.done $0x0  }
0x9e: {  	s0 =	sadd.s32 s7, s0;
	[sflag:s29] =	ssyncadd.s32 $0xFFFFC000  }
0x9f: {  	[tilespmem:s22], [sflag:$0x6] =	stream.linear.gather [hbm4b:s0+s3], $0x80, $0x38;
	[tilespmem:$0x1E500] =	vst v63  }
0xa0: {  	s11 =	sadd.s32 $0xFFFFFF80, s8  }
0xa1: {  	[spmem:s2] =	stream.indirect.scatter.add.f32 [tilespmem:s28], [sflag:$0x4], $0x80, s11, s22, $0xb8;
	[tilespmem:$0x1E500] =	vst v63  }
0xa2: {  	_ =	swait.ge [sflag:s30], $0x4000  }
0xa3: {  	[sflag:s30] =	ssyncset.done $0x0  }
0xa4: {  	[sflag:s30] =	ssyncadd.s32 $0xFFFFC000  }
0xa5: {  	_ =	swait.ge [sflag:s23], $0x80  }
0xa6: {  	s14 =	sand.u32 $0x7C00, s10;
	[sflag:s23] =	ssyncset.done $0x0  }
0xa7: {  	s15 =	sand.u32 $0x300, s10;
	s0 =	sadd.s32 s9, s14;
	[sflag:s23] =	ssyncadd.s32 $0xFFFFFF80  }
0xa8: {  	[tilespmem:s24], [sflag:$0x1] =	stream.indirect.gather [hbm4b:s4+s22], $0x80, s3, s22, $0xb8;
	[tilespmem:$0x1E500] =	vst v63  }
0xa9: {  	s0 =	sor.u32 s15, s0;
	_ =	swait.ge [sflag:s25], $0x4000  }
0xaa: {  	s0 =	sshrl.u32 s0, $0x3;
	[sflag:s25] =	ssyncset.done $0x0  }
0xab: {  	s0 =	sadd.s32 s7, s0;
	[sflag:s25] =	ssyncadd.s32 $0xFFFFC000  }
0xac: {  	[tilespmem:s3], [sflag:$0x5] =	stream.linear.gather [hbm4b:s0+s3], $0x80, $0x38;
	[tilespmem:$0x1E500] =	vst v63  }
0xad: {  	_ = 	snop  }
0xae: {  	[spmem:s2] =	stream.indirect.scatter.add.f32 [tilespmem:s24], [sflag:$0x3], $0x80, s8, s22, $0xb8;
	[tilespmem:$0x1E500] =	vst v63  }
0xaf: {  	_ =	swait.ge [sflag:s31], $0x4000  }
0xb0: {  	[sflag:s31] =	ssyncset.done $0x0  }
.Ltmp4:
0xb1: {  	[sflag:s31] =	ssyncadd.s32 $0xFFFFC000;
	(pc) =	sbr.rel .LBB2_8-.Ltmp4, $4  }
0xb2: {  	_ =	swait.ge [sflag:s26], $0x80  }
0xb3: {  	[sflag:s26] =	ssyncset.done $0x0  }
0xb4: {  	s0 =	rddreg [dreg:$0x4];
	[sflag:s26] =	ssyncadd.s32 $0xFFFFFF80  }
0xb5: {  	[tilespmem:s28], [sflag:$0x2] =	stream.indirect.gather [hbm4b:s4+s22], $0x80, s22, s22, $0xb8;
	[tilespmem:$0x1E500] =	vst v63  }
.LBB2_5:
0xb6: {  	[tilespmem:s24], [sflag:$0x1] =	stream.indirect.gather [hbm4b:s5+s22], $0x80, s3, s22, $0xb8;
	[tilespmem:$0x1E500] =	vst v63  }
0xb7: {  	_ =	swait.ge [sflag:s25], $0x4000  }
0xb8: {  	[sflag:s25] =	ssyncset.done $0x0  }
0xb9: {  	[sflag:s25] =	ssyncadd.s32 $0xFFFFC000  }
0xba: {  	[tilespmem:s3], [sflag:$0x5] =	stream.linear.gather [hbm4b:s16+s3], $0x80, $0x38;
	[tilespmem:$0x1E500] =	vst v63  }
0xbb: {  	_ = 	snop  }
0xbc: {  	[spmem:s2] =	stream.indirect.scatter.add.f32 [tilespmem:s24], [sflag:$0x3], $0x80, s21, s22, $0xb8;
	[tilespmem:$0x1E500] =	vst v63  }
0xbd: {  	s0 =	simm.s32 $0x180;
	_ =	swait.ge [sflag:s26], $0x80  }
0xbe: {  	s6 =	sand.u32 $0x7C00, s0;
	[sflag:s26] =	ssyncset.done $0x0  }
0xbf: {  	s0 =	sand.u32 $0x380, s0;
	s6 =	sadd.s32 s9, s6;
	[sflag:s26] =	ssyncadd.s32 $0xFFFFFF80  }
0xc0: {  	[tilespmem:s28], [sflag:$0x2] =	stream.indirect.gather [hbm4b:s5+s22], $0x80, s22, s22, $0xb8;
	[tilespmem:$0x1E500] =	vst v63  }
0xc1: {  	s0 =	sor.u32 s0, s6;
	_ =	swait.ge [sflag:s29], $0x4000  }
0xc2: {  	s0 =	sshrl.u32 s0, $0x3;
	[sflag:s29] =	ssyncset.done $0x0  }
0xc3: {  	s0 =	sadd.s32 s7, s0;
	[sflag:s29] =	ssyncadd.s32 $0xFFFFC000  }
0xc4: {  	[tilespmem:s22], [sflag:$0x6] =	stream.linear.gather [hbm4b:s0+s3], $0x80, $0x38;
	[tilespmem:$0x1E500] =	vst v63  }
0xc5: {  	s11 =	simm.s32 $0x180  }
0xc6: {  	[spmem:s2] =	stream.indirect.scatter.add.f32 [tilespmem:s28], [sflag:$0x4], $0x80, s11, s22, $0xb8;
	[tilespmem:$0x1E500] =	vst v63  }
0xc7: {  	_ =	swait.ge [sflag:s30], $0x4000  }
0xc8: {  	[sflag:s30] =	ssyncset.done $0x0  }
0xc9: {  	[sflag:s30] =	ssyncadd.s32 $0xFFFFC000  }
0xca: {  	s14 =	simm.s32 $0x200;
	_ =	swait.ge [sflag:s23], $0x80  }
0xcb: {  	s15 =	sand.u32 $0x7C00, s14;
	[sflag:s23] =	ssyncset.done $0x0  }
0xcc: {  	s8 =	sand.u32 $0x300, s14;
	s6 =	sadd.s32 s9, s15;
	[sflag:s23] =	ssyncadd.s32 $0xFFFFFF80  }
0xcd: {  	[tilespmem:s24], [sflag:$0x1] =	stream.indirect.gather [hbm4b:s5+s22], $0x80, s3, s22, $0xb8;
	[tilespmem:$0x1E500] =	vst v63  }
0xce: {  	s6 =	sor.u32 s8, s6;
	_ =	swait.ge [sflag:s25], $0x4000  }
0xcf: {  	s6 =	sshrl.u32 s6, $0x3;
	[sflag:s25] =	ssyncset.done $0x0  }
0xd0: {  	s6 =	sadd.s32 s7, s6;
	[sflag:s25] =	ssyncadd.s32 $0xFFFFC000  }
0xd1: {  	[tilespmem:s3], [sflag:$0x5] =	stream.linear.gather [hbm4b:s6+s3], $0x80, $0x38;
	[tilespmem:$0x1E500] =	vst v63  }
0xd2: {  	_ = 	snop  }
0xd3: {  	[spmem:s2] =	stream.indirect.scatter.add.f32 [tilespmem:s24], [sflag:$0x3], $0x80, s14, s22, $0xb8;
	[tilespmem:$0x1E500] =	vst v63  }
0xd4: {  	s10 =	simm.s32 $0x300;
	s8 =	simm.s32 $0x300;
	_ =	swait.ge [sflag:s31], $0x4000  }
0xd5: {  	s11 =	simm.s32 $0x400;
	s6 =	simm.s32 $0x280;
	[sflag:s31] =	ssyncset.done $0x0  }
.LBB2_6:
0xd6: {  	s14 =	sand.u32 $0x7C00, s6  }
0xd7: {  	[sflag:s31] =	ssyncadd.s32 $0xFFFFC000;
	s15 =	smov.u32 s11;
	s0 =	sadd.s32 $0x100, s11  }
0xd8: {  	s6 =	sand.u32 $0x380, s6;
	s14 =	sadd.s32 s9, s14;
	_ =	swait.ge [sflag:s26], $0x80  }
0xd9: {  	p1 =	sne.s32 s11, $0x2800;
	s6 =	sor.u32 s6, s14;
	[sflag:s26] =	ssyncset.done $0x0  }
0xda: {  	s6 =	sshrl.u32 s6, $0x3;
	[sflag:s26] =	ssyncadd.s32 $0xFFFFFF80  }
0xdb: {  	[tilespmem:s28], [sflag:$0x2] =	stream.indirect.gather [hbm4b:s5+s22], $0x80, s22, s22, $0xb8;
	[tilespmem:$0x1E500] =	vst v63  }
0xdc: {  	_ =	swait.ge [sflag:s29], $0x4000  }
0xdd: {  	[sflag:s29] =	ssyncset.done $0x0  }
0xde: {  	s6 =	sadd.s32 s7, s6;
	[sflag:s29] =	ssyncadd.s32 $0xFFFFC000  }
0xdf: {  	[tilespmem:s22], [sflag:$0x6] =	stream.linear.gather [hbm4b:s6+s3], $0x80, $0x38;
	[tilespmem:$0x1E500] =	vst v63  }
0xe0: {  	s6 =	sadd.s32 $0xFFFFFF80, s8  }
0xe1: {  	[spmem:s2] =	stream.indirect.scatter.add.f32 [tilespmem:s28], [sflag:$0x4], $0x80, s6, s22, $0xb8;
	[tilespmem:$0x1E500] =	vst v63  }
0xe2: {  	_ =	swait.ge [sflag:s30], $0x4000  }
0xe3: {  	[sflag:s30] =	ssyncset.done $0x0  }
0xe4: {  	[sflag:s30] =	ssyncadd.s32 $0xFFFFC000  }
0xe5: {  	_ =	swait.ge [sflag:s23], $0x80  }
0xe6: {  	[sflag:s23] =	ssyncset.done $0x0  }
0xe7: {  	s6 =	sand.u32 $0x7C00, s10;
	[sflag:s23] =	ssyncadd.s32 $0xFFFFFF80  }
0xe8: {  	[tilespmem:s24], [sflag:$0x1] =	stream.indirect.gather [hbm4b:s5+s22], $0x80, s3, s22, $0xb8;
	[tilespmem:$0x1E500] =	vst v63  }
0xe9: {  	s11 =	sand.u32 $0x300, s10;
	s10 =	smov.u32 s15;
	s6 =	sadd.s32 s9, s6  }
0xea: {  	s6 =	sor.u32 s11, s6;
	_ =	swait.ge [sflag:s25], $0x4000  }
0xeb: {  	s6 =	sshrl.u32 s6, $0x3;
	[sflag:s25] =	ssyncset.done $0x0  }
0xec: {  	s6 =	sadd.s32 s7, s6;
	[sflag:s25] =	ssyncadd.s32 $0xFFFFC000  }
0xed: {  	[tilespmem:s3], [sflag:$0x5] =	stream.linear.gather [hbm4b:s6+s3], $0x80, $0x38;
	[tilespmem:$0x1E500] =	vst v63  }
.Ltmp5:
0xee: {  	_ = 	snop;
	(pc) =	sbr.rel @p1 .LBB2_6-.Ltmp5, $4  }
0xef: {  	_ = 	snop  }
0xf0: {  	[spmem:s2] =	stream.indirect.scatter.add.f32 [tilespmem:s24], [sflag:$0x3], $0x80, s8, s22, $0xb8;
	[tilespmem:$0x1E500] =	vst v63  }
0xf1: {  	s11 =	smov.u32 s0;
	_ =	swait.ge [sflag:s31], $0x4000  }
0xf2: {  	s6 =	sadd.s32 $0xFFFFFF80, s10;
	s8 =	sadd.s32 $0x100, s8;
	[sflag:s31] =	ssyncset.done $0x0  }
.Ltmp6:
0xf3: {  	_ = 	snop;
	(pc) =	sbr.rel .LBB2_7-.Ltmp6, $1  }
0xf4: {  	_ =	sdelay $0x3  }
.LBB2_9:
0xf5: {  	_ =	sfence.sel $0x180000  }
0xf6: {  	[bflag:$0x0] =	sbarrier.arrive $0xFFFF  }
0xf7: {  	_ =	strace $0x9000004A  }
0xf8: {  	s0 =	stileid.u32;
	[bflag:$0x2] =	sbarrier.arrive $0xFFFF  }
0xf9: {  	p0 =	sne.s32 s0, $0x0;
	s0 =	rddreg [dreg:$0x2]  }
0xfa: {  	s0 =	sadd.s32 @!p0 $0x100000, s0  }
0xfb: {  	[sflag:s0] =	ssyncadd.tile.s32 @!p0 $0x1;
	_ =	shalt  }
.Lfunc_end2:
_tile_overlayer_lowered:
.L_overlay_start_2:
0xfc: {  	(tag) =	ssettag $0x2  }
0xfd: {  	s0 =	rddreg [dreg:$0x0];
	s2 =	stileid.u32  }
0xfe: {  	s1 =	rddreg [dreg:$0x1];
	p0 =	sne.s32 s2, $0x0  }
0xff: {  	s3 =	rddreg [dreg:$0x2];
	[bflag:$0x3] =	sbarrier.arrive $0xFFFF;
	s2 =	simm.s32 @!p0 $0x1C07  }
0x100: {  	[timem:s3], [sflag:s2] =	dma.local @!p0 [hbm:s0], s1  }
0x101: {  	s0 =	simm.s32 @!p0 $0x7  }
0x102: {  	_ =	swait.ge @!p0 [sflag:s0], s1  }
0x103: {  	s1 =	ssub.s32 @!p0 $0x0, s1;
	[sflag:s0] =	ssyncset.done @!p0 $0x0  }
0x104: {  	[sflag:s0] =	ssyncadd.s32 @!p0 s1  }
0x105: {  	[bflag:$0x3] =	sbarrier.arrive $0xFFFF  }
0x106: {  	_ =	shalt  }

// kernel: kernel.14.cloned.1.call-start
scs
__scs_entry_jumppad:
0x0: {  	(pc) =	sbr.rel $0x88, $3  }
0x1: {  	(tag) =	ssettag $0x0;
	lr =	simm.s32 $0x1  }
0x2: {  	[smem:$0x3F9B] =	sst lr;
	_ =	strace $0xD0000000  }
0x3: {  	_ = 	snop  }
0x4: {  	_ = 	snop  }
0x5: {  	_ = 	snop  }
0x6: {  	_ = 	snop  }
0x7: {  	_ = 	snop  }
__scs_overlays_trampoline_lowered:
0x8: {  	[smem:$0x3FAA] =	sst s0  }
0x9: {  	[smem:$0x3FAB] =	sst s1  }
0xa: {  	[smem:$0x3FAC] =	sst s2  }
0xb: {  	[smem:$0x3FAD] =	sst s3  }
0xc: {  	[smem:$0x3FAE] =	sst s4  }
0xd: {  	[smem:$0x3FAF] =	sst s5  }
0xe: {  	[smem:$0x3FB0] =	sst s6  }
0xf: {  	[smem:$0x3FB1] =	sst s7  }
0x10: {  	[smem:$0x3FB2] =	sst s8  }
0x11: {  	[smem:$0x3FB3] =	sst s9;
	s0 =	simm.s32 @!p0 $0x0  }
0x12: {  	s1 =	sld [smem:$0x3F99];
	s0 =	simm.s32 @p0 $0x1  }
0x13: {  	[smem:$0x3FB4] =	sst s0;
	s0 =	simm.s32 @!p1 $0x0  }
0x14: {  	s2 =	sld [smem:$0x3F98];
	s0 =	simm.s32 @p1 $0x1  }
0x15: {  	[smem:$0x3FB5] =	sst s0;
	s0 =	simm.s32 @!p2 $0x0  }
0x16: {  	s3 =	sld [smem:$0x3FDB];
	s0 =	simm.s32 @p2 $0x1  }
0x17: {  	s4 =	simm.s32 $0x1BF5;
	[smem:$0x3FB7] =	sst s0  }
0x18: {  	s0 =	sld [smem:$0x3F9A];
	_ =	swait.ge [sflag:s4], $0x0  }
0x19: {  	s7 =	sld [smem:$0x3F9B]  }
0x1a: {  	s8 =	sadd.s32 $0xFFFFE003, lr  }
0x1b: {  	s9 =	sadd.s32 $0xFFFFFEF7, lr;
	s5 =	simm.s32 $0xFFFFFFFF;
	p2 =	slt.u32 s8, $0xFFFFF086  }
0x1c: {  	p1 =	slt.u32 s9, $0xF7A;
	s5 =	simm.s32 @!p2 $0x0  }
0x1d: {  	s5 =	simm.s32 @p1 $0x1;
	p0 =	seq.s32 s7, s2  }
0x1e: {  	s7 =	smul.u32 @!p0 $0xF7A, s2;
	p2 =	seq.s32 @!p0 s5, $0x0  }
0x1f: {  	s9 =	smul.u32 $0xF7A, s1;
	s8 =	simm.s32 @!p0 $0x1BF5;
	p2 =	por !p2, p0  }
0x20: {  	[sflag:s8] =	ssyncset.s32 @!p0 $0xFFFFF086;
	s6 =	sadd.s32 @!p0 s3, s7;
	s7 =	simm.s32 @!p0 $0x108  }
0x21: {  	s3 =	sadd.s32 s3, s9;
	s6 =	sadd.s32 @!p0 $0x88, s6;
	s7 =	simm.s32 @p2 $0x1082  }
0x22: {  	[simem:s7], [sflag:s8] =	dma.local @!p0 [hbm:s6], $0xF7A  }
0x23: {  	s9 =	sor.u32 $0xD0000000, s2;
	s6 =	simm.s32 $0x108;
	_ =	swait.ge @!p0 [sflag:s8], $0x0  }
0x24: {  	s3 =	sadd.s32 $0x88, s3;
	s6 =	simm.s32 @!p1 $0x1082;
	[sflag:s4] =	ssyncset.s32 $0xFFFFF086  }
0x25: {  	[simem:s6], [sflag:s4] =	dma.local [hbm:s3], $0xF7A  }
0x26: {  	[smem:$0x3F9B] =	sst s1;
	(tag) =	ssettag s2;
	_ =	strace s9  }
0x27: {  	s1 =	sld [smem:$0x3FAB]  }
0x28: {  	s2 =	sld [smem:$0x3FAC]  }
0x29: {  	s4 =	sld [smem:$0x3FAE]  }
0x2a: {  	p0 =	seq.s32 s5, $0x0;
	s5 =	sld [smem:$0x3FAF]  }
0x2b: {  	s6 =	sld [smem:$0x3FB0]  }
0x2c: {  	s7 =	sld [smem:$0x3FB1]  }
0x2d: {  	s3 =	simm.s32 $0x108;
	s8 =	sld [smem:$0x3FB2]  }
0x2e: {  	s3 =	simm.s32 @!p0 $0x1082;
	s9 =	sld [smem:$0x3FB3]  }
0x2f: {  	lr =	sadd.s32 s0, s3;
	s0 =	sld [smem:$0x3FAA]  }
0x30: {  	s3 =	sld [smem:$0x3FAD]  }
0x31: {  	[smem:$0x3FB6] =	sst s10  }
0x32: {  	s10 =	sld [smem:$0x3FB4];
	_ =	sdelay $0x3  }
0x33: {  	p0 =	seq.s32 s10, $0x1;
	s10 =	sld [smem:$0x3FB6];
	_ =	sdelay $0x3  }
0x34: {  	[smem:$0x3FB6] =	sst s10  }
0x35: {  	s10 =	sld [smem:$0x3FB5];
	_ =	sdelay $0x3  }
0x36: {  	p1 =	seq.s32 s10, $0x1;
	s10 =	sld [smem:$0x3FB6];
	_ =	sdelay $0x3  }
0x37: {  	[smem:$0x3FB6] =	sst s10  }
0x38: {  	s10 =	sld [smem:$0x3FB7]  }
0x39: {  	_ = 	snop;
	(pc) =	sbr.ind lr, $3  }
0x3a: {  	_ = 	snop  }
0x3b: {  	_ = 	snop  }
0x3c: {  	p2 =	seq.s32 s10, $0x1;
	s10 =	sld [smem:$0x3FB6]  }
0x3d: {  	_ =	shalt  }
0x3e: {  	_ =	shalt  }
0x3f: {  	_ =	shalt  }
0x40: {  	_ =	shalt  }
0x41: {  	_ =	shalt  }
0x42: {  	_ =	shalt  }
0x43: {  	_ =	shalt  }
0x44: {  	_ =	shalt  }
0x45: {  	_ =	shalt  }
0x46: {  	_ =	shalt  }
0x47: {  	_ =	shalt  }
0x48: {  	_ =	shalt  }
0x49: {  	_ =	shalt  }
0x4a: {  	_ =	shalt  }
0x4b: {  	_ =	shalt  }
0x4c: {  	_ =	shalt  }
0x4d: {  	_ =	shalt  }
0x4e: {  	_ =	shalt  }
0x4f: {  	_ =	shalt  }
0x50: {  	_ =	shalt  }
0x51: {  	_ =	shalt  }
0x52: {  	_ =	shalt  }
0x53: {  	_ =	shalt  }
0x54: {  	_ =	shalt  }
0x55: {  	_ =	shalt  }
0x56: {  	_ =	shalt  }
0x57: {  	_ =	shalt  }
0x58: {  	_ =	shalt  }
0x59: {  	_ =	shalt  }
0x5a: {  	_ =	shalt  }
0x5b: {  	_ =	shalt  }
0x5c: {  	_ =	shalt  }
0x5d: {  	_ =	shalt  }
0x5e: {  	_ =	shalt  }
0x5f: {  	_ =	shalt  }
0x60: {  	_ =	shalt  }
0x61: {  	_ =	shalt  }
0x62: {  	_ =	shalt  }
0x63: {  	_ =	shalt  }
0x64: {  	_ =	shalt  }
0x65: {  	_ =	shalt  }
0x66: {  	_ =	shalt  }
0x67: {  	_ =	shalt  }
0x68: {  	_ =	shalt  }
0x69: {  	_ =	shalt  }
0x6a: {  	_ =	shalt  }
0x6b: {  	_ =	shalt  }
0x6c: {  	_ =	shalt  }
0x6d: {  	_ =	shalt  }
0x6e: {  	_ =	shalt  }
0x6f: {  	_ =	shalt  }
0x70: {  	_ =	shalt  }
0x71: {  	_ =	shalt  }
0x72: {  	_ =	shalt  }
0x73: {  	_ =	shalt  }
0x74: {  	_ =	shalt  }
0x75: {  	_ =	shalt  }
0x76: {  	_ =	shalt  }
0x77: {  	_ =	shalt  }
0x78: {  	_ =	shalt  }
0x79: {  	_ =	shalt  }
0x7a: {  	_ =	shalt  }
0x7b: {  	_ =	shalt  }
0x7c: {  	_ =	shalt  }
0x7d: {  	_ =	shalt  }
0x7e: {  	_ =	shalt  }
0x7f: {  	_ =	shalt  }
0x80: {  	_ =	shalt  }
0x81: {  	_ =	shalt  }
0x82: {  	_ =	shalt  }
0x83: {  	_ =	shalt  }
0x84: {  	_ =	shalt  }
0x85: {  	_ =	shalt  }
0x86: {  	_ =	shalt  }
0x87: {  	_ =	shalt  }
.Lfunc_end0:
.L_simem_size_0:
called_computation.2_lowered:
.L_overlay_start_0:
0x88: {  	s2 =	sld [smem:$0x3FD9]  }
0x89: {  	s3 =	sld [smem:$0x3FFE];
	_ =	sdelay $0x1  }
0x8a: {  	s1 =	srdreg.scid  }
0x8b: {  	s0 =	sand.u32 $0x1, s1  }
0x8c: {  	s17 =	sshll.u32 s0, $0xA;
	s2 =	sadd.s32 s3, s2  }
0x8d: {  	s2 =	sadd.s32 s2, s17  }
0x8e: {  	[smem:$0x3FC2] =	sst s2  }
0x8f: {  	_ = 	snop  }
0x90: {  	s2 =	sld [smem:$0x3FD0];
	(tm) =	ssettm $0x1  }
0x91: {  	s18 =	sld [smem:$0x3FFB];
	_ =	sdelay $0x3  }
0x92: {  	_ =	strace s18  }
0x93: {  	s3 =	sld [smem:$0x3FFC];
	_ =	sdelay $0x3  }
0x94: {  	_ =	strace s3  }
0x95: {  	s3 =	sld [smem:$0x3FFD];
	_ =	sdelay $0x3  }
0x96: {  	_ =	strace s3  }
0x97: {  	_ =	strace $0x8FFFFFFF  }
0x98: {  	s19 =	sld [smem:$0x3FDB];
	_ =	sdelay $0x1  }
0x99: {  	s4 =	simm.s32 $_scs_section_size  }
0x9a: {  	s5 =	simm.s32 $_size__tile_overlayer_lowered;
	s6 =	simm.s32 $_tile_overlayer_lowered  }
0x9b: {  	s22 =	simm.s32 $0x1BFF;
	s21 =	sshll.u32 s6, $0x1;
	s3 =	sadd.s32 s4, s19  }
0x9c: {  	s7 =	simm.s32 $0x0;
	s20 =	sshll.u32 s5, $0x1;
	s5 =	sadd.s32 s21, s3  }
0x9d: {  	[timem:s7], [sflag:s22] =	dma.local [hbm:s5], s20  }
0x9e: {  	_ =	swait.ge [sflag:s22], s20  }
0x9f: {  	s4 =	ssub.s32 $0x0, s20;
	[sflag:s22] =	ssyncset.done $0x0  }
0xa0: {  	[sflag:s22] =	ssyncadd.s32 s4;
	_ =	sdelay $0x1  }
0xa1: {  	s23 =	simm.s32 $0x1B8B  }
0xa2: {  	_ =	swait.ge [sflag:s23], $0x1  }
0xa3: {  	[sflag:s23] =	ssyncset.done $0x0  }
0xa4: {  	s25 =	simm.s32 $0x1B8E;
	s24 =	sld [smem:$0x3FFE];
	[sflag:s23] =	ssyncadd.s32 $0xFFFFFFFF  }
0xa5: {  	s26 =	simm.s32 $execute0_lowered;
	[smem:$0x3FD2] =	sst s25  }
0xa6: {  	s5 =	sshll.u32 s26, $0x1;
	_ =	strace $0x8000004C;
	[dreg:$0x1] =	wrdreg $0xFFFFFFFF  }
0xa7: {  	s28 =	simm.s32 $_size_execute0_lowered;
	s3 =	sadd.s32 s3, s5;
	[dreg:$0x0] =	wrdreg $0x0  }
0xa8: {  	s5 =	sshll.u32 s28, $0x1;
	[dreg:$0x2] =	wrdreg s3  }
0xa9: {  	[dreg:$0x3] =	wrdreg s5  }
0xaa: {  	[dreg:$0x4] =	wrdreg $0xC0  }
0xab: {  	_ =	task [dreg:s7], $0x5FFFF  }
0xac: {  	[dreg:$0x1] =	wrdreg $0xFFFFFFFF  }
0xad: {  	[dreg:$0x0] =	wrdreg $0x60  }
0xae: {  	[dreg:$0x2] =	wrdreg s24  }
0xaf: {  	[dreg:$0x3] =	wrdreg s2  }
0xb0: {  	[dreg:$0x4] =	wrdreg $0xA9000  }
0xb1: {  	[dreg:$0x5] =	wrdreg $0x9  }
0xb2: {  	_ =	task.clear_ibuf [dreg:s7], $0x6FFFF;
	_ =	strace $0x9000004C  }
0xb3: {  	s29 =	simm.s32 $0x9;
	_ =	strace $0x8000004E  }
0xb4: {  	_ =	swait.ge [sflag:s29], $0x1  }
0xb5: {  	[sflag:s29] =	ssyncadd.s32 $0xFFFFFFFF  }
0xb6: {  	_ =	strace $0x9000004E  }
0xb7: {  	_ =	sfence  }
0xb8: {  	s30 =	sld [smem:$0x0];
	_ =	sdelay $0x2  }
0xb9: {  	s31 =	sshll.u32 s1, $0xD;
	s1 =	sshrl.u32 s1, $0x2  }
0xba: {  	s3 =	sand.u32 $0x4000, s31;
	s1 =	sadd.s32 s1, s30  }
0xbb: {  	s0 =	sor.u32 s3, s0;
	s1 =	sshll.u32 s1, $0x11  }
0xbc: {  	s0 =	sor.u32 s1, s0  }
0xbd: {  	s0 =	sadd.s32 $0x8F2B, s0  }
0xbe: {  	[sflag:s0] =	ssyncadd.remote.s32 $0x1  }
0xbf: {  	_ =	sfence.sel $0xFFFF  }
0xc0: {  	[dreg:$0x0] =	wrdreg $0xFFFFFFFF;
	(pc) =	sbr.abs _section_cstart, $3  }
0xc1: {  	[dreg:$0x1] =	wrdreg $0xFFFFFFFF  }
0xc2: {  	_ =	task.clear_ibuf [dreg:s7], $0x2FFFF;
	_ =	strace $0x9FFFFFFF  }
0xc3: {  	(tm) =	ssettm $0x7FFFFFFF  }
tec
execute0_lowered:
.L_overlay_start_1:
0x0: {  	(tag) =	ssettag $0x1  }
0x1: {  	s0 =	rddreg [dreg:$0x0]  }
0x2: {  	s2 =	rddreg [dreg:$0x2]  }
0x3: {  	s4 =	simm.s32 $0x0;
	s12 =	stileid.u32;
	s3 =	srdreg.scid  }
0x4: {  	s20 =	simm.s32 $0x7;
	s21 =	simm.s32 $0x100;
	s22 =	simm.s32 $0x80  }
0x5: {  	s28 =	simm.s32 $0x6900;
	s29 =	simm.s32 $0x2;
	s30 =	simm.s32 $0x3  }
0x6: {  	s31 =	simm.s32 $0x4;
	[smem:$0x7FF] =	sst s4;
	s1 =	smul.u32 $0x500, s12  }
0x7: {  	s5 =	sadd.s32 $0x8DC00, s0;
	s6 =	sadd.s32 $0xB4E00, s0;
	s9 =	smul.u32 $0x2780, s12  }
0x8: {  	s7 =	sadd.s32 $0x12800, s0;
	s3 =	sand.u32 $0x1, s3;
	s8 =	smul.u32 $0x4F000, s12  }
0x9: {  	s25 =	sshll.u32 s12, $0x6;
	_ =	strace $0x8000004D;
	s11 =	ssub.s32 $0x2, s3  }
0xa: {  	s13 =	sor.u32 $0x1C07, s25;
	p0 =	sne.s32 s3, $0x0;
	s25 =	simm.s32 $0x1  }
0xb: {  	s3 =	simm.s32 $0x0;
	s1 =	sadd.s32 s1, s0;
	[dreg:$0x4] =	wrdreg s9  }
0xc: {  	s10 =	sadd.s32 s9, s0;
	s9 =	smul.u32 $0x2C00, s12;
	s0 =	sadd.s32 $0xDC000, s0  }
0xd: {  	s23 =	sshrl.u32 s11, $0x1;
	s8 =	sshrl.u32 s8, $0x2;
	[dreg:$0x5] =	wrdreg s0  }
0xe: {  	s0 =	ssub.s32 s11, s23;
	s8 =	sadd.s32 s8, s2;
	s10 =	sadd.s32 $0x66400, s10  }
.Ltmp0:
0xf: {  	s1 =	sadd.s32 $0x3A00, s1;
	[dreg:$0x6] =	wrdreg s10;
	(pc) =	sbr.rel .LBB2_1-.Ltmp0, $4  }
0x10: {  	s23 =	simm.s32 $0x5;
	s24 =	sshrl.u32 s9, $0x3;
	[dreg:$0x7] =	wrdreg s1  }
0x11: {  	s18 =	smax.u32 s0, $0x1;
	s19 =	sshrl.u32 s8, $0x3;
	s12 =	sadd.s32 s7, s24  }
0x12: {  	s24 =	simm.s32 $0x2900;
	s26 =	sadd.s32 $0x10, s12;
	s16 =	sadd.s32 $0x20, s12  }
0x13: {  	s17 =	sadd.s32 $0x510, s12;
	[dreg:$0x8] =	wrdreg s26;
	s26 =	simm.s32 $0x6  }
.LBB2_7:
0x14: {  	[sflag:s31] =	ssyncadd.s32 $0xFFFFC000  }
0x15: {  	_ =	swait.ge [sflag:s26], $0x80  }
0x16: {  	s0 =	sand.u32 $0x7C00, s8;
	[sflag:s26] =	ssyncset.done $0x0  }
0x17: {  	s15 =	sand.u32 $0x380, s8;
	s0 =	sadd.s32 s9, s0;
	[sflag:s26] =	ssyncadd.s32 $0xFFFFFF80  }
0x18: {  	[tilespmem:s28], [sflag:$0x2] =	stream.indirect.gather [hbm4b:s6+s22], $0x80, s22, s22, $0xb8;
	[tilespmem:$0x1E500] =	vst v63  }
0x19: {  	s0 =	sor.u32 s15, s0;
	_ =	swait.ge [sflag:s29], $0x4000  }
0x1a: {  	s0 =	sshrl.u32 s0, $0x3;
	[sflag:s29] =	ssyncset.done $0x0  }
0x1b: {  	s0 =	sadd.s32 s7, s0;
	[sflag:s29] =	ssyncadd.s32 $0xFFFFC000  }
0x1c: {  	[tilespmem:s22], [sflag:$0x6] =	stream.linear.gather [hbm4b:s0+s4], $0x80, $0x38;
	[tilespmem:$0x1E500] =	vst v63  }
0x1d: {  	s11 =	sadd.s32 $0xFFFFFF80, s1  }
0x1e: {  	[spmem:s2] =	stream.indirect.scatter.add.f32 [tilespmem:s28], [sflag:$0x4], $0x80, s11, s22, $0xb8;
	[tilespmem:$0x1E500] =	vst v63  }
0x1f: {  	_ =	swait.ge [sflag:s30], $0x4000  }
0x20: {  	[sflag:s30] =	ssyncset.done $0x0  }
0x21: {  	[sflag:s30] =	ssyncadd.s32 $0xFFFFC000  }
0x22: {  	_ =	swait.ge [sflag:s23], $0x80  }
0x23: {  	s14 =	sand.u32 $0x7C00, s10;
	[sflag:s23] =	ssyncset.done $0x0  }
0x24: {  	s15 =	sand.u32 $0x300, s10;
	s0 =	sadd.s32 s9, s14;
	[sflag:s23] =	ssyncadd.s32 $0xFFFFFF80  }
0x25: {  	[tilespmem:s24], [sflag:$0x1] =	stream.indirect.gather [hbm4b:s6+s22], $0x80, s4, s22, $0xb8;
	[tilespmem:$0x1E500] =	vst v63  }
0x26: {  	s0 =	sor.u32 s15, s0;
	_ =	swait.ge [sflag:s25], $0x4000  }
0x27: {  	s0 =	sshrl.u32 s0, $0x3;
	[sflag:s25] =	ssyncset.done $0x0  }
0x28: {  	s0 =	sadd.s32 s7, s0;
	[sflag:s25] =	ssyncadd.s32 $0xFFFFC000  }
0x29: {  	[tilespmem:s4], [sflag:$0x5] =	stream.linear.gather [hbm4b:s0+s4], $0x80, $0x38;
	[tilespmem:$0x1E500] =	vst v63  }
0x2a: {  	_ = 	snop  }
0x2b: {  	[spmem:s2] =	stream.indirect.scatter.add.f32 [tilespmem:s24], [sflag:$0x3], $0x80, s1, s22, $0xb8;
	[tilespmem:$0x1E500] =	vst v63  }
0x2c: {  	_ =	swait.ge [sflag:s31], $0x4000  }
0x2d: {  	[sflag:s31] =	ssyncset.done $0x0  }
0x2e: {  	[sflag:s31] =	ssyncadd.s32 $0xFFFFC000  }
0x2f: {  	_ =	swait.ge [sflag:s26], $0x80  }
0x30: {  	[sflag:s26] =	ssyncset.done $0x0  }
0x31: {  	s0 =	rddreg [dreg:$0x5];
	[sflag:s26] =	ssyncadd.s32 $0xFFFFFF80  }
0x32: {  	[tilespmem:s28], [sflag:$0x2] =	stream.indirect.gather [hbm4b:s6+s22], $0x80, s22, s22, $0xb8;
	[tilespmem:$0x1E500] =	vst v63  }
.LBB2_8:
0x33: {  	_ =	swait.ge [sflag:s29], $0x4000  }
0x34: {  	[sflag:s29] =	ssyncset.done $0x0  }
0x35: {  	[sflag:s29] =	ssyncadd.s32 $0xFFFFC000  }
0x36: {  	[tilespmem:s22], [sflag:$0x6] =	stream.linear.gather [hbm4b:s17+s4], $0x80, $0x38;
	[tilespmem:$0x1E500] =	vst v63  }
0x37: {  	s1 =	simm.s32 $0x2880  }
0x38: {  	[spmem:s2] =	stream.indirect.scatter.add.f32 [tilespmem:s28], [sflag:$0x4], $0x80, s1, s22, $0xb8;
	[tilespmem:$0x1E500] =	vst v63  }
0x39: {  	_ =	swait.ge [sflag:s30], $0x4000  }
0x3a: {  	[sflag:s30] =	ssyncset.done $0x0  }
0x3b: {  	[sflag:s30] =	ssyncadd.s32 $0xFFFFC000  }
0x3c: {  	_ =	swait.ge [sflag:s31], $0x4000  }
0x3d: {  	[sflag:s31] =	ssyncset.done $0x0  }
0x3e: {  	[sflag:s31] =	ssyncadd.s32 $0xFFFFC000  }
0x3f: {  	_ =	swait.ge [sflag:s23], $0x80  }
0x40: {  	[sflag:s23] =	ssyncset.done $0x0  }
0x41: {  	[sflag:s23] =	ssyncadd.s32 $0xFFFFFF80  }
0x42: {  	_ =	swait.ge [sflag:s26], $0x80  }
0x43: {  	s3 =	sadd.s32 $0x1, s3;
	[sflag:s26] =	ssyncset.done $0x0  }
0x44: {  	p1 =	sne.s32 s3, s18;
	s15 =	rddreg [dreg:$0x4];
	[sflag:s26] =	ssyncadd.s32 $0xFFFFFF80  }
.Ltmp1:
0x45: {  	s0 =	sadd.s32 s0, s15;
	[bflag:$0x0] =	sbarrier.arrive $0xFFFF;
	(pc) =	sbr.rel @!p1 .LBB2_9-.Ltmp1, $4  }
0x46: {  	[hbm:s0], [sflag:s13] =	dma.local [spmem:s19], $0x2780  }
0x47: {  	_ =	swait.ge [sflag:s20], $0x2780  }
0x48: {  	[sflag:s20] =	ssyncset.done $0x0  }
0x49: {  	[sflag:s20] =	ssyncadd.s32 $0xFFFFD880  }
.LBB2_1:
0x4a: {  	s0 =	rddreg [dreg:$0x6]  }
0x4b: {  	[spmem:s19], [sflag:s13] =	dma.local [hbm:s0], $0x2780  }
0x4c: {  	_ =	swait.ge [sflag:s20], $0x2780  }
0x4d: {  	[sflag:s20] =	ssyncset.done $0x0  }
0x4e: {  	s14 =	rddreg [dreg:$0x7];
	[sflag:s20] =	ssyncadd.s32 $0xFFFFD880  }
0x4f: {  	[tilespmem:s21], [sflag:$0x7] =	stream.linear.gather [hbm4b:s14+s4], $0x2800, $0x38;
	[tilespmem:$0x1E500] =	vst v63  }
0x50: {  	_ =	swait.ge [sflag:s20], $0x2800  }
0x51: {  	[sflag:s20] =	ssyncset.done $0x0  }
0x52: {  	[sflag:s20] =	ssyncadd.s32 $0xFFFFD800  }
0x53: {  	[bflag:$0x0] =	sbarrier.arrive $0xFFFF  }
0x54: {  	[tilespmem:s4], [sflag:$0x5] =	stream.linear.gather [hbm4b:s12+s4], $0x80, $0x38;
	[tilespmem:$0x1E500] =	vst v63  }
.Ltmp2:
0x55: {  	s15 =	rddreg [dreg:$0x8];
	(pc) =	sbr.rel @p0 .LBB2_5-.Ltmp2, $4  }
0x56: {  	[tilespmem:s22], [sflag:$0x6] =	stream.linear.gather [hbm4b:s15+s4], $0x80, $0x38;
	[tilespmem:$0x1E500] =	vst v63  }
0x57: {  	_ =	swait.ge [sflag:s23], $0x80  }
0x58: {  	[sflag:s23] =	ssyncset.done $0x0  }
0x59: {  	[sflag:s23] =	ssyncadd.s32 $0xFFFFFF80  }
0x5a: {  	[tilespmem:s24], [sflag:$0x1] =	stream.indirect.gather [hbm4b:s5+s22], $0x80, s4, s22, $0xb8;
	[tilespmem:$0x1E500] =	vst v63  }
0x5b: {  	_ =	swait.ge [sflag:s25], $0x4000  }
0x5c: {  	[sflag:s25] =	ssyncset.done $0x0  }
0x5d: {  	[sflag:s25] =	ssyncadd.s32 $0xFFFFC000  }
0x5e: {  	[tilespmem:s4], [sflag:$0x5] =	stream.linear.gather [hbm4b:s16+s4], $0x80, $0x38;
	[tilespmem:$0x1E500] =	vst v63  }
0x5f: {  	_ = 	snop  }
0x60: {  	[spmem:s2] =	stream.indirect.scatter.add.f32 [tilespmem:s24], [sflag:$0x3], $0x80, s21, s22, $0xb8;
	[tilespmem:$0x1E500] =	vst v63  }
0x61: {  	s0 =	simm.s32 $0x180;
	_ =	swait.ge [sflag:s26], $0x80  }
0x62: {  	s1 =	sand.u32 $0x7C00, s0;
	[sflag:s26] =	ssyncset.done $0x0  }
0x63: {  	s0 =	sand.u32 $0x380, s0;
	s1 =	sadd.s32 s9, s1;
	[sflag:s26] =	ssyncadd.s32 $0xFFFFFF80  }
0x64: {  	[tilespmem:s28], [sflag:$0x2] =	stream.indirect.gather [hbm4b:s5+s22], $0x80, s22, s22, $0xb8;
	[tilespmem:$0x1E500] =	vst v63  }
0x65: {  	s0 =	sor.u32 s0, s1;
	_ =	swait.ge [sflag:s29], $0x4000  }
0x66: {  	s0 =	sshrl.u32 s0, $0x3;
	[sflag:s29] =	ssyncset.done $0x0  }
0x67: {  	s0 =	sadd.s32 s7, s0;
	[sflag:s29] =	ssyncadd.s32 $0xFFFFC000  }
0x68: {  	[tilespmem:s22], [sflag:$0x6] =	stream.linear.gather [hbm4b:s0+s4], $0x80, $0x38;
	[tilespmem:$0x1E500] =	vst v63  }
0x69: {  	s11 =	simm.s32 $0x180  }
0x6a: {  	[spmem:s2] =	stream.indirect.scatter.add.f32 [tilespmem:s28], [sflag:$0x4], $0x80, s11, s22, $0xb8;
	[tilespmem:$0x1E500] =	vst v63  }
0x6b: {  	_ =	swait.ge [sflag:s30], $0x4000  }
0x6c: {  	[sflag:s30] =	ssyncset.done $0x0  }
0x6d: {  	[sflag:s30] =	ssyncadd.s32 $0xFFFFC000  }
0x6e: {  	s14 =	simm.s32 $0x200;
	_ =	swait.ge [sflag:s23], $0x80  }
0x6f: {  	s15 =	sand.u32 $0x7C00, s14;
	[sflag:s23] =	ssyncset.done $0x0  }
0x70: {  	s8 =	sand.u32 $0x300, s14;
	s1 =	sadd.s32 s9, s15;
	[sflag:s23] =	ssyncadd.s32 $0xFFFFFF80  }
0x71: {  	[tilespmem:s24], [sflag:$0x1] =	stream.indirect.gather [hbm4b:s5+s22], $0x80, s4, s22, $0xb8;
	[tilespmem:$0x1E500] =	vst v63  }
0x72: {  	s1 =	sor.u32 s8, s1;
	_ =	swait.ge [sflag:s25], $0x4000  }
0x73: {  	s1 =	sshrl.u32 s1, $0x3;
	[sflag:s25] =	ssyncset.done $0x0  }
0x74: {  	s1 =	sadd.s32 s7, s1;
	[sflag:s25] =	ssyncadd.s32 $0xFFFFC000  }
0x75: {  	[tilespmem:s4], [sflag:$0x5] =	stream.linear.gather [hbm4b:s1+s4], $0x80, $0x38;
	[tilespmem:$0x1E500] =	vst v63  }
0x76: {  	_ = 	snop  }
0x77: {  	[spmem:s2] =	stream.indirect.scatter.add.f32 [tilespmem:s24], [sflag:$0x3], $0x80, s14, s22, $0xb8;
	[tilespmem:$0x1E500] =	vst v63  }
0x78: {  	s10 =	simm.s32 $0x300;
	s8 =	simm.s32 $0x280;
	_ =	swait.ge [sflag:s31], $0x4000  }
0x79: {  	s0 =	simm.s32 $0x400;
	s1 =	simm.s32 $0x300;
	[sflag:s31] =	ssyncset.done $0x0  }
.LBB2_3:
0x7a: {  	s14 =	sand.u32 $0x7C00, s8  }
0x7b: {  	[sflag:s31] =	ssyncadd.s32 $0xFFFFC000;
	s15 =	smov.u32 s0;
	s11 =	sadd.s32 $0x100, s0  }
0x7c: {  	s8 =	sand.u32 $0x380, s8;
	s14 =	sadd.s32 s9, s14;
	_ =	swait.ge [sflag:s26], $0x80  }
0x7d: {  	p1 =	seq.s32 s0, $0x2800;
	s0 =	sor.u32 s8, s14;
	[sflag:s26] =	ssyncset.done $0x0  }
0x7e: {  	s0 =	sshrl.u32 s0, $0x3;
	[sflag:s26] =	ssyncadd.s32 $0xFFFFFF80  }
0x7f: {  	[tilespmem:s28], [sflag:$0x2] =	stream.indirect.gather [hbm4b:s5+s22], $0x80, s22, s22, $0xb8;
	[tilespmem:$0x1E500] =	vst v63  }
0x80: {  	_ =	swait.ge [sflag:s29], $0x4000  }
0x81: {  	[sflag:s29] =	ssyncset.done $0x0  }
0x82: {  	s0 =	sadd.s32 s7, s0;
	[sflag:s29] =	ssyncadd.s32 $0xFFFFC000  }
0x83: {  	[tilespmem:s22], [sflag:$0x6] =	stream.linear.gather [hbm4b:s0+s4], $0x80, $0x38;
	[tilespmem:$0x1E500] =	vst v63  }
0x84: {  	s0 =	sadd.s32 $0xFFFFFF80, s1  }
0x85: {  	[spmem:s2] =	stream.indirect.scatter.add.f32 [tilespmem:s28], [sflag:$0x4], $0x80, s0, s22, $0xb8;
	[tilespmem:$0x1E500] =	vst v63  }
0x86: {  	_ =	swait.ge [sflag:s30], $0x4000  }
0x87: {  	[sflag:s30] =	ssyncset.done $0x0  }
0x88: {  	[sflag:s30] =	ssyncadd.s32 $0xFFFFC000  }
0x89: {  	_ =	swait.ge [sflag:s23], $0x80  }
0x8a: {  	[sflag:s23] =	ssyncset.done $0x0  }
0x8b: {  	s0 =	sand.u32 $0x7C00, s10;
	[sflag:s23] =	ssyncadd.s32 $0xFFFFFF80  }
0x8c: {  	[tilespmem:s24], [sflag:$0x1] =	stream.indirect.gather [hbm4b:s5+s22], $0x80, s4, s22, $0xb8;
	[tilespmem:$0x1E500] =	vst v63  }
0x8d: {  	s8 =	sand.u32 $0x300, s10;
	s10 =	smov.u32 s15;
	s0 =	sadd.s32 s9, s0  }
0x8e: {  	s0 =	sor.u32 s8, s0;
	_ =	swait.ge [sflag:s25], $0x4000  }
0x8f: {  	s0 =	sshrl.u32 s0, $0x3;
	[sflag:s25] =	ssyncset.done $0x0  }
0x90: {  	s0 =	sadd.s32 s7, s0;
	[sflag:s25] =	ssyncadd.s32 $0xFFFFC000  }
0x91: {  	[tilespmem:s4], [sflag:$0x5] =	stream.linear.gather [hbm4b:s0+s4], $0x80, $0x38;
	[tilespmem:$0x1E500] =	vst v63  }
.Ltmp3:
0x92: {  	_ = 	snop;
	(pc) =	sbr.rel @!p1 .LBB2_3-.Ltmp3, $4  }
0x93: {  	_ = 	snop  }
0x94: {  	[spmem:s2] =	stream.indirect.scatter.add.f32 [tilespmem:s24], [sflag:$0x3], $0x80, s1, s22, $0xb8;
	[tilespmem:$0x1E500] =	vst v63  }
0x95: {  	s8 =	sadd.s32 $0xFFFFFF80, s10;
	_ =	swait.ge [sflag:s31], $0x4000  }
0x96: {  	s0 =	smov.u32 s11;
	s1 =	sadd.s32 $0x100, s1;
	[sflag:s31] =	ssyncset.done $0x0  }
0x97: {  	[sflag:s31] =	ssyncadd.s32 $0xFFFFC000  }
0x98: {  	_ =	swait.ge [sflag:s26], $0x80  }
0x99: {  	s0 =	sand.u32 $0x7C00, s8;
	[sflag:s26] =	ssyncset.done $0x0  }
0x9a: {  	s15 =	sand.u32 $0x380, s8;
	s0 =	sadd.s32 s9, s0;
	[sflag:s26] =	ssyncadd.s32 $0xFFFFFF80  }
0x9b: {  	[tilespmem:s28], [sflag:$0x2] =	stream.indirect.gather [hbm4b:s5+s22], $0x80, s22, s22, $0xb8;
	[tilespmem:$0x1E500] =	vst v63  }
0x9c: {  	s0 =	sor.u32 s15, s0;
	_ =	swait.ge [sflag:s29], $0x4000  }
0x9d: {  	s0 =	sshrl.u32 s0, $0x3;
	[sflag:s29] =	ssyncset.done $0x0  }
0x9e: {  	s0 =	sadd.s32 s7, s0;
	[sflag:s29] =	ssyncadd.s32 $0xFFFFC000  }
0x9f: {  	[tilespmem:s22], [sflag:$0x6] =	stream.linear.gather [hbm4b:s0+s4], $0x80, $0x38;
	[tilespmem:$0x1E500] =	vst v63  }
0xa0: {  	s11 =	sadd.s32 $0xFFFFFF80, s1  }
0xa1: {  	[spmem:s2] =	stream.indirect.scatter.add.f32 [tilespmem:s28], [sflag:$0x4], $0x80, s11, s22, $0xb8;
	[tilespmem:$0x1E500] =	vst v63  }
0xa2: {  	_ =	swait.ge [sflag:s30], $0x4000  }
0xa3: {  	[sflag:s30] =	ssyncset.done $0x0  }
0xa4: {  	[sflag:s30] =	ssyncadd.s32 $0xFFFFC000  }
0xa5: {  	_ =	swait.ge [sflag:s23], $0x80  }
0xa6: {  	s14 =	sand.u32 $0x7C00, s10;
	[sflag:s23] =	ssyncset.done $0x0  }
0xa7: {  	s15 =	sand.u32 $0x300, s10;
	s0 =	sadd.s32 s9, s14;
	[sflag:s23] =	ssyncadd.s32 $0xFFFFFF80  }
0xa8: {  	[tilespmem:s24], [sflag:$0x1] =	stream.indirect.gather [hbm4b:s5+s22], $0x80, s4, s22, $0xb8;
	[tilespmem:$0x1E500] =	vst v63  }
0xa9: {  	s0 =	sor.u32 s15, s0;
	_ =	swait.ge [sflag:s25], $0x4000  }
0xaa: {  	s0 =	sshrl.u32 s0, $0x3;
	[sflag:s25] =	ssyncset.done $0x0  }
0xab: {  	s0 =	sadd.s32 s7, s0;
	[sflag:s25] =	ssyncadd.s32 $0xFFFFC000  }
0xac: {  	[tilespmem:s4], [sflag:$0x5] =	stream.linear.gather [hbm4b:s0+s4], $0x80, $0x38;
	[tilespmem:$0x1E500] =	vst v63  }
0xad: {  	_ = 	snop  }
0xae: {  	[spmem:s2] =	stream.indirect.scatter.add.f32 [tilespmem:s24], [sflag:$0x3], $0x80, s1, s22, $0xb8;
	[tilespmem:$0x1E500] =	vst v63  }
0xaf: {  	_ =	swait.ge [sflag:s31], $0x4000  }
0xb0: {  	[sflag:s31] =	ssyncset.done $0x0  }
0xb1: {  	[sflag:s31] =	ssyncadd.s32 $0xFFFFC000  }
.Ltmp4:
0xb2: {  	_ =	swait.ge [sflag:s26], $0x80;
	(pc) =	sbr.rel .LBB2_8-.Ltmp4, $4  }
0xb3: {  	[sflag:s26] =	ssyncset.done $0x0  }
0xb4: {  	[sflag:s26] =	ssyncadd.s32 $0xFFFFFF80  }
0xb5: {  	[tilespmem:s28], [sflag:$0x2] =	stream.indirect.gather [hbm4b:s5+s22], $0x80, s22, s22, $0xb8;
	[tilespmem:$0x1E500] =	vst v63  }
0xb6: {  	s0 =	rddreg [dreg:$0x1]  }
.LBB2_5:
0xb7: {  	[tilespmem:s24], [sflag:$0x1] =	stream.indirect.gather [hbm4b:s6+s22], $0x80, s4, s22, $0xb8;
	[tilespmem:$0x1E500] =	vst v63  }
0xb8: {  	_ =	swait.ge [sflag:s25], $0x4000  }
0xb9: {  	[sflag:s25] =	ssyncset.done $0x0  }
0xba: {  	[sflag:s25] =	ssyncadd.s32 $0xFFFFC000  }
0xbb: {  	[tilespmem:s4], [sflag:$0x5] =	stream.linear.gather [hbm4b:s16+s4], $0x80, $0x38;
	[tilespmem:$0x1E500] =	vst v63  }
0xbc: {  	_ = 	snop  }
0xbd: {  	[spmem:s2] =	stream.indirect.scatter.add.f32 [tilespmem:s24], [sflag:$0x3], $0x80, s21, s22, $0xb8;
	[tilespmem:$0x1E500] =	vst v63  }
0xbe: {  	s0 =	simm.s32 $0x180;
	_ =	swait.ge [sflag:s26], $0x80  }
0xbf: {  	s1 =	sand.u32 $0x7C00, s0;
	[sflag:s26] =	ssyncset.done $0x0  }
0xc0: {  	s0 =	sand.u32 $0x380, s0;
	s1 =	sadd.s32 s9, s1;
	[sflag:s26] =	ssyncadd.s32 $0xFFFFFF80  }
0xc1: {  	[tilespmem:s28], [sflag:$0x2] =	stream.indirect.gather [hbm4b:s6+s22], $0x80, s22, s22, $0xb8;
	[tilespmem:$0x1E500] =	vst v63  }
0xc2: {  	s0 =	sor.u32 s0, s1;
	_ =	swait.ge [sflag:s29], $0x4000  }
0xc3: {  	s0 =	sshrl.u32 s0, $0x3;
	[sflag:s29] =	ssyncset.done $0x0  }
0xc4: {  	s0 =	sadd.s32 s7, s0;
	[sflag:s29] =	ssyncadd.s32 $0xFFFFC000  }
0xc5: {  	[tilespmem:s22], [sflag:$0x6] =	stream.linear.gather [hbm4b:s0+s4], $0x80, $0x38;
	[tilespmem:$0x1E500] =	vst v63  }
0xc6: {  	s11 =	simm.s32 $0x180  }
0xc7: {  	[spmem:s2] =	stream.indirect.scatter.add.f32 [tilespmem:s28], [sflag:$0x4], $0x80, s11, s22, $0xb8;
	[tilespmem:$0x1E500] =	vst v63  }
0xc8: {  	_ =	swait.ge [sflag:s30], $0x4000  }
0xc9: {  	[sflag:s30] =	ssyncset.done $0x0  }
0xca: {  	[sflag:s30] =	ssyncadd.s32 $0xFFFFC000  }
0xcb: {  	s14 =	simm.s32 $0x200;
	_ =	swait.ge [sflag:s23], $0x80  }
0xcc: {  	s15 =	sand.u32 $0x7C00, s14;
	[sflag:s23] =	ssyncset.done $0x0  }
0xcd: {  	s8 =	sand.u32 $0x300, s14;
	s1 =	sadd.s32 s9, s15;
	[sflag:s23] =	ssyncadd.s32 $0xFFFFFF80  }
0xce: {  	[tilespmem:s24], [sflag:$0x1] =	stream.indirect.gather [hbm4b:s6+s22], $0x80, s4, s22, $0xb8;
	[tilespmem:$0x1E500] =	vst v63  }
0xcf: {  	s1 =	sor.u32 s8, s1;
	_ =	swait.ge [sflag:s25], $0x4000  }
0xd0: {  	s1 =	sshrl.u32 s1, $0x3;
	[sflag:s25] =	ssyncset.done $0x0  }
0xd1: {  	s1 =	sadd.s32 s7, s1;
	[sflag:s25] =	ssyncadd.s32 $0xFFFFC000  }
0xd2: {  	[tilespmem:s4], [sflag:$0x5] =	stream.linear.gather [hbm4b:s1+s4], $0x80, $0x38;
	[tilespmem:$0x1E500] =	vst v63  }
0xd3: {  	_ = 	snop  }
0xd4: {  	[spmem:s2] =	stream.indirect.scatter.add.f32 [tilespmem:s24], [sflag:$0x3], $0x80, s14, s22, $0xb8;
	[tilespmem:$0x1E500] =	vst v63  }
0xd5: {  	s10 =	simm.s32 $0x300;
	s8 =	simm.s32 $0x280;
	_ =	swait.ge [sflag:s31], $0x4000  }
0xd6: {  	s11 =	simm.s32 $0x400;
	s1 =	simm.s32 $0x300;
	[sflag:s31] =	ssyncset.done $0x0  }
.LBB2_6:
0xd7: {  	s14 =	sand.u32 $0x7C00, s8  }
0xd8: {  	[sflag:s31] =	ssyncadd.s32 $0xFFFFC000;
	s15 =	smov.u32 s11;
	s0 =	sadd.s32 $0x100, s11  }
0xd9: {  	s8 =	sand.u32 $0x380, s8;
	s14 =	sadd.s32 s9, s14;
	_ =	swait.ge [sflag:s26], $0x80  }
0xda: {  	p1 =	sne.s32 s11, $0x2800;
	s8 =	sor.u32 s8, s14;
	[sflag:s26] =	ssyncset.done $0x0  }
0xdb: {  	s8 =	sshrl.u32 s8, $0x3;
	[sflag:s26] =	ssyncadd.s32 $0xFFFFFF80  }
0xdc: {  	[tilespmem:s28], [sflag:$0x2] =	stream.indirect.gather [hbm4b:s6+s22], $0x80, s22, s22, $0xb8;
	[tilespmem:$0x1E500] =	vst v63  }
0xdd: {  	_ =	swait.ge [sflag:s29], $0x4000  }
0xde: {  	[sflag:s29] =	ssyncset.done $0x0  }
0xdf: {  	s8 =	sadd.s32 s7, s8;
	[sflag:s29] =	ssyncadd.s32 $0xFFFFC000  }
0xe0: {  	[tilespmem:s22], [sflag:$0x6] =	stream.linear.gather [hbm4b:s8+s4], $0x80, $0x38;
	[tilespmem:$0x1E500] =	vst v63  }
0xe1: {  	s8 =	sadd.s32 $0xFFFFFF80, s1  }
0xe2: {  	[spmem:s2] =	stream.indirect.scatter.add.f32 [tilespmem:s28], [sflag:$0x4], $0x80, s8, s22, $0xb8;
	[tilespmem:$0x1E500] =	vst v63  }
0xe3: {  	_ =	swait.ge [sflag:s30], $0x4000  }
0xe4: {  	[sflag:s30] =	ssyncset.done $0x0  }
0xe5: {  	[sflag:s30] =	ssyncadd.s32 $0xFFFFC000  }
0xe6: {  	_ =	swait.ge [sflag:s23], $0x80  }
0xe7: {  	[sflag:s23] =	ssyncset.done $0x0  }
0xe8: {  	s8 =	sand.u32 $0x7C00, s10;
	[sflag:s23] =	ssyncadd.s32 $0xFFFFFF80  }
0xe9: {  	[tilespmem:s24], [sflag:$0x1] =	stream.indirect.gather [hbm4b:s6+s22], $0x80, s4, s22, $0xb8;
	[tilespmem:$0x1E500] =	vst v63  }
0xea: {  	s11 =	sand.u32 $0x300, s10;
	s10 =	smov.u32 s15;
	s8 =	sadd.s32 s9, s8  }
0xeb: {  	s8 =	sor.u32 s11, s8;
	_ =	swait.ge [sflag:s25], $0x4000  }
0xec: {  	s8 =	sshrl.u32 s8, $0x3;
	[sflag:s25] =	ssyncset.done $0x0  }
0xed: {  	s8 =	sadd.s32 s7, s8;
	[sflag:s25] =	ssyncadd.s32 $0xFFFFC000  }
0xee: {  	[tilespmem:s4], [sflag:$0x5] =	stream.linear.gather [hbm4b:s8+s4], $0x80, $0x38;
	[tilespmem:$0x1E500] =	vst v63  }
.Ltmp5:
0xef: {  	_ = 	snop;
	(pc) =	sbr.rel @p1 .LBB2_6-.Ltmp5, $4  }
0xf0: {  	_ = 	snop  }
0xf1: {  	[spmem:s2] =	stream.indirect.scatter.add.f32 [tilespmem:s24], [sflag:$0x3], $0x80, s1, s22, $0xb8;
	[tilespmem:$0x1E500] =	vst v63  }
0xf2: {  	s11 =	smov.u32 s0;
	_ =	swait.ge [sflag:s31], $0x4000  }
0xf3: {  	s8 =	sadd.s32 $0xFFFFFF80, s10;
	s1 =	sadd.s32 $0x100, s1;
	[sflag:s31] =	ssyncset.done $0x0  }
.Ltmp6:
0xf4: {  	_ = 	snop;
	(pc) =	sbr.rel .LBB2_7-.Ltmp6, $1  }
0xf5: {  	_ =	sdelay $0x3  }
.LBB2_9:
0xf6: {  	_ =	sfence.sel $0x180000  }
0xf7: {  	[bflag:$0x0] =	sbarrier.arrive $0xFFFF  }
0xf8: {  	_ =	strace $0x9000004D  }
0xf9: {  	s0 =	stileid.u32;
	[bflag:$0x2] =	sbarrier.arrive $0xFFFF  }
0xfa: {  	p0 =	sne.s32 s0, $0x0;
	s0 =	rddreg [dreg:$0x3]  }
0xfb: {  	s0 =	sadd.s32 @!p0 $0x100000, s0  }
0xfc: {  	[sflag:s0] =	ssyncadd.tile.s32 @!p0 $0x1;
	_ =	shalt  }
.Lfunc_end2:
_tile_overlayer_lowered:
.L_overlay_start_2:
0xfd: {  	(tag) =	ssettag $0x2  }
0xfe: {  	s0 =	rddreg [dreg:$0x0];
	s2 =	stileid.u32  }
0xff: {  	s1 =	rddreg [dreg:$0x1];
	p0 =	sne.s32 s2, $0x0  }
0x100: {  	s3 =	rddreg [dreg:$0x2];
	[bflag:$0x3] =	sbarrier.arrive $0xFFFF;
	s2 =	simm.s32 @!p0 $0x1C07  }
0x101: {  	[timem:s3], [sflag:s2] =	dma.local @!p0 [hbm:s0], s1  }
0x102: {  	s0 =	simm.s32 @!p0 $0x7  }
0x103: {  	_ =	swait.ge @!p0 [sflag:s0], s1  }
0x104: {  	s1 =	ssub.s32 @!p0 $0x0, s1;
	[sflag:s0] =	ssyncset.done @!p0 $0x0  }
0x105: {  	[sflag:s0] =	ssyncadd.s32 @!p0 s1  }
0x106: {  	[bflag:$0x3] =	sbarrier.arrive $0xFFFF  }
0x107: {  	_ =	shalt  }

// kernel: kernel.8.cloned.1.call-start
scs
__scs_entry_jumppad:
0x0: {  	(pc) =	sbr.rel $0x88, $3  }
0x1: {  	(tag) =	ssettag $0x0;
	lr =	simm.s32 $0x1  }
0x2: {  	[smem:$0x3F9B] =	sst lr;
	_ =	strace $0xD0000000  }
0x3: {  	_ = 	snop  }
0x4: {  	_ = 	snop  }
0x5: {  	_ = 	snop  }
0x6: {  	_ = 	snop  }
0x7: {  	_ = 	snop  }
__scs_overlays_trampoline_lowered:
0x8: {  	[smem:$0x3FAA] =	sst s0  }
0x9: {  	[smem:$0x3FAB] =	sst s1  }
0xa: {  	[smem:$0x3FAC] =	sst s2  }
0xb: {  	[smem:$0x3FAD] =	sst s3  }
0xc: {  	[smem:$0x3FAE] =	sst s4  }
0xd: {  	[smem:$0x3FAF] =	sst s5  }
0xe: {  	[smem:$0x3FB0] =	sst s6  }
0xf: {  	[smem:$0x3FB1] =	sst s7  }
0x10: {  	[smem:$0x3FB2] =	sst s8  }
0x11: {  	[smem:$0x3FB3] =	sst s9;
	s0 =	simm.s32 @!p0 $0x0  }
0x12: {  	s1 =	sld [smem:$0x3F99];
	s0 =	simm.s32 @p0 $0x1  }
0x13: {  	[smem:$0x3FB4] =	sst s0;
	s0 =	simm.s32 @!p1 $0x0  }
0x14: {  	s2 =	sld [smem:$0x3F98];
	s0 =	simm.s32 @p1 $0x1  }
0x15: {  	[smem:$0x3FB5] =	sst s0;
	s0 =	simm.s32 @!p2 $0x0  }
0x16: {  	s3 =	sld [smem:$0x3FDB];
	s0 =	simm.s32 @p2 $0x1  }
0x17: {  	s4 =	simm.s32 $0x1BF5;
	[smem:$0x3FB7] =	sst s0  }
0x18: {  	s0 =	sld [smem:$0x3F9A];
	_ =	swait.ge [sflag:s4], $0x0  }
0x19: {  	s7 =	sld [smem:$0x3F9B]  }
0x1a: {  	s8 =	sadd.s32 $0xFFFFE003, lr  }
0x1b: {  	s9 =	sadd.s32 $0xFFFFFEF7, lr;
	s5 =	simm.s32 $0xFFFFFFFF;
	p2 =	slt.u32 s8, $0xFFFFF086  }
0x1c: {  	p1 =	slt.u32 s9, $0xF7A;
	s5 =	simm.s32 @!p2 $0x0  }
0x1d: {  	s5 =	simm.s32 @p1 $0x1;
	p0 =	seq.s32 s7, s2  }
0x1e: {  	s7 =	smul.u32 @!p0 $0xF7A, s2;
	p2 =	seq.s32 @!p0 s5, $0x0  }
0x1f: {  	s9 =	smul.u32 $0xF7A, s1;
	s8 =	simm.s32 @!p0 $0x1BF5;
	p2 =	por !p2, p0  }
0x20: {  	[sflag:s8] =	ssyncset.s32 @!p0 $0xFFFFF086;
	s6 =	sadd.s32 @!p0 s3, s7;
	s7 =	simm.s32 @!p0 $0x108  }
0x21: {  	s3 =	sadd.s32 s3, s9;
	s6 =	sadd.s32 @!p0 $0x88, s6;
	s7 =	simm.s32 @p2 $0x1082  }
0x22: {  	[simem:s7], [sflag:s8] =	dma.local @!p0 [hbm:s6], $0xF7A  }
0x23: {  	s9 =	sor.u32 $0xD0000000, s2;
	s6 =	simm.s32 $0x108;
	_ =	swait.ge @!p0 [sflag:s8], $0x0  }
0x24: {  	s3 =	sadd.s32 $0x88, s3;
	s6 =	simm.s32 @!p1 $0x1082;
	[sflag:s4] =	ssyncset.s32 $0xFFFFF086  }
0x25: {  	[simem:s6], [sflag:s4] =	dma.local [hbm:s3], $0xF7A  }
0x26: {  	[smem:$0x3F9B] =	sst s1;
	(tag) =	ssettag s2;
	_ =	strace s9  }
0x27: {  	s1 =	sld [smem:$0x3FAB]  }
0x28: {  	s2 =	sld [smem:$0x3FAC]  }
0x29: {  	s4 =	sld [smem:$0x3FAE]  }
0x2a: {  	p0 =	seq.s32 s5, $0x0;
	s5 =	sld [smem:$0x3FAF]  }
0x2b: {  	s6 =	sld [smem:$0x3FB0]  }
0x2c: {  	s7 =	sld [smem:$0x3FB1]  }
0x2d: {  	s3 =	simm.s32 $0x108;
	s8 =	sld [smem:$0x3FB2]  }
0x2e: {  	s3 =	simm.s32 @!p0 $0x1082;
	s9 =	sld [smem:$0x3FB3]  }
0x2f: {  	lr =	sadd.s32 s0, s3;
	s0 =	sld [smem:$0x3FAA]  }
0x30: {  	s3 =	sld [smem:$0x3FAD]  }
0x31: {  	[smem:$0x3FB6] =	sst s10  }
0x32: {  	s10 =	sld [smem:$0x3FB4];
	_ =	sdelay $0x3  }
0x33: {  	p0 =	seq.s32 s10, $0x1;
	s10 =	sld [smem:$0x3FB6];
	_ =	sdelay $0x3  }
0x34: {  	[smem:$0x3FB6] =	sst s10  }
0x35: {  	s10 =	sld [smem:$0x3FB5];
	_ =	sdelay $0x3  }
0x36: {  	p1 =	seq.s32 s10, $0x1;
	s10 =	sld [smem:$0x3FB6];
	_ =	sdelay $0x3  }
0x37: {  	[smem:$0x3FB6] =	sst s10  }
0x38: {  	s10 =	sld [smem:$0x3FB7]  }
0x39: {  	_ = 	snop;
	(pc) =	sbr.ind lr, $3  }
0x3a: {  	_ = 	snop  }
0x3b: {  	_ = 	snop  }
0x3c: {  	p2 =	seq.s32 s10, $0x1;
	s10 =	sld [smem:$0x3FB6]  }
0x3d: {  	_ =	shalt  }
0x3e: {  	_ =	shalt  }
0x3f: {  	_ =	shalt  }
0x40: {  	_ =	shalt  }
0x41: {  	_ =	shalt  }
0x42: {  	_ =	shalt  }
0x43: {  	_ =	shalt  }
0x44: {  	_ =	shalt  }
0x45: {  	_ =	shalt  }
0x46: {  	_ =	shalt  }
0x47: {  	_ =	shalt  }
0x48: {  	_ =	shalt  }
0x49: {  	_ =	shalt  }
0x4a: {  	_ =	shalt  }
0x4b: {  	_ =	shalt  }
0x4c: {  	_ =	shalt  }
0x4d: {  	_ =	shalt  }
0x4e: {  	_ =	shalt  }
0x4f: {  	_ =	shalt  }
0x50: {  	_ =	shalt  }
0x51: {  	_ =	shalt  }
0x52: {  	_ =	shalt  }
0x53: {  	_ =	shalt  }
0x54: {  	_ =	shalt  }
0x55: {  	_ =	shalt  }
0x56: {  	_ =	shalt  }
0x57: {  	_ =	shalt  }
0x58: {  	_ =	shalt  }
0x59: {  	_ =	shalt  }
0x5a: {  	_ =	shalt  }
0x5b: {  	_ =	shalt  }
0x5c: {  	_ =	shalt  }
0x5d: {  	_ =	shalt  }
0x5e: {  	_ =	shalt  }
0x5f: {  	_ =	shalt  }
0x60: {  	_ =	shalt  }
0x61: {  	_ =	shalt  }
0x62: {  	_ =	shalt  }
0x63: {  	_ =	shalt  }
0x64: {  	_ =	shalt  }
0x65: {  	_ =	shalt  }
0x66: {  	_ =	shalt  }
0x67: {  	_ =	shalt  }
0x68: {  	_ =	shalt  }
0x69: {  	_ =	shalt  }
0x6a: {  	_ =	shalt  }
0x6b: {  	_ =	shalt  }
0x6c: {  	_ =	shalt  }
0x6d: {  	_ =	shalt  }
0x6e: {  	_ =	shalt  }
0x6f: {  	_ =	shalt  }
0x70: {  	_ =	shalt  }
0x71: {  	_ =	shalt  }
0x72: {  	_ =	shalt  }
0x73: {  	_ =	shalt  }
0x74: {  	_ =	shalt  }
0x75: {  	_ =	shalt  }
0x76: {  	_ =	shalt  }
0x77: {  	_ =	shalt  }
0x78: {  	_ =	shalt  }
0x79: {  	_ =	shalt  }
0x7a: {  	_ =	shalt  }
0x7b: {  	_ =	shalt  }
0x7c: {  	_ =	shalt  }
0x7d: {  	_ =	shalt  }
0x7e: {  	_ =	shalt  }
0x7f: {  	_ =	shalt  }
0x80: {  	_ =	shalt  }
0x81: {  	_ =	shalt  }
0x82: {  	_ =	shalt  }
0x83: {  	_ =	shalt  }
0x84: {  	_ =	shalt  }
0x85: {  	_ =	shalt  }
0x86: {  	_ =	shalt  }
0x87: {  	_ =	shalt  }
.Lfunc_end0:
.L_simem_size_0:
called_computation_lowered:
.L_overlay_start_0:
0x88: {  	s2 =	sld [smem:$0x3FD9]  }
0x89: {  	s3 =	sld [smem:$0x3FFE];
	_ =	sdelay $0x1  }
0x8a: {  	s1 =	srdreg.scid  }
0x8b: {  	s0 =	sand.u32 $0x1, s1  }
0x8c: {  	s17 =	sshll.u32 s0, $0xA;
	s2 =	sadd.s32 s3, s2  }
0x8d: {  	s2 =	sadd.s32 s2, s17  }
0x8e: {  	[smem:$0x3FC2] =	sst s2  }
0x8f: {  	_ = 	snop  }
0x90: {  	s2 =	sld [smem:$0x3FD0];
	(tm) =	ssettm $0x1  }
0x91: {  	s18 =	sld [smem:$0x3FFB];
	_ =	sdelay $0x3  }
0x92: {  	_ =	strace s18  }
0x93: {  	s3 =	sld [smem:$0x3FFC];
	_ =	sdelay $0x3  }
0x94: {  	_ =	strace s3  }
0x95: {  	s3 =	sld [smem:$0x3FFD];
	_ =	sdelay $0x3  }
0x96: {  	_ =	strace s3  }
0x97: {  	_ =	strace $0x8FFFFFFF  }
0x98: {  	s19 =	sld [smem:$0x3FDB];
	_ =	sdelay $0x1  }
0x99: {  	s4 =	simm.s32 $_scs_section_size  }
0x9a: {  	s5 =	simm.s32 $_size__tile_overlayer_lowered;
	s6 =	simm.s32 $_tile_overlayer_lowered  }
0x9b: {  	s22 =	simm.s32 $0x1BFF;
	s21 =	sshll.u32 s6, $0x1;
	s3 =	sadd.s32 s4, s19  }
0x9c: {  	s7 =	simm.s32 $0x0;
	s20 =	sshll.u32 s5, $0x1;
	s5 =	sadd.s32 s21, s3  }
0x9d: {  	[timem:s7], [sflag:s22] =	dma.local [hbm:s5], s20  }
0x9e: {  	_ =	swait.ge [sflag:s22], s20  }
0x9f: {  	s4 =	ssub.s32 $0x0, s20;
	[sflag:s22] =	ssyncset.done $0x0  }
0xa0: {  	[sflag:s22] =	ssyncadd.s32 s4;
	_ =	sdelay $0x1  }
0xa1: {  	s23 =	simm.s32 $0x1B8B  }
0xa2: {  	_ =	swait.ge [sflag:s23], $0x1  }
0xa3: {  	[sflag:s23] =	ssyncset.done $0x0  }
0xa4: {  	s25 =	simm.s32 $0x1B8E;
	s24 =	sld [smem:$0x3FFE];
	[sflag:s23] =	ssyncadd.s32 $0xFFFFFFFF  }
0xa5: {  	s26 =	simm.s32 $execute0_lowered;
	[smem:$0x3FD2] =	sst s25  }
0xa6: {  	s5 =	sshll.u32 s26, $0x1;
	_ =	strace $0x80000046;
	[dreg:$0x1] =	wrdreg $0xFFFFFFFF  }
0xa7: {  	s28 =	simm.s32 $_size_execute0_lowered;
	s3 =	sadd.s32 s3, s5;
	[dreg:$0x0] =	wrdreg $0x0  }
0xa8: {  	s5 =	sshll.u32 s28, $0x1;
	[dreg:$0x2] =	wrdreg s3  }
0xa9: {  	[dreg:$0x3] =	wrdreg s5  }
0xaa: {  	[dreg:$0x4] =	wrdreg $0xC0  }
0xab: {  	_ =	task [dreg:s7], $0x5FFFF  }
0xac: {  	[dreg:$0x1] =	wrdreg $0xFFFFFFFF  }
0xad: {  	[dreg:$0x0] =	wrdreg $0x60  }
0xae: {  	[dreg:$0x2] =	wrdreg s2  }
0xaf: {  	[dreg:$0x3] =	wrdreg s24  }
0xb0: {  	[dreg:$0x4] =	wrdreg $0x9  }
0xb1: {  	_ =	task.clear_ibuf [dreg:s7], $0x5FFFF;
	_ =	strace $0x90000046  }
0xb2: {  	s29 =	simm.s32 $0x9;
	_ =	strace $0x80000048  }
0xb3: {  	_ =	swait.ge [sflag:s29], $0x1  }
0xb4: {  	[sflag:s29] =	ssyncadd.s32 $0xFFFFFFFF  }
0xb5: {  	_ =	strace $0x90000048  }
0xb6: {  	_ =	sfence  }
0xb7: {  	s30 =	sld [smem:$0x0];
	_ =	sdelay $0x2  }
0xb8: {  	s31 =	sshll.u32 s1, $0xD;
	s1 =	sshrl.u32 s1, $0x2  }
0xb9: {  	s3 =	sand.u32 $0x4000, s31;
	s1 =	sadd.s32 s1, s30  }
0xba: {  	s0 =	sor.u32 s3, s0;
	s1 =	sshll.u32 s1, $0x11  }
0xbb: {  	s0 =	sor.u32 s1, s0  }
0xbc: {  	s0 =	sadd.s32 $0x8F2B, s0  }
0xbd: {  	[sflag:s0] =	ssyncadd.remote.s32 $0x1  }
0xbe: {  	_ =	sfence.sel $0xFFFF  }
0xbf: {  	[dreg:$0x0] =	wrdreg $0xFFFFFFFF;
	(pc) =	sbr.abs _section_cstart, $3  }
0xc0: {  	[dreg:$0x1] =	wrdreg $0xFFFFFFFF  }
0xc1: {  	_ =	task.clear_ibuf [dreg:s7], $0x2FFFF;
	_ =	strace $0x9FFFFFFF  }
0xc2: {  	(tm) =	ssettm $0x7FFFFFFF  }
0xc3: {  	_ =	shalt  }
tec
execute0_lowered:
.L_overlay_start_1:
0x0: {  	(tag) =	ssettag $0x1  }
0x1: {  	s1 =	srdreg.scid  }
0x2: {  	s0 =	stileid.u32;
	s4 =	rddreg [dreg:$0x0]  }
0x3: {  	s6 =	rddreg [dreg:$0x1];
	s3 =	sand.u32 $0x1, s1;
	s29 =	sshll.u32 s0, $0x1  }
0x4: {  	s2 =	simm.s32 $0x0;
	s30 =	sshrl.u32 s0, $0x2;
	s5 =	sor.u32 s3, s29  }
0x5: {  	s9 =	simm.s32 $0x400;
	s7 =	smul.u32 $0x13C00, s30;
	s8 =	sshll.u32 s5, $0x7  }
0x6: {  	s10 =	simm.s32 $0x0;
	s1 =	rddreg [dreg:$0x2];
	s8 =	sand.u32 $0x380, s8  }
0x7: {  	[smem:$0x7FF] =	sst s2;
	s3 =	ssub.s32 $0x2, s3;
	s7 =	sor.u32 s7, s8  }
0x8: {  	_ =	strace $0x80000047;
	s5 =	smul.u32 $0x1400, s5;
	s7 =	sshrl.u32 s7, $0x3  }
0x9: {  	s31 =	sshrl.u32 s3, $0x1;
	s8 =	simm.s32 $0x80;
	s6 =	sadd.s32 s7, s6  }
0xa: {  	s7 =	ssub.s32 s3, s31;
	s3 =	sadd.s32 s4, s5;
	s4 =	sadd.s32 $0x8A00, s6  }
0xb: {  	v0 =	vimm.f32 $0.0e+00;
	v1 =	vimm.f32 $1.000000000e+00;
	s5 =	smax.u32 s7, $0x1;
	s6 =	simm.s32 $0x1;
	s7 =	simm.s32 $0xA000  }
.LBB2_1:
0xc: {  	[tilespmem:s2], [sflag:$0x1] =	stream.linear.gather [hbm4b:s3+s2], $0xA000, $0x38;
	[tilespmem:$0xC780] =	vst v63  }
0xd: {  	_ =	swait.ge [sflag:s6], $0xA000  }
0xe: {  	[sflag:s6] =	ssyncset.done $0x0  }
0xf: {  	s11 =	simm.s32 $0x0;
	[sflag:s6] =	ssyncadd.s32 $0xFFFF6000  }
.LBB2_2:
0x10: {  	p0 =	sne.s32 s11, $0x9DC0  }
.Ltmp0:
0x11: {  	_ = 	snop;
	(pc) =	sbr.rel @p0 .LBB2_2-.Ltmp0, $3  }
0x12: {  	_ =	sdelay $0x1  }
0x13: {  	s12 =	sshra.s32 s11, $0x2  }
0x14: {  	s11 =	sadd.s32 $0x40, s11;
	[tilespmem:s12+$0xA000] =	vst v0  }
0x15: {  	s12 =	simm.s32 $0x0;
	s11 =	simm.s32 $0x200  }
.LBB2_4:
0x16: {  	p0 =	sne.s32 s11, $0x27E00;
	v2 =	vld [tilespmem:s12+$0x0];
	_ =	sdelay $0x3  }
.Ltmp1:
0x17: {  	(pc) =	sbr.rel @p0 .LBB2_4-.Ltmp1, $2  }
0x18: {  	_ =	sdelay $0x2  }
0x19: {  	s12 =	sshra.s32 s11, $0x2;
	s11 =	sadd.s32 $0x200, s11;
	[tilespmem:v2+s7+$0x0] =	vst.idx.add.f32.msk $0xffff, v1  }
0x1a: {  	v2 =	vld [tilespmem:s12+$0x0];
	_ =	sdelay $0x5  }
0x1b: {  	s10 =	sadd.s32 $0x1, s10  }
0x1c: {  	p0 =	sne.s32 s10, s5  }
.Ltmp2:
0x1d: {  	[tilespmem:v2+s7+$0x0] =	vst.idx.add.f32.msk $0xffff, v1;
	(pc) =	sbr.rel @p0 .LBB2_1-.Ltmp2, $4  }
0x1e: {  	[hbm4b:s4+s8] =	stream.strided.scatter [tilespmem:s7], [sflag:$0x1], $0x2780, s9, s8, $0x38;
	[tilespmem:$0xC780] =	vst v63  }
0x1f: {  	_ =	swait.ge [sflag:s6], $0x2780  }
0x20: {  	[sflag:s6] =	ssyncset.done $0x0  }
0x21: {  	[sflag:s6] =	ssyncadd.s32 $0xFFFFD880  }
0x22: {  	_ =	sfence.sel $0x180000  }
0x23: {  	[bflag:$0x0] =	sbarrier.arrive $0xFFFF  }
0x24: {  	p0 =	sne.s32 s0, $0x0;
	_ =	strace $0x90000047  }
0x25: {  	s0 =	sadd.s32 @!p0 $0x100000, s1;
	[bflag:$0x2] =	sbarrier.arrive $0xFFFF  }
0x26: {  	[sflag:s0] =	ssyncadd.tile.s32 @!p0 $0x1;
	_ =	shalt  }
.Lfunc_end2:
_tile_overlayer_lowered:
.L_overlay_start_2:
0x27: {  	(tag) =	ssettag $0x2  }
0x28: {  	s0 =	rddreg [dreg:$0x0];
	s2 =	stileid.u32  }
0x29: {  	s1 =	rddreg [dreg:$0x1];
	p0 =	sne.s32 s2, $0x0  }
0x2a: {  	s3 =	rddreg [dreg:$0x2];
	[bflag:$0x3] =	sbarrier.arrive $0xFFFF;
	s2 =	simm.s32 @!p0 $0x1C01  }
0x2b: {  	[timem:s3], [sflag:s2] =	dma.local @!p0 [hbm:s0], s1  }
0x2c: {  	s0 =	simm.s32 @!p0 $0x1  }
0x2d: {  	_ =	swait.ge @!p0 [sflag:s0], s1  }
0x2e: {  	s1 =	ssub.s32 @!p0 $0x0, s1;
	[sflag:s0] =	ssyncset.done @!p0 $0x0  }
0x2f: {  	[sflag:s0] =	ssyncadd.s32 @!p0 s1  }
0x30: {  	[bflag:$0x3] =	sbarrier.arrive $0xFFFF  }
0x31: {  	_ =	shalt  }

</sc_bundles>
